<compile_context>
chip_gen: v7x
topology: tpu7x:2x2x1
jax: 0.10.2.dev20260603
libtpu: 0.0.44.dev20260713+nightly
codegen_flags: <defaults>
</compile_context>

<pallas_src>
import functools

import numpy as np

import jax
import jax.numpy as jnp
from jax import lax
from jax.experimental import pallas as pl
from jax.experimental.pallas import tpu as pltpu
from jax.experimental.pallas import tpu_sc as plsc

_NW = 32
_CHUNK = 32
_LW = 128
_VB = 2048


def _tc_project(tTs, bds, V, EMB):
    n_t = len(tTs)
    n_p = n_t // 2
    bf16 = jnp.bfloat16
    f32 = jnp.float32

    def body(*refs):
        t_refs = refs[:n_t]
        b_refs = refs[n_t:n_t + n_p]
        o_refs = refs[n_t + n_p:]
        for p in range(n_p):
            lhs = jnp.concatenate(
                [t_refs[2 * p][...], t_refs[2 * p + 1][...]],
                axis=0).astype(bf16)
            o_refs[p][...] = lax.dot_general(
                lhs, b_refs[p][...], (((0,), (0,)), ((), ())),
                preferred_element_type=f32)

    grid = (pl.cdiv(V, _VB),)
    in_specs = (
        [pl.BlockSpec((t.shape[0], _VB), lambda i: (0, i)) for t in tTs]
        + [pl.BlockSpec(b.shape, lambda i: (0, 0)) for b in bds]
    )
    out_specs = [pl.BlockSpec((_VB, _LW), lambda i: (i, 0))
                 for _ in range(n_p)]
    return pl.pallas_call(
        body,
        grid=grid,
        in_specs=in_specs,
        out_specs=out_specs,
        out_shape=[jax.ShapeDtypeStruct((V, _LW), jnp.float32)
                   for _ in range(n_p)],
        compiler_params=pltpu.CompilerParams(
            vmem_limit_bytes=100 * 1024 * 1024),
    )(*tTs, *bds)


def _sc_gather(XiW, pairs, B, C):
    n_p = len(pairs)
    n_t = 2 * n_p
    mesh = plsc.VectorSubcoreMesh(core_axis_name="c", subcore_axis_name="s")
    scratch = [
        pltpu.VMEM((n_t, _CHUNK), jnp.int32),
        pltpu.VMEM((_CHUNK, n_t * _LW), jnp.float32),
        pltpu.SemaphoreType.DMA,
        pltpu.SemaphoreType.DMA,
        pltpu.SemaphoreType.DMA,
    ]

    nh = n_t // 2 * _LW

    def body(xiw_hbm, *refs):
        tabs = refs[:n_p]
        out_hbm = refs[n_p]
        idx_v = refs[n_p + 1]
        packed = refs[n_p + 2]
        sem_i, sem_g, sem_o = refs[n_p + 3:]
        w = lax.axis_index("s") * 2 + lax.axis_index("c")

        def _half(c, h):
            base = w * (C * _CHUNK) + c * _CHUNK
            lo = n_t // 2 * h
            gs = [pltpu.async_copy(
                tabs[i // 2].at[idx_v.at[i]],
                packed.at[:, pl.ds(i * _LW, _LW)],
                sem_g) for i in range(lo, lo + n_t // 2)]
            for g in gs:
                g.wait()
            return pltpu.async_copy(
                packed.at[:, pl.ds(nh * h, nh)],
                out_hbm.at[pl.ds(base, _CHUNK), pl.ds(nh * h, nh)],
                sem_o)

        @pl.loop(0, C)
        def _(c):
            pltpu.async_copy(xiw_hbm.at[w, c], idx_v, sem_i).wait()
            @pl.when(c > 0)
            def _():
                pltpu.make_async_copy(
                    packed.at[:, pl.ds(0, nh)],
                    out_hbm.at[pl.ds(0, _CHUNK), pl.ds(0, nh)],
                    sem_o).wait()
                pltpu.make_async_copy(
                    packed.at[:, pl.ds(0, nh)],
                    out_hbm.at[pl.ds(0, _CHUNK), pl.ds(0, nh)],
                    sem_o).wait()
            _half(c, 0)
            _half(c, 1)

        pltpu.make_async_copy(
            packed.at[:, pl.ds(0, nh)],
            out_hbm.at[pl.ds(0, _CHUNK), pl.ds(0, nh)], sem_o).wait()
        pltpu.make_async_copy(
            packed.at[:, pl.ds(0, nh)],
            out_hbm.at[pl.ds(0, _CHUNK), pl.ds(0, nh)], sem_o).wait()

    kern = pl.kernel(
        body,
        out_type=jax.ShapeDtypeStruct((B, n_t * _LW), jnp.float32),
        mesh=mesh,
        scratch_types=scratch,
    )
    return kern(XiW, *pairs)


def _tc_dense(G, Xv, bws, bbs, a1, tb1, w2, tb2, w3, tb3, w4, tb4, B, NF,
              EMB):
    BT = 512
    bf16 = jnp.bfloat16
    f32 = jnp.float32
    n1 = NF + 1
    GW = G.shape[1]

    def body(g_ref, xv_ref, bw1_ref, bw2_ref, bw3_ref,
             bb1_ref, bb2_ref, bb3_ref, a1_ref, tb1_ref, w2_ref, tb2_ref,
             w3_ref, tb3_ref, w4_ref, tb4_ref, out_ref):
        h = xv_ref[...].astype(bf16)
        h = jnp.maximum(jnp.dot(h, bw1_ref[...], preferred_element_type=f32)
                        + bb1_ref[...], 0.0)
        h = jnp.maximum(jnp.dot(h.astype(bf16), bw2_ref[...],
                                preferred_element_type=f32) + bb2_ref[...], 0.0)
        h = jnp.maximum(jnp.dot(h.astype(bf16), bw3_ref[...],
                                preferred_element_type=f32) + bb3_ref[...], 0.0)
        g = g_ref[...]
        embs = [g[:, i * _LW + (i % 2) * EMB: i * _LW + (i % 2) * EMB + EMB]
                for i in range(NF)]
        t = jnp.concatenate([h] + embs, axis=1).astype(bf16)
        t3 = t.reshape(BT, n1, EMB)
        z3 = lax.dot_general(t3, t3, (((2,), (2,)), ((0,), (0,))),
                             preferred_element_type=f32)
        zr = z3.reshape(BT, n1 * n1).astype(bf16)
        x1 = jnp.concatenate([h.astype(bf16), zr], axis=1)
        y = jnp.maximum(jnp.dot(x1, a1_ref[...], preferred_element_type=f32)
                        + tb1_ref[...], 0.0)
        y = jnp.maximum(jnp.dot(y.astype(bf16), w2_ref[...],
                                preferred_element_type=f32) + tb2_ref[...], 0.0)
        y = jnp.maximum(jnp.dot(y.astype(bf16), w3_ref[...],
                                preferred_element_type=f32) + tb3_ref[...], 0.0)
        y = jnp.dot(y.astype(bf16), w4_ref[...], preferred_element_type=f32) \
            + tb4_ref[...]
        out_ref[...] = jax.nn.sigmoid(y)

    grid = (B // BT,)
    full = lambda a: pl.BlockSpec(a.shape, lambda i: (0,) * a.ndim)
    in_specs = [
        pl.BlockSpec((BT, GW), lambda i: (i, 0)),
        pl.BlockSpec((BT, Xv.shape[1]), lambda i: (i, 0)),
        full(bws[0]), full(bws[1]), full(bws[2]),
        full(bbs[0]), full(bbs[1]), full(bbs[2]),
        full(a1), full(tb1), full(w2), full(tb2), full(w3), full(tb3),
        full(w4), full(tb4),
    ]
    out_spec = pl.BlockSpec((BT, 1), lambda i: (i, 0))
    return pl.pallas_call(
        body,
        grid=grid,
        in_specs=in_specs,
        out_specs=out_spec,
        out_shape=jax.ShapeDtypeStruct((B, 1), jnp.float32),
    )(G, Xv, *bws, *bbs, a1, tb1, w2, tb2, w3, tb3, w4, tb4)


def kernel(Xi, Xv, tables, projs, bot_w, bot_b, top_w, top_b):
    B, NF = Xi.shape
    V = tables[0].shape[0]
    EMB = projs[0].shape[0]
    n1 = NF + 1
    C = B // (_NW * _CHUNK)

    XiW = Xi.T.reshape(NF, _NW, C, _CHUNK).transpose(1, 2, 0, 3)
    tTs = [t.T for t in tables]

    bf16 = jnp.bfloat16
    bds = []
    for p in range(NF // 2):
        ma = tables[2 * p].shape[1]
        mb = tables[2 * p + 1].shape[1]
        bd = jnp.zeros((ma + mb, 2 * EMB), dtype=bf16)
        bd = bd.at[:ma, :EMB].set(projs[2 * p].T.astype(bf16))
        bd = bd.at[ma:, EMB:].set(projs[2 * p + 1].T.astype(bf16))
        bds.append(bd)
    bws = [w.T.astype(bf16) for w in bot_w]
    bbs = [b.reshape(1, -1) for b in bot_b]

    W1 = top_w[0]
    li, lj = np.tril_indices(n1, -1)
    rowidx = jnp.asarray(li * n1 + lj, dtype=jnp.int32)
    a_gram = jnp.zeros((n1 * n1, W1.shape[0]), dtype=jnp.float32)
    a_gram = a_gram.at[rowidx].set(W1[:, EMB:].T)
    a1 = jnp.concatenate([W1[:, :EMB].T, a_gram], axis=0).astype(bf16)
    tb1 = top_b[0].reshape(1, -1)
    w2 = top_w[1].T.astype(bf16)
    tb2 = top_b[1].reshape(1, -1)
    w3 = top_w[2].T.astype(bf16)
    tb3 = top_b[2].reshape(1, -1)
    w4 = top_w[3].T.astype(bf16)
    tb4 = top_b[3].reshape(1, -1)

    pairs = _tc_project(tTs, bds, V, EMB)
    G = _sc_gather(XiW, pairs, B, C)
    return _tc_dense(G, Xv, bws, bbs, a1, tb1, w2, tb2, w3, tb3, w4, tb4,
                     B, NF, EMB)

# --- scband reference (transcript-rebuilt; emitter-appended) ---
"""Pipeline reference for scband-dlrm-20779051778720 (READ-ONLY COPY).

The authoritative reference and input builder live on the scoring server;
editing this copy changes nothing except your own understanding.
"""

import jax, jax.numpy as jnp
import numpy as np

MD = [11, 32, 1, 8, 10, 28, 26, 10, 30, 18, 34, 7, 37, 39, 24, 5, 47, 27, 33, 30, 1, 29, 45, 14, 24, 17]
VOCAB = 100000
B = 16384
NUM = 13
EMB = 64
BOT = [512, 256, 64]
NFIELDS = 26
INTER = NFIELDS * (NFIELDS + 1) // 2  # 351 pairs among 27 vectors (dense + 26 embs), i>j
TOP_IN = INTER + EMB  # 415
TOP = [1024, 512, 256, 1]


def _xavier(rng, shape):
    fan_out, fan_in = shape[0], shape[1]
    a = np.sqrt(6.0 / (fan_in + fan_out))
    return jnp.asarray(rng.uniform(-a, a, size=shape), dtype=jnp.float32)


def setup_inputs(seed: int = 0) -> dict:
    key = jax.random.key(seed)
    k1, k2 = jax.random.split(key)
    Xi = jax.random.randint(k1, (B, NFIELDS), 0, VOCAB, dtype=jnp.int32)
    Xv = jax.random.normal(k2, (B, NUM), dtype=jnp.float32)
    rng = np.random.default_rng(0)
    tables = [_xavier(rng, (VOCAB, m)) for m in MD]
    projs = [_xavier(rng, (EMB, m)) for m in MD]  # nn.Linear(m, 64, bias=False).weight
    bot_dims = [NUM] + BOT
    bot_w = [_xavier(rng, (bot_dims[i + 1], bot_dims[i])) for i in range(len(BOT))]
    bot_b = [jnp.zeros((d,), dtype=jnp.float32) for d in BOT]
    top_dims = [TOP_IN] + TOP
    top_w = [_xavier(rng, (top_dims[i + 1], top_dims[i])) for i in range(len(TOP))]
    top_b = [jnp.zeros((d,), dtype=jnp.float32) for d in TOP]
    return {"Xi": Xi, "Xv": Xv, "tables": tables, "projs": projs,
            "bot_w": bot_w, "bot_b": bot_b, "top_w": top_w, "top_b": top_b}


def reference(Xi, Xv, tables, projs, bot_w, bot_b, top_w, top_b):
    # Embedding lookup per sparse field (EmbeddingBag sum with bag size 1 == plain gather),
    # then projection of each mixed-dim embedding up to the base dim (interaction_op='dot').
    embs = [jnp.take(tables[i], Xi[:, i], axis=0) @ projs[i].T for i in range(NFIELDS)]
    # Bottom MLP over dense/numerical features (relu activations).
    h = Xv
    for w, b in zip(bot_w, bot_b):
        h = jax.nn.relu(h @ w.T + b)
    # Dot interactions among [dense_out] + 26 projected embeddings.
    T = jnp.stack([h] + embs, axis=1)  # [B, 27, 64]
    Z = jnp.einsum('bnd,bmd->bnm', T, T)  # [B, 27, 27]
    li, lj = np.tril_indices(NFIELDS + 1, -1)
    inter = Z[:, li, lj]  # [B, 351]
    x = jnp.concatenate([h, inter], axis=1)  # [B, 415]
    # Top MLP, final sigmoid (logloss head, n_class=1).
    for w, b in zip(top_w[:-1], top_b[:-1]):
        x = jax.nn.relu(x @ w.T + b)
    out = jax.nn.sigmoid(x @ top_w[-1].T + top_b[-1])
    return out

if __name__ == "__main__":
    import jax
    _d = setup_inputs()
    print(jax.jit(kernel)(*tuple(_d.values())))

</pallas_src>

<mosaic_0001>
#map = affine_map<(d0, d1) -> (0, 0, 0, 0)>
#map1 = affine_map<(d0, d1) -> (0, 0)>
module attributes {stable_mosaic.version = 14 : i64} {
  func.func @body(%arg0: i32, %arg1: i32, %arg2: memref<32x16x26x32xi32, #tpu.memory_space<hbm>>, %arg3: memref<100000x128xf32, #tpu.memory_space<hbm>>, %arg4: memref<100000x128xf32, #tpu.memory_space<hbm>>, %arg5: memref<100000x128xf32, #tpu.memory_space<hbm>>, %arg6: memref<100000x128xf32, #tpu.memory_space<hbm>>, %arg7: memref<100000x128xf32, #tpu.memory_space<hbm>>, %arg8: memref<100000x128xf32, #tpu.memory_space<hbm>>, %arg9: memref<100000x128xf32, #tpu.memory_space<hbm>>, %arg10: memref<100000x128xf32, #tpu.memory_space<hbm>>, %arg11: memref<100000x128xf32, #tpu.memory_space<hbm>>, %arg12: memref<100000x128xf32, #tpu.memory_space<hbm>>, %arg13: memref<100000x128xf32, #tpu.memory_space<hbm>>, %arg14: memref<100000x128xf32, #tpu.memory_space<hbm>>, %arg15: memref<100000x128xf32, #tpu.memory_space<hbm>>, %arg16: memref<16384x3328xf32, #tpu.memory_space<hbm>>, %arg17: memref<26x32xi32, #tpu.memory_space<vmem>>, %arg18: memref<32x3328xf32, #tpu.memory_space<vmem>>, %arg19: memref<!tpu.dma_semaphore, #tpu.memory_space<semaphore_mem>>, %arg20: memref<!tpu.dma_semaphore, #tpu.memory_space<semaphore_mem>>, %arg21: memref<!tpu.dma_semaphore, #tpu.memory_space<semaphore_mem>>) attributes {dimension_semantics = [#tpu.dimension_semantics<core_parallel>, #tpu.dimension_semantics<subcore_parallel>], iteration_bounds = array<i64: 2, 16>, scalar_prefetch = 0 : i64, scratch_operands = 5 : i64, tpu.core_type = #tpu.core_type<sc_vector_subcore>, window_params = [{transform_indices = #map}, {transform_indices = #map1}, {transform_indices = #map1}, {transform_indices = #map1}, {transform_indices = #map1}, {transform_indices = #map1}, {transform_indices = #map1}, {transform_indices = #map1}, {transform_indices = #map1}, {transform_indices = #map1}, {transform_indices = #map1}, {transform_indices = #map1}, {transform_indices = #map1}, {transform_indices = #map1}, {transform_indices = #map1}]} {
    %mul3A = arith.constant 2 : i32
    %mul3A_0 = arith.muli %arg1, %mul3A : i32
    %add3A = arith.addi %mul3A_0, %arg0 : i32
    %scan3A = arith.constant 0 : i32
    %scan3A_1 = arith.constant 16 : i32
    %scan3A_2 = arith.addi %scan3A, %scan3A_1 : i32
    %scan3A_3 = arith.constant 1 : i32
    scf.for %scan3A_28 = %scan3A to %scan3A_2 step %scan3A_3  : i32 {
      %mul3A_29 = arith.constant 1 : i32
      %mul3A_30 = arith.muli %scan3A_28, %mul3A_29 : i32
      %add3A_31 = arith.constant 0 : i32
      %add3A_32 = arith.addi %add3A_31, %mul3A_30 : i32
      %dma_start3A = arith.constant 0 : i32
      %dma_start3A_33 = arith.constant 0 : i32
      %dma_start3A_34 = tpu.memref_slice %arg2[%add3A, %add3A_32, %dma_start3A, %dma_start3A_33] : memref<32x16x26x32xi32, #tpu.memory_space<hbm>> -> memref<1x1x26x32xi32, #tpu.memory_space<hbm>>
      %dma_start3A_35 = tpu.memref_squeeze %dma_start3A_34 : memref<1x1x26x32xi32, #tpu.memory_space<hbm>> -> memref<26x32xi32, #tpu.memory_space<hbm>>
      %dma_start3A_36 = arith.constant 0 : i32
      %dma_start3A_37 = arith.constant 0 : i32
      %dma_start3A_38 = tpu.memref_slice %arg2[%add3A, %add3A_32, %dma_start3A_36, %dma_start3A_37] : memref<32x16x26x32xi32, #tpu.memory_space<hbm>> -> memref<1x1x26x32xi32, #tpu.memory_space<hbm>>
      %dma_start3A_39 = tpu.memref_squeeze %dma_start3A_38 : memref<1x1x26x32xi32, #tpu.memory_space<hbm>> -> memref<26x32xi32, #tpu.memory_space<hbm>>
      tpu.enqueue_dma source(%dma_start3A_39 : memref<26x32xi32, #tpu.memory_space<hbm>>) target(%arg17 : memref<26x32xi32, #tpu.memory_space<vmem>>) target_semaphore(%arg19 : memref<!tpu.dma_semaphore, #tpu.memory_space<semaphore_mem>>)
      %dma_wait3A_40 = arith.constant 0 : i32
      %dma_wait3A_41 = arith.constant 0 : i32
      %dma_wait3A_42 = tpu.memref_slice %arg2[%add3A, %add3A_32, %dma_wait3A_40, %dma_wait3A_41] : memref<32x16x26x32xi32, #tpu.memory_space<hbm>> -> memref<1x1x26x32xi32, #tpu.memory_space<hbm>>
      %dma_wait3A_43 = tpu.memref_squeeze %dma_wait3A_42 : memref<1x1x26x32xi32, #tpu.memory_space<hbm>> -> memref<26x32xi32, #tpu.memory_space<hbm>>
      %dma_wait3A_44 = arith.constant 0 : i32
      %dma_wait3A_45 = arith.constant 0 : i32
      %dma_wait3A_46 = tpu.memref_slice %arg2[%add3A, %add3A_32, %dma_wait3A_44, %dma_wait3A_45] : memref<32x16x26x32xi32, #tpu.memory_space<hbm>> -> memref<1x1x26x32xi32, #tpu.memory_space<hbm>>
      %dma_wait3A_47 = tpu.memref_squeeze %dma_wait3A_46 : memref<1x1x26x32xi32, #tpu.memory_space<hbm>> -> memref<26x32xi32, #tpu.memory_space<hbm>>
      tpu.wait_dma2 semaphore(%arg19 : memref<!tpu.dma_semaphore, #tpu.memory_space<semaphore_mem>>) src(%dma_wait3A_47 : memref<26x32xi32, #tpu.memory_space<hbm>>) dst(%arg17 : memref<26x32xi32, #tpu.memory_space<vmem>>)
      %gt3A = arith.constant 0 : i32
      %gt3A_48 = arith.cmpi sgt, %add3A_32, %gt3A : i32
      %convert_element_type3A = arith.extui %gt3A_48 : i1 to i32
      %cond3A = arith.constant 0 : i32
      %cond3A_49 = arith.cmpi ne, %convert_element_type3A, %cond3A : i32
      scf.if %cond3A_49 {
        %dma_wait3A_600 = arith.constant 0 : i32
        %dma_wait3A_601 = arith.constant 0 : i32
        %dma_wait3A_602 = tpu.memref_slice %arg18[%dma_wait3A_600, %dma_wait3A_601] : memref<32x3328xf32, #tpu.memory_space<vmem>> -> memref<32x1664xf32, #tpu.memory_space<vmem>>
        %dma_wait3A_603 = arith.constant 0 : i32
        %dma_wait3A_604 = arith.constant 0 : i32
        %dma_wait3A_605 = tpu.memref_slice %arg16[%dma_wait3A_603, %dma_wait3A_604] : memref<16384x3328xf32, #tpu.memory_space<hbm>> -> memref<32x1664xf32, #tpu.memory_space<hbm>>
        %dma_wait3A_606 = arith.constant 0 : i32
        %dma_wait3A_607 = arith.constant 0 : i32
        %dma_wait3A_608 = tpu.memref_slice %arg16[%dma_wait3A_606, %dma_wait3A_607] : memref<16384x3328xf32, #tpu.memory_space<hbm>> -> memref<32x1664xf32, #tpu.memory_space<hbm>>
        %dma_wait3A_609 = arith.constant 0 : i32
        %dma_wait3A_610 = arith.constant 0 : i32
        %dma_wait3A_611 = tpu.memref_slice %arg18[%dma_wait3A_609, %dma_wait3A_610] : memref<32x3328xf32, #tpu.memory_space<vmem>> -> memref<32x1664xf32, #tpu.memory_space<vmem>>
        tpu.wait_dma2 semaphore(%arg21 : memref<!tpu.dma_semaphore, #tpu.memory_space<semaphore_mem>>) src(%dma_wait3A_611 : memref<32x1664xf32, #tpu.memory_space<vmem>>) dst(%dma_wait3A_608 : memref<32x1664xf32, #tpu.memory_space<hbm>>)
        %dma_wait3A_612 = arith.constant 0 : i32
        %dma_wait3A_613 = arith.constant 0 : i32
        %dma_wait3A_614 = tpu.memref_slice %arg18[%dma_wait3A_612, %dma_wait3A_613] : memref<32x3328xf32, #tpu.memory_space<vmem>> -> memref<32x1664xf32, #tpu.memory_space<vmem>>
        %dma_wait3A_615 = arith.constant 0 : i32
        %dma_wait3A_616 = arith.constant 0 : i32
        %dma_wait3A_617 = tpu.memref_slice %arg16[%dma_wait3A_615, %dma_wait3A_616] : memref<16384x3328xf32, #tpu.memory_space<hbm>> -> memref<32x1664xf32, #tpu.memory_space<hbm>>
        %dma_wait3A_618 = arith.constant 0 : i32
        %dma_wait3A_619 = arith.constant 0 : i32
        %dma_wait3A_620 = tpu.memref_slice %arg16[%dma_wait3A_618, %dma_wait3A_619] : memref<16384x3328xf32, #tpu.memory_space<hbm>> -> memref<32x1664xf32, #tpu.memory_space<hbm>>
        %dma_wait3A_621 = arith.constant 0 : i32
        %dma_wait3A_622 = arith.constant 0 : i32
        %dma_wait3A_623 = tpu.memref_slice %arg18[%dma_wait3A_621, %dma_wait3A_622] : memref<32x3328xf32, #tpu.memory_space<vmem>> -> memref<32x1664xf32, #tpu.memory_space<vmem>>
        tpu.wait_dma2 semaphore(%arg21 : memref<!tpu.dma_semaphore, #tpu.memory_space<semaphore_mem>>) src(%dma_wait3A_623 : memref<32x1664xf32, #tpu.memory_space<vmem>>) dst(%dma_wait3A_620 : memref<32x1664xf32, #tpu.memory_space<hbm>>)
      } else {
      }
      %mul3A_50 = arith.constant 512 : i32
      %mul3A_51 = arith.muli %add3A, %mul3A_50 : i32
      %mul3A_52 = arith.constant 32 : i32
      %mul3A_53 = arith.muli %add3A_32, %mul3A_52 : i32
      %add3A_54 = arith.addi %mul3A_51, %mul3A_53 : i32
      %dma_start3A_55 = arith.constant 0 : i32
      %dma_start3A_56 = arith.constant 0 : i32
      %dma_start3A_57 = arith.constant 0 : i32
      %dma_start3A_58 = tpu.memref_slice %arg18[%dma_start3A_56, %dma_start3A_57] : memref<32x3328xf32, #tpu.memory_space<vmem>> -> memref<32x128xf32, #tpu.memory_space<vmem>>
      %dma_start3A_59 = arith.constant 0 : i32
      %dma_start3A_60 = tpu.memref_slice %arg17[%dma_start3A_55, %dma_start3A_59] : memref<26x32xi32, #tpu.memory_space<vmem>> -> memref<1x32xi32, #tpu.memory_space<vmem>>
      %dma_start3A_61 = tpu.memref_squeeze %dma_start3A_60 : memref<1x32xi32, #tpu.memory_space<vmem>> -> memref<32xi32, #tpu.memory_space<vmem>>
      %dma_start3A_62 = arith.constant 0 : i32
      %dma_start3A_63 = arith.constant 0 : i32
      %dma_start3A_64 = tpu.memref_slice %arg3[%dma_start3A_62, %dma_start3A_63] : memref<100000x128xf32, #tpu.memory_space<hbm>> -> memref<100000x128xf32, #tpu.memory_space<hbm>>
      tpu.enqueue_indirect_dma source(%dma_start3A_64 : memref<100000x128xf32, #tpu.memory_space<hbm>>) target(%dma_start3A_58 : memref<32x128xf32, #tpu.memory_space<vmem>>) offsets(%dma_start3A_61 : memref<32xi32, #tpu.memory_space<vmem>>) semaphore(%arg20 : memref<!tpu.dma_semaphore, #tpu.memory_space<semaphore_mem>>)
      %dma_start3A_65 = arith.constant 1 : i32
      %dma_start3A_66 = arith.constant 0 : i32
      %dma_start3A_67 = arith.constant 128 : i32
      %dma_start3A_68 = tpu.memref_slice %arg18[%dma_start3A_66, %dma_start3A_67] : memref<32x3328xf32, #tpu.memory_space<vmem>> -> memref<32x128xf32, #tpu.memory_space<vmem>>
      %dma_start3A_69 = arith.constant 0 : i32
      %dma_start3A_70 = tpu.memref_slice %arg17[%dma_start3A_65, %dma_start3A_69] : memref<26x32xi32, #tpu.memory_space<vmem>> -> memref<1x32xi32, #tpu.memory_space<vmem>>
      %dma_start3A_71 = tpu.memref_squeeze %dma_start3A_70 : memref<1x32xi32, #tpu.memory_space<vmem>> -> memref<32xi32, #tpu.memory_space<vmem>>
      %dma_start3A_72 = arith.constant 0 : i32
      %dma_start3A_73 = arith.constant 0 : i32
      %dma_start3A_74 = tpu.memref_slice %arg3[%dma_start3A_72, %dma_start3A_73] : memref<100000x128xf32, #tpu.memory_space<hbm>> -> memref<100000x128xf32, #tpu.memory_space<hbm>>
      tpu.enqueue_indirect_dma source(%dma_start3A_74 : memref<100000x128xf32, #tpu.memory_space<hbm>>) target(%dma_start3A_68 : memref<32x128xf32, #tpu.memory_space<vmem>>) offsets(%dma_start3A_71 : memref<32xi32, #tpu.memory_space<vmem>>) semaphore(%arg20 : memref<!tpu.dma_semaphore, #tpu.memory_space<semaphore_mem>>)
      %dma_start3A_75 = arith.constant 2 : i32
      %dma_start3A_76 = arith.constant 0 : i32
      %dma_start3A_77 = arith.constant 256 : i32
      %dma_start3A_78 = tpu.memref_slice %arg18[%dma_start3A_76, %dma_start3A_77] : memref<32x3328xf32, #tpu.memory_space<vmem>> -> memref<32x128xf32, #tpu.memory_space<vmem>>
      %dma_start3A_79 = arith.constant 0 : i32
      %dma_start3A_80 = tpu.memref_slice %arg17[%dma_start3A_75, %dma_start3A_79] : memref<26x32xi32, #tpu.memory_space<vmem>> -> memref<1x32xi32, #tpu.memory_space<vmem>>
      %dma_start3A_81 = tpu.memref_squeeze %dma_start3A_80 : memref<1x32xi32, #tpu.memory_space<vmem>> -> memref<32xi32, #tpu.memory_space<vmem>>
      %dma_start3A_82 = arith.constant 0 : i32
      %dma_start3A_83 = arith.constant 0 : i32
      %dma_start3A_84 = tpu.memref_slice %arg4[%dma_start3A_82, %dma_start3A_83] : memref<100000x128xf32, #tpu.memory_space<hbm>> -> memref<100000x128xf32, #tpu.memory_space<hbm>>
      tpu.enqueue_indirect_dma source(%dma_start3A_84 : memref<100000x128xf32, #tpu.memory_space<hbm>>) target(%dma_start3A_78 : memref<32x128xf32, #tpu.memory_space<vmem>>) offsets(%dma_start3A_81 : memref<32xi32, #tpu.memory_space<vmem>>) semaphore(%arg20 : memref<!tpu.dma_semaphore, #tpu.memory_space<semaphore_mem>>)
      %dma_start3A_85 = arith.constant 3 : i32
      %dma_start3A_86 = arith.constant 0 : i32
      %dma_start3A_87 = arith.constant 384 : i32
      %dma_start3A_88 = tpu.memref_slice %arg18[%dma_start3A_86, %dma_start3A_87] : memref<32x3328xf32, #tpu.memory_space<vmem>> -> memref<32x128xf32, #tpu.memory_space<vmem>>
      %dma_start3A_89 = arith.constant 0 : i32
      %dma_start3A_90 = tpu.memref_slice %arg17[%dma_start3A_85, %dma_start3A_89] : memref<26x32xi32, #tpu.memory_space<vmem>> -> memref<1x32xi32, #tpu.memory_space<vmem>>
      %dma_start3A_91 = tpu.memref_squeeze %dma_start3A_90 : memref<1x32xi32, #tpu.memory_space<vmem>> -> memref<32xi32, #tpu.memory_space<vmem>>
      %dma_start3A_92 = arith.constant 0 : i32
      %dma_start3A_93 = arith.constant 0 : i32
      %dma_start3A_94 = tpu.memref_slice %arg4[%dma_start3A_92, %dma_start3A_93] : memref<100000x128xf32, #tpu.memory_space<hbm>> -> memref<100000x128xf32, #tpu.memory_space<hbm>>
      tpu.enqueue_indirect_dma source(%dma_start3A_94 : memref<100000x128xf32, #tpu.memory_space<hbm>>) target(%dma_start3A_88 : memref<32x128xf32, #tpu.memory_space<vmem>>) offsets(%dma_start3A_91 : memref<32xi32, #tpu.memory_space<vmem>>) semaphore(%arg20 : memref<!tpu.dma_semaphore, #tpu.memory_space<semaphore_mem>>)
      %dma_start3A_95 = arith.constant 4 : i32
      %dma_start3A_96 = arith.constant 0 : i32
      %dma_start3A_97 = arith.constant 512 : i32
      %dma_start3A_98 = tpu.memref_slice %arg18[%dma_start3A_96, %dma_start3A_97] : memref<32x3328xf32, #tpu.memory_space<vmem>> -> memref<32x128xf32, #tpu.memory_space<vmem>>
      %dma_start3A_99 = arith.constant 0 : i32
      %dma_start3A_100 = tpu.memref_slice %arg17[%dma_start3A_95, %dma_start3A_99] : memref<26x32xi32, #tpu.memory_space<vmem>> -> memref<1x32xi32, #tpu.memory_space<vmem>>
      %dma_start3A_101 = tpu.memref_squeeze %dma_start3A_100 : memref<1x32xi32, #tpu.memory_space<vmem>> -> memref<32xi32, #tpu.memory_space<vmem>>
      %dma_start3A_102 = arith.constant 0 : i32
      %dma_start3A_103 = arith.constant 0 : i32
      %dma_start3A_104 = tpu.memref_slice %arg5[%dma_start3A_102, %dma_start3A_103] : memref<100000x128xf32, #tpu.memory_space<hbm>> -> memref<100000x128xf32, #tpu.memory_space<hbm>>
      tpu.enqueue_indirect_dma source(%dma_start3A_104 : memref<100000x128xf32, #tpu.memory_space<hbm>>) target(%dma_start3A_98 : memref<32x128xf32, #tpu.memory_space<vmem>>) offsets(%dma_start3A_101 : memref<32xi32, #tpu.memory_space<vmem>>) semaphore(%arg20 : memref<!tpu.dma_semaphore, #tpu.memory_space<semaphore_mem>>)
      %dma_start3A_105 = arith.constant 5 : i32
      %dma_start3A_106 = arith.constant 0 : i32
      %dma_start3A_107 = arith.constant 640 : i32
      %dma_start3A_108 = tpu.memref_slice %arg18[%dma_start3A_106, %dma_start3A_107] : memref<32x3328xf32, #tpu.memory_space<vmem>> -> memref<32x128xf32, #tpu.memory_space<vmem>>
      %dma_start3A_109 = arith.constant 0 : i32
      %dma_start3A_110 = tpu.memref_slice %arg17[%dma_start3A_105, %dma_start3A_109] : memref<26x32xi32, #tpu.memory_space<vmem>> -> memref<1x32xi32, #tpu.memory_space<vmem>>
      %dma_start3A_111 = tpu.memref_squeeze %dma_start3A_110 : memref<1x32xi32, #tpu.memory_space<vmem>> -> memref<32xi32, #tpu.memory_space<vmem>>
      %dma_start3A_112 = arith.constant 0 : i32
      %dma_start3A_113 = arith.constant 0 : i32
      %dma_start3A_114 = tpu.memref_slice %arg5[%dma_start3A_112, %dma_start3A_113] : memref<100000x128xf32, #tpu.memory_space<hbm>> -> memref<100000x128xf32, #tpu.memory_space<hbm>>
      tpu.enqueue_indirect_dma source(%dma_start3A_114 : memref<100000x128xf32, #tpu.memory_space<hbm>>) target(%dma_start3A_108 : memref<32x128xf32, #tpu.memory_space<vmem>>) offsets(%dma_start3A_111 : memref<32xi32, #tpu.memory_space<vmem>>) semaphore(%arg20 : memref<!tpu.dma_semaphore, #tpu.memory_space<semaphore_mem>>)
      %dma_start3A_115 = arith.constant 6 : i32
      %dma_start3A_116 = arith.constant 0 : i32
      %dma_start3A_117 = arith.constant 768 : i32
      %dma_start3A_118 = tpu.memref_slice %arg18[%dma_start3A_116, %dma_start3A_117] : memref<32x3328xf32, #tpu.memory_space<vmem>> -> memref<32x128xf32, #tpu.memory_space<vmem>>
      %dma_start3A_119 = arith.constant 0 : i32
      %dma_start3A_120 = tpu.memref_slice %arg17[%dma_start3A_115, %dma_start3A_119] : memref<26x32xi32, #tpu.memory_space<vmem>> -> memref<1x32xi32, #tpu.memory_space<vmem>>
      %dma_start3A_121 = tpu.memref_squeeze %dma_start3A_120 : memref<1x32xi32, #tpu.memory_space<vmem>> -> memref<32xi32, #tpu.memory_space<vmem>>
      %dma_start3A_122 = arith.constant 0 : i32
      %dma_start3A_123 = arith.constant 0 : i32
      %dma_start3A_124 = tpu.memref_slice %arg6[%dma_start3A_122, %dma_start3A_123] : memref<100000x128xf32, #tpu.memory_space<hbm>> -> memref<100000x128xf32, #tpu.memory_space<hbm>>
      tpu.enqueue_indirect_dma source(%dma_start3A_124 : memref<100000x128xf32, #tpu.memory_space<hbm>>) target(%dma_start3A_118 : memref<32x128xf32, #tpu.memory_space<vmem>>) offsets(%dma_start3A_121 : memref<32xi32, #tpu.memory_space<vmem>>) semaphore(%arg20 : memref<!tpu.dma_semaphore, #tpu.memory_space<semaphore_mem>>)
      %dma_start3A_125 = arith.constant 7 : i32
      %dma_start3A_126 = arith.constant 0 : i32
      %dma_start3A_127 = arith.constant 896 : i32
      %dma_start3A_128 = tpu.memref_slice %arg18[%dma_start3A_126, %dma_start3A_127] : memref<32x3328xf32, #tpu.memory_space<vmem>> -> memref<32x128xf32, #tpu.memory_space<vmem>>
      %dma_start3A_129 = arith.constant 0 : i32
      %dma_start3A_130 = tpu.memref_slice %arg17[%dma_start3A_125, %dma_start3A_129] : memref<26x32xi32, #tpu.memory_space<vmem>> -> memref<1x32xi32, #tpu.memory_space<vmem>>
      %dma_start3A_131 = tpu.memref_squeeze %dma_start3A_130 : memref<1x32xi32, #tpu.memory_space<vmem>> -> memref<32xi32, #tpu.memory_space<vmem>>
      %dma_start3A_132 = arith.constant 0 : i32
      %dma_start3A_133 = arith.constant 0 : i32
      %dma_start3A_134 = tpu.memref_slice %arg6[%dma_start3A_132, %dma_start3A_133] : memref<100000x128xf32, #tpu.memory_space<hbm>> -> memref<100000x128xf32, #tpu.memory_space<hbm>>
      tpu.enqueue_indirect_dma source(%dma_start3A_134 : memref<100000x128xf32, #tpu.memory_space<hbm>>) target(%dma_start3A_128 : memref<32x128xf32, #tpu.memory_space<vmem>>) offsets(%dma_start3A_131 : memref<32xi32, #tpu.memory_space<vmem>>) semaphore(%arg20 : memref<!tpu.dma_semaphore, #tpu.memory_space<semaphore_mem>>)
      %dma_start3A_135 = arith.constant 8 : i32
      %dma_start3A_136 = arith.constant 0 : i32
      %dma_start3A_137 = arith.constant 1024 : i32
      %dma_start3A_138 = tpu.memref_slice %arg18[%dma_start3A_136, %dma_start3A_137] : memref<32x3328xf32, #tpu.memory_space<vmem>> -> memref<32x128xf32, #tpu.memory_space<vmem>>
      %dma_start3A_139 = arith.constant 0 : i32
      %dma_start3A_140 = tpu.memref_slice %arg17[%dma_start3A_135, %dma_start3A_139] : memref<26x32xi32, #tpu.memory_space<vmem>> -> memref<1x32xi32, #tpu.memory_space<vmem>>
      %dma_start3A_141 = tpu.memref_squeeze %dma_start3A_140 : memref<1x32xi32, #tpu.memory_space<vmem>> -> memref<32xi32, #tpu.memory_space<vmem>>
      %dma_start3A_142 = arith.constant 0 : i32
      %dma_start3A_143 = arith.constant 0 : i32
      %dma_start3A_144 = tpu.memref_slice %arg7[%dma_start3A_142, %dma_start3A_143] : memref<100000x128xf32, #tpu.memory_space<hbm>> -> memref<100000x128xf32, #tpu.memory_space<hbm>>
      tpu.enqueue_indirect_dma source(%dma_start3A_144 : memref<100000x128xf32, #tpu.memory_space<hbm>>) target(%dma_start3A_138 : memref<32x128xf32, #tpu.memory_space<vmem>>) offsets(%dma_start3A_141 : memref<32xi32, #tpu.memory_space<vmem>>) semaphore(%arg20 : memref<!tpu.dma_semaphore, #tpu.memory_space<semaphore_mem>>)
      %dma_start3A_145 = arith.constant 9 : i32
      %dma_start3A_146 = arith.constant 0 : i32
      %dma_start3A_147 = arith.constant 1152 : i32
      %dma_start3A_148 = tpu.memref_slice %arg18[%dma_start3A_146, %dma_start3A_147] : memref<32x3328xf32, #tpu.memory_space<vmem>> -> memref<32x128xf32, #tpu.memory_space<vmem>>
      %dma_start3A_149 = arith.constant 0 : i32
      %dma_start3A_150 = tpu.memref_slice %arg17[%dma_start3A_145, %dma_start3A_149] : memref<26x32xi32, #tpu.memory_space<vmem>> -> memref<1x32xi32, #tpu.memory_space<vmem>>
      %dma_start3A_151 = tpu.memref_squeeze %dma_start3A_150 : memref<1x32xi32, #tpu.memory_space<vmem>> -> memref<32xi32, #tpu.memory_space<vmem>>
      %dma_start3A_152 = arith.constant 0 : i32
      %dma_start3A_153 = arith.constant 0 : i32
      %dma_start3A_154 = tpu.memref_slice %arg7[%dma_start3A_152, %dma_start3A_153] : memref<100000x128xf32, #tpu.memory_space<hbm>> -> memref<100000x128xf32, #tpu.memory_space<hbm>>
      tpu.enqueue_indirect_dma source(%dma_start3A_154 : memref<100000x128xf32, #tpu.memory_space<hbm>>) target(%dma_start3A_148 : memref<32x128xf32, #tpu.memory_space<vmem>>) offsets(%dma_start3A_151 : memref<32xi32, #tpu.memory_space<vmem>>) semaphore(%arg20 : memref<!tpu.dma_semaphore, #tpu.memory_space<semaphore_mem>>)
      %dma_start3A_155 = arith.constant 10 : i32
      %dma_start3A_156 = arith.constant 0 : i32
      %dma_start3A_157 = arith.constant 1280 : i32
      %dma_start3A_158 = tpu.memref_slice %arg18[%dma_start3A_156, %dma_start3A_157] : memref<32x3328xf32, #tpu.memory_space<vmem>> -> memref<32x128xf32, #tpu.memory_space<vmem>>
      %dma_start3A_159 = arith.constant 0 : i32
      %dma_start3A_160 = tpu.memref_slice %arg17[%dma_start3A_155, %dma_start3A_159] : memref<26x32xi32, #tpu.memory_space<vmem>> -> memref<1x32xi32, #tpu.memory_space<vmem>>
      %dma_start3A_161 = tpu.memref_squeeze %dma_start3A_160 : memref<1x32xi32, #tpu.memory_space<vmem>> -> memref<32xi32, #tpu.memory_space<vmem>>
      %dma_start3A_162 = arith.constant 0 : i32
      %dma_start3A_163 = arith.constant 0 : i32
      %dma_start3A_164 = tpu.memref_slice %arg8[%dma_start3A_162, %dma_start3A_163] : memref<100000x128xf32, #tpu.memory_space<hbm>> -> memref<100000x128xf32, #tpu.memory_space<hbm>>
      tpu.enqueue_indirect_dma source(%dma_start3A_164 : memref<100000x128xf32, #tpu.memory_space<hbm>>) target(%dma_start3A_158 : memref<32x128xf32, #tpu.memory_space<vmem>>) offsets(%dma_start3A_161 : memref<32xi32, #tpu.memory_space<vmem>>) semaphore(%arg20 : memref<!tpu.dma_semaphore, #tpu.memory_space<semaphore_mem>>)
      %dma_start3A_165 = arith.constant 11 : i32
      %dma_start3A_166 = arith.constant 0 : i32
      %dma_start3A_167 = arith.constant 1408 : i32
      %dma_start3A_168 = tpu.memref_slice %arg18[%dma_start3A_166, %dma_start3A_167] : memref<32x3328xf32, #tpu.memory_space<vmem>> -> memref<32x128xf32, #tpu.memory_space<vmem>>
      %dma_start3A_169 = arith.constant 0 : i32
      %dma_start3A_170 = tpu.memref_slice %arg17[%dma_start3A_165, %dma_start3A_169] : memref<26x32xi32, #tpu.memory_space<vmem>> -> memref<1x32xi32, #tpu.memory_space<vmem>>
      %dma_start3A_171 = tpu.memref_squeeze %dma_start3A_170 : memref<1x32xi32, #tpu.memory_space<vmem>> -> memref<32xi32, #tpu.memory_space<vmem>>
      %dma_start3A_172 = arith.constant 0 : i32
      %dma_start3A_173 = arith.constant 0 : i32
      %dma_start3A_174 = tpu.memref_slice %arg8[%dma_start3A_172, %dma_start3A_173] : memref<100000x128xf32, #tpu.memory_space<hbm>> -> memref<100000x128xf32, #tpu.memory_space<hbm>>
      tpu.enqueue_indirect_dma source(%dma_start3A_174 : memref<100000x128xf32, #tpu.memory_space<hbm>>) target(%dma_start3A_168 : memref<32x128xf32, #tpu.memory_space<vmem>>) offsets(%dma_start3A_171 : memref<32xi32, #tpu.memory_space<vmem>>) semaphore(%arg20 : memref<!tpu.dma_semaphore, #tpu.memory_space<semaphore_mem>>)
      %dma_start3A_175 = arith.constant 12 : i32
      %dma_start3A_176 = arith.constant 0 : i32
      %dma_start3A_177 = arith.constant 1536 : i32
      %dma_start3A_178 = tpu.memref_slice %arg18[%dma_start3A_176, %dma_start3A_177] : memref<32x3328xf32, #tpu.memory_space<vmem>> -> memref<32x128xf32, #tpu.memory_space<vmem>>
      %dma_start3A_179 = arith.constant 0 : i32
      %dma_start3A_180 = tpu.memref_slice %arg17[%dma_start3A_175, %dma_start3A_179] : memref<26x32xi32, #tpu.memory_space<vmem>> -> memref<1x32xi32, #tpu.memory_space<vmem>>
      %dma_start3A_181 = tpu.memref_squeeze %dma_start3A_180 : memref<1x32xi32, #tpu.memory_space<vmem>> -> memref<32xi32, #tpu.memory_space<vmem>>
      %dma_start3A_182 = arith.constant 0 : i32
      %dma_start3A_183 = arith.constant 0 : i32
      %dma_start3A_184 = tpu.memref_slice %arg9[%dma_start3A_182, %dma_start3A_183] : memref<100000x128xf32, #tpu.memory_space<hbm>> -> memref<100000x128xf32, #tpu.memory_space<hbm>>
      tpu.enqueue_indirect_dma source(%dma_start3A_184 : memref<100000x128xf32, #tpu.memory_space<hbm>>) target(%dma_start3A_178 : memref<32x128xf32, #tpu.memory_space<vmem>>) offsets(%dma_start3A_181 : memref<32xi32, #tpu.memory_space<vmem>>) semaphore(%arg20 : memref<!tpu.dma_semaphore, #tpu.memory_space<semaphore_mem>>)
      %dma_wait3A_185 = arith.constant 0 : i32
      %dma_wait3A_186 = arith.constant 0 : i32
      %dma_wait3A_187 = arith.constant 0 : i32
      %dma_wait3A_188 = tpu.memref_slice %arg18[%dma_wait3A_186, %dma_wait3A_187] : memref<32x3328xf32, #tpu.memory_space<vmem>> -> memref<32x128xf32, #tpu.memory_space<vmem>>
      %dma_wait3A_189 = arith.constant 0 : i32
      %dma_wait3A_190 = tpu.memref_slice %arg17[%dma_wait3A_185, %dma_wait3A_189] : memref<26x32xi32, #tpu.memory_space<vmem>> -> memref<1x32xi32, #tpu.memory_space<vmem>>
      %dma_wait3A_191 = tpu.memref_squeeze %dma_wait3A_190 : memref<1x32xi32, #tpu.memory_space<vmem>> -> memref<32xi32, #tpu.memory_space<vmem>>
      %dma_wait3A_192 = arith.constant 0 : i32
      %dma_wait3A_193 = arith.constant 0 : i32
      %dma_wait3A_194 = tpu.memref_slice %arg3[%dma_wait3A_192, %dma_wait3A_193] : memref<100000x128xf32, #tpu.memory_space<hbm>> -> memref<100000x128xf32, #tpu.memory_space<hbm>>
      tpu.wait_indirect_dma semaphore(%arg20 : memref<!tpu.dma_semaphore, #tpu.memory_space<semaphore_mem>>) src(%dma_wait3A_194 : memref<100000x128xf32, #tpu.memory_space<hbm>>) dst(%dma_wait3A_188 : memref<32x128xf32, #tpu.memory_space<vmem>>)
      %dma_wait3A_195 = arith.constant 1 : i32
      %dma_wait3A_196 = arith.constant 0 : i32
      %dma_wait3A_197 = arith.constant 128 : i32
      %dma_wait3A_198 = tpu.memref_slice %arg18[%dma_wait3A_196, %dma_wait3A_197] : memref<32x3328xf32, #tpu.memory_space<vmem>> -> memref<32x128xf32, #tpu.memory_space<vmem>>
      %dma_wait3A_199 = arith.constant 0 : i32
      %dma_wait3A_200 = tpu.memref_slice %arg17[%dma_wait3A_195, %dma_wait3A_199] : memref<26x32xi32, #tpu.memory_space<vmem>> -> memref<1x32xi32, #tpu.memory_space<vmem>>
      %dma_wait3A_201 = tpu.memref_squeeze %dma_wait3A_200 : memref<1x32xi32, #tpu.memory_space<vmem>> -> memref<32xi32, #tpu.memory_space<vmem>>
      %dma_wait3A_202 = arith.constant 0 : i32
      %dma_wait3A_203 = arith.constant 0 : i32
      %dma_wait3A_204 = tpu.memref_slice %arg3[%dma_wait3A_202, %dma_wait3A_203] : memref<100000x128xf32, #tpu.memory_space<hbm>> -> memref<100000x128xf32, #tpu.memory_space<hbm>>
      tpu.wait_indirect_dma semaphore(%arg20 : memref<!tpu.dma_semaphore, #tpu.memory_space<semaphore_mem>>) src(%dma_wait3A_204 : memref<100000x128xf32, #tpu.memory_space<hbm>>) dst(%dma_wait3A_198 : memref<32x128xf32, #tpu.memory_space<vmem>>)
      %dma_wait3A_205 = arith.constant 2 : i32
      %dma_wait3A_206 = arith.constant 0 : i32
      %dma_wait3A_207 = arith.constant 256 : i32
      %dma_wait3A_208 = tpu.memref_slice %arg18[%dma_wait3A_206, %dma_wait3A_207] : memref<32x3328xf32, #tpu.memory_space<vmem>> -> memref<32x128xf32, #tpu.memory_space<vmem>>
      %dma_wait3A_209 = arith.constant 0 : i32
      %dma_wait3A_210 = tpu.memref_slice %arg17[%dma_wait3A_205, %dma_wait3A_209] : memref<26x32xi32, #tpu.memory_space<vmem>> -> memref<1x32xi32, #tpu.memory_space<vmem>>
      %dma_wait3A_211 = tpu.memref_squeeze %dma_wait3A_210 : memref<1x32xi32, #tpu.memory_space<vmem>> -> memref<32xi32, #tpu.memory_space<vmem>>
      %dma_wait3A_212 = arith.constant 0 : i32
      %dma_wait3A_213 = arith.constant 0 : i32
      %dma_wait3A_214 = tpu.memref_slice %arg4[%dma_wait3A_212, %dma_wait3A_213] : memref<100000x128xf32, #tpu.memory_space<hbm>> -> memref<100000x128xf32, #tpu.memory_space<hbm>>
      tpu.wait_indirect_dma semaphore(%arg20 : memref<!tpu.dma_semaphore, #tpu.memory_space<semaphore_mem>>) src(%dma_wait3A_214 : memref<100000x128xf32, #tpu.memory_space<hbm>>) dst(%dma_wait3A_208 : memref<32x128xf32, #tpu.memory_space<vmem>>)
      %dma_wait3A_215 = arith.constant 3 : i32
      %dma_wait3A_216 = arith.constant 0 : i32
      %dma_wait3A_217 = arith.constant 384 : i32
      %dma_wait3A_218 = tpu.memref_slice %arg18[%dma_wait3A_216, %dma_wait3A_217] : memref<32x3328xf32, #tpu.memory_space<vmem>> -> memref<32x128xf32, #tpu.memory_space<vmem>>
      %dma_wait3A_219 = arith.constant 0 : i32
      %dma_wait3A_220 = tpu.memref_slice %arg17[%dma_wait3A_215, %dma_wait3A_219] : memref<26x32xi32, #tpu.memory_space<vmem>> -> memref<1x32xi32, #tpu.memory_space<vmem>>
      %dma_wait3A_221 = tpu.memref_squeeze %dma_wait3A_220 : memref<1x32xi32, #tpu.memory_space<vmem>> -> memref<32xi32, #tpu.memory_space<vmem>>
      %dma_wait3A_222 = arith.constant 0 : i32
      %dma_wait3A_223 = arith.constant 0 : i32
      %dma_wait3A_224 = tpu.memref_slice %arg4[%dma_wait3A_222, %dma_wait3A_223] : memref<100000x128xf32, #tpu.memory_space<hbm>> -> memref<100000x128xf32, #tpu.memory_space<hbm>>
      tpu.wait_indirect_dma semaphore(%arg20 : memref<!tpu.dma_semaphore, #tpu.memory_space<semaphore_mem>>) src(%dma_wait3A_224 : memref<100000x128xf32, #tpu.memory_space<hbm>>) dst(%dma_wait3A_218 : memref<32x128xf32, #tpu.memory_space<vmem>>)
      %dma_wait3A_225 = arith.constant 4 : i32
      %dma_wait3A_226 = arith.constant 0 : i32
      %dma_wait3A_227 = arith.constant 512 : i32
      %dma_wait3A_228 = tpu.memref_slice %arg18[%dma_wait3A_226, %dma_wait3A_227] : memref<32x3328xf32, #tpu.memory_space<vmem>> -> memref<32x128xf32, #tpu.memory_space<vmem>>
      %dma_wait3A_229 = arith.constant 0 : i32
      %dma_wait3A_230 = tpu.memref_slice %arg17[%dma_wait3A_225, %dma_wait3A_229] : memref<26x32xi32, #tpu.memory_space<vmem>> -> memref<1x32xi32, #tpu.memory_space<vmem>>
      %dma_wait3A_231 = tpu.memref_squeeze %dma_wait3A_230 : memref<1x32xi32, #tpu.memory_space<vmem>> -> memref<32xi32, #tpu.memory_space<vmem>>
      %dma_wait3A_232 = arith.constant 0 : i32
      %dma_wait3A_233 = arith.constant 0 : i32
      %dma_wait3A_234 = tpu.memref_slice %arg5[%dma_wait3A_232, %dma_wait3A_233] : memref<100000x128xf32, #tpu.memory_space<hbm>> -> memref<100000x128xf32, #tpu.memory_space<hbm>>
      tpu.wait_indirect_dma semaphore(%arg20 : memref<!tpu.dma_semaphore, #tpu.memory_space<semaphore_mem>>) src(%dma_wait3A_234 : memref<100000x128xf32, #tpu.memory_space<hbm>>) dst(%dma_wait3A_228 : memref<32x128xf32, #tpu.memory_space<vmem>>)
      %dma_wait3A_235 = arith.constant 5 : i32
      %dma_wait3A_236 = arith.constant 0 : i32
      %dma_wait3A_237 = arith.constant 640 : i32
      %dma_wait3A_238 = tpu.memref_slice %arg18[%dma_wait3A_236, %dma_wait3A_237] : memref<32x3328xf32, #tpu.memory_space<vmem>> -> memref<32x128xf32, #tpu.memory_space<vmem>>
      %dma_wait3A_239 = arith.constant 0 : i32
      %dma_wait3A_240 = tpu.memref_slice %arg17[%dma_wait3A_235, %dma_wait3A_239] : memref<26x32xi32, #tpu.memory_space<vmem>> -> memref<1x32xi32, #tpu.memory_space<vmem>>
      %dma_wait3A_241 = tpu.memref_squeeze %dma_wait3A_240 : memref<1x32xi32, #tpu.memory_space<vmem>> -> memref<32xi32, #tpu.memory_space<vmem>>
      %dma_wait3A_242 = arith.constant 0 : i32
      %dma_wait3A_243 = arith.constant 0 : i32
      %dma_wait3A_244 = tpu.memref_slice %arg5[%dma_wait3A_242, %dma_wait3A_243] : memref<100000x128xf32, #tpu.memory_space<hbm>> -> memref<100000x128xf32, #tpu.memory_space<hbm>>
      tpu.wait_indirect_dma semaphore(%arg20 : memref<!tpu.dma_semaphore, #tpu.memory_space<semaphore_mem>>) src(%dma_wait3A_244 : memref<100000x128xf32, #tpu.memory_space<hbm>>) dst(%dma_wait3A_238 : memref<32x128xf32, #tpu.memory_space<vmem>>)
      %dma_wait3A_245 = arith.constant 6 : i32
      %dma_wait3A_246 = arith.constant 0 : i32
      %dma_wait3A_247 = arith.constant 768 : i32
      %dma_wait3A_248 = tpu.memref_slice %arg18[%dma_wait3A_246, %dma_wait3A_247] : memref<32x3328xf32, #tpu.memory_space<vmem>> -> memref<32x128xf32, #tpu.memory_space<vmem>>
      %dma_wait3A_249 = arith.constant 0 : i32
      %dma_wait3A_250 = tpu.memref_slice %arg17[%dma_wait3A_245, %dma_wait3A_249] : memref<26x32xi32, #tpu.memory_space<vmem>> -> memref<1x32xi32, #tpu.memory_space<vmem>>
      %dma_wait3A_251 = tpu.memref_squeeze %dma_wait3A_250 : memref<1x32xi32, #tpu.memory_space<vmem>> -> memref<32xi32, #tpu.memory_space<vmem>>
      %dma_wait3A_252 = arith.constant 0 : i32
      %dma_wait3A_253 = arith.constant 0 : i32
      %dma_wait3A_254 = tpu.memref_slice %arg6[%dma_wait3A_252, %dma_wait3A_253] : memref<100000x128xf32, #tpu.memory_space<hbm>> -> memref<100000x128xf32, #tpu.memory_space<hbm>>
      tpu.wait_indirect_dma semaphore(%arg20 : memref<!tpu.dma_semaphore, #tpu.memory_space<semaphore_mem>>) src(%dma_wait3A_254 : memref<100000x128xf32, #tpu.memory_space<hbm>>) dst(%dma_wait3A_248 : memref<32x128xf32, #tpu.memory_space<vmem>>)
      %dma_wait3A_255 = arith.constant 7 : i32
      %dma_wait3A_256 = arith.constant 0 : i32
      %dma_wait3A_257 = arith.constant 896 : i32
      %dma_wait3A_258 = tpu.memref_slice %arg18[%dma_wait3A_256, %dma_wait3A_257] : memref<32x3328xf32, #tpu.memory_space<vmem>> -> memref<32x128xf32, #tpu.memory_space<vmem>>
      %dma_wait3A_259 = arith.constant 0 : i32
      %dma_wait3A_260 = tpu.memref_slice %arg17[%dma_wait3A_255, %dma_wait3A_259] : memref<26x32xi32, #tpu.memory_space<vmem>> -> memref<1x32xi32, #tpu.memory_space<vmem>>
      %dma_wait3A_261 = tpu.memref_squeeze %dma_wait3A_260 : memref<1x32xi32, #tpu.memory_space<vmem>> -> memref<32xi32, #tpu.memory_space<vmem>>
      %dma_wait3A_262 = arith.constant 0 : i32
      %dma_wait3A_263 = arith.constant 0 : i32
      %dma_wait3A_264 = tpu.memref_slice %arg6[%dma_wait3A_262, %dma_wait3A_263] : memref<100000x128xf32, #tpu.memory_space<hbm>> -> memref<100000x128xf32, #tpu.memory_space<hbm>>
      tpu.wait_indirect_dma semaphore(%arg20 : memref<!tpu.dma_semaphore, #tpu.memory_space<semaphore_mem>>) src(%dma_wait3A_264 : memref<100000x128xf32, #tpu.memory_space<hbm>>) dst(%dma_wait3A_258 : memref<32x128xf32, #tpu.memory_space<vmem>>)
      %dma_wait3A_265 = arith.constant 8 : i32
      %dma_wait3A_266 = arith.constant 0 : i32
      %dma_wait3A_267 = arith.constant 1024 : i32
      %dma_wait3A_268 = tpu.memref_slice %arg18[%dma_wait3A_266, %dma_wait3A_267] : memref<32x3328xf32, #tpu.memory_space<vmem>> -> memref<32x128xf32, #tpu.memory_space<vmem>>
      %dma_wait3A_269 = arith.constant 0 : i32
      %dma_wait3A_270 = tpu.memref_slice %arg17[%dma_wait3A_265, %dma_wait3A_269] : memref<26x32xi32, #tpu.memory_space<vmem>> -> memref<1x32xi32, #tpu.memory_space<vmem>>
      %dma_wait3A_271 = tpu.memref_squeeze %dma_wait3A_270 : memref<1x32xi32, #tpu.memory_space<vmem>> -> memref<32xi32, #tpu.memory_space<vmem>>
      %dma_wait3A_272 = arith.constant 0 : i32
      %dma_wait3A_273 = arith.constant 0 : i32
      %dma_wait3A_274 = tpu.memref_slice %arg7[%dma_wait3A_272, %dma_wait3A_273] : memref<100000x128xf32, #tpu.memory_space<hbm>> -> memref<100000x128xf32, #tpu.memory_space<hbm>>
      tpu.wait_indirect_dma semaphore(%arg20 : memref<!tpu.dma_semaphore, #tpu.memory_space<semaphore_mem>>) src(%dma_wait3A_274 : memref<100000x128xf32, #tpu.memory_space<hbm>>) dst(%dma_wait3A_268 : memref<32x128xf32, #tpu.memory_space<vmem>>)
      %dma_wait3A_275 = arith.constant 9 : i32
      %dma_wait3A_276 = arith.constant 0 : i32
      %dma_wait3A_277 = arith.constant 1152 : i32
      %dma_wait3A_278 = tpu.memref_slice %arg18[%dma_wait3A_276, %dma_wait3A_277] : memref<32x3328xf32, #tpu.memory_space<vmem>> -> memref<32x128xf32, #tpu.memory_space<vmem>>
      %dma_wait3A_279 = arith.constant 0 : i32
      %dma_wait3A_280 = tpu.memref_slice %arg17[%dma_wait3A_275, %dma_wait3A_279] : memref<26x32xi32, #tpu.memory_space<vmem>> -> memref<1x32xi32, #tpu.memory_space<vmem>>
      %dma_wait3A_281 = tpu.memref_squeeze %dma_wait3A_280 : memref<1x32xi32, #tpu.memory_space<vmem>> -> memref<32xi32, #tpu.memory_space<vmem>>
      %dma_wait3A_282 = arith.constant 0 : i32
      %dma_wait3A_283 = arith.constant 0 : i32
      %dma_wait3A_284 = tpu.memref_slice %arg7[%dma_wait3A_282, %dma_wait3A_283] : memref<100000x128xf32, #tpu.memory_space<hbm>> -> memref<100000x128xf32, #tpu.memory_space<hbm>>
      tpu.wait_indirect_dma semaphore(%arg20 : memref<!tpu.dma_semaphore, #tpu.memory_space<semaphore_mem>>) src(%dma_wait3A_284 : memref<100000x128xf32, #tpu.memory_space<hbm>>) dst(%dma_wait3A_278 : memref<32x128xf32, #tpu.memory_space<vmem>>)
      %dma_wait3A_285 = arith.constant 10 : i32
      %dma_wait3A_286 = arith.constant 0 : i32
      %dma_wait3A_287 = arith.constant 1280 : i32
      %dma_wait3A_288 = tpu.memref_slice %arg18[%dma_wait3A_286, %dma_wait3A_287] : memref<32x3328xf32, #tpu.memory_space<vmem>> -> memref<32x128xf32, #tpu.memory_space<vmem>>
      %dma_wait3A_289 = arith.constant 0 : i32
      %dma_wait3A_290 = tpu.memref_slice %arg17[%dma_wait3A_285, %dma_wait3A_289] : memref<26x32xi32, #tpu.memory_space<vmem>> -> memref<1x32xi32, #tpu.memory_space<vmem>>
      %dma_wait3A_291 = tpu.memref_squeeze %dma_wait3A_290 : memref<1x32xi32, #tpu.memory_space<vmem>> -> memref<32xi32, #tpu.memory_space<vmem>>
      %dma_wait3A_292 = arith.constant 0 : i32
      %dma_wait3A_293 = arith.constant 0 : i32
      %dma_wait3A_294 = tpu.memref_slice %arg8[%dma_wait3A_292, %dma_wait3A_293] : memref<100000x128xf32, #tpu.memory_space<hbm>> -> memref<100000x128xf32, #tpu.memory_space<hbm>>
      tpu.wait_indirect_dma semaphore(%arg20 : memref<!tpu.dma_semaphore, #tpu.memory_space<semaphore_mem>>) src(%dma_wait3A_294 : memref<100000x128xf32, #tpu.memory_space<hbm>>) dst(%dma_wait3A_288 : memref<32x128xf32, #tpu.memory_space<vmem>>)
      %dma_wait3A_295 = arith.constant 11 : i32
      %dma_wait3A_296 = arith.constant 0 : i32
      %dma_wait3A_297 = arith.constant 1408 : i32
      %dma_wait3A_298 = tpu.memref_slice %arg18[%dma_wait3A_296, %dma_wait3A_297] : memref<32x3328xf32, #tpu.memory_space<vmem>> -> memref<32x128xf32, #tpu.memory_space<vmem>>
      %dma_wait3A_299 = arith.constant 0 : i32
      %dma_wait3A_300 = tpu.memref_slice %arg17[%dma_wait3A_295, %dma_wait3A_299] : memref<26x32xi32, #tpu.memory_space<vmem>> -> memref<1x32xi32, #tpu.memory_space<vmem>>
      %dma_wait3A_301 = tpu.memref_squeeze %dma_wait3A_300 : memref<1x32xi32, #tpu.memory_space<vmem>> -> memref<32xi32, #tpu.memory_space<vmem>>
      %dma_wait3A_302 = arith.constant 0 : i32
      %dma_wait3A_303 = arith.constant 0 : i32
      %dma_wait3A_304 = tpu.memref_slice %arg8[%dma_wait3A_302, %dma_wait3A_303] : memref<100000x128xf32, #tpu.memory_space<hbm>> -> memref<100000x128xf32, #tpu.memory_space<hbm>>
      tpu.wait_indirect_dma semaphore(%arg20 : memref<!tpu.dma_semaphore, #tpu.memory_space<semaphore_mem>>) src(%dma_wait3A_304 : memref<100000x128xf32, #tpu.memory_space<hbm>>) dst(%dma_wait3A_298 : memref<32x128xf32, #tpu.memory_space<vmem>>)
      %dma_wait3A_305 = arith.constant 12 : i32
      %dma_wait3A_306 = arith.constant 0 : i32
      %dma_wait3A_307 = arith.constant 1536 : i32
      %dma_wait3A_308 = tpu.memref_slice %arg18[%dma_wait3A_306, %dma_wait3A_307] : memref<32x3328xf32, #tpu.memory_space<vmem>> -> memref<32x128xf32, #tpu.memory_space<vmem>>
      %dma_wait3A_309 = arith.constant 0 : i32
      %dma_wait3A_310 = tpu.memref_slice %arg17[%dma_wait3A_305, %dma_wait3A_309] : memref<26x32xi32, #tpu.memory_space<vmem>> -> memref<1x32xi32, #tpu.memory_space<vmem>>
      %dma_wait3A_311 = tpu.memref_squeeze %dma_wait3A_310 : memref<1x32xi32, #tpu.memory_space<vmem>> -> memref<32xi32, #tpu.memory_space<vmem>>
      %dma_wait3A_312 = arith.constant 0 : i32
      %dma_wait3A_313 = arith.constant 0 : i32
      %dma_wait3A_314 = tpu.memref_slice %arg9[%dma_wait3A_312, %dma_wait3A_313] : memref<100000x128xf32, #tpu.memory_space<hbm>> -> memref<100000x128xf32, #tpu.memory_space<hbm>>
      tpu.wait_indirect_dma semaphore(%arg20 : memref<!tpu.dma_semaphore, #tpu.memory_space<semaphore_mem>>) src(%dma_wait3A_314 : memref<100000x128xf32, #tpu.memory_space<hbm>>) dst(%dma_wait3A_308 : memref<32x128xf32, #tpu.memory_space<vmem>>)
      %dma_start3A_315 = arith.constant 0 : i32
      %dma_start3A_316 = arith.constant 0 : i32
      %dma_start3A_317 = tpu.memref_slice %arg18[%dma_start3A_315, %dma_start3A_316] : memref<32x3328xf32, #tpu.memory_space<vmem>> -> memref<32x1664xf32, #tpu.memory_space<vmem>>
      %dma_start3A_318 = arith.constant 0 : i32
      %dma_start3A_319 = tpu.memref_slice %arg16[%add3A_54, %dma_start3A_318] : memref<16384x3328xf32, #tpu.memory_space<hbm>> -> memref<32x1664xf32, #tpu.memory_space<hbm>>
      %dma_start3A_320 = arith.constant 0 : i32
      %dma_start3A_321 = tpu.memref_slice %arg16[%add3A_54, %dma_start3A_320] : memref<16384x3328xf32, #tpu.memory_space<hbm>> -> memref<32x1664xf32, #tpu.memory_space<hbm>>
      %dma_start3A_322 = arith.constant 0 : i32
      %dma_start3A_323 = arith.constant 0 : i32
      %dma_start3A_324 = tpu.memref_slice %arg18[%dma_start3A_322, %dma_start3A_323] : memref<32x3328xf32, #tpu.memory_space<vmem>> -> memref<32x1664xf32, #tpu.memory_space<vmem>>
      tpu.enqueue_dma source(%dma_start3A_324 : memref<32x1664xf32, #tpu.memory_space<vmem>>) target(%dma_start3A_321 : memref<32x1664xf32, #tpu.memory_space<hbm>>) target_semaphore(%arg21 : memref<!tpu.dma_semaphore, #tpu.memory_space<semaphore_mem>>)
      %mul3A_325 = arith.constant 512 : i32
      %mul3A_326 = arith.muli %add3A, %mul3A_325 : i32
      %mul3A_327 = arith.constant 32 : i32
      %mul3A_328 = arith.muli %add3A_32, %mul3A_327 : i32
      %add3A_329 = arith.addi %mul3A_326, %mul3A_328 : i32
      %dma_start3A_330 = arith.constant 13 : i32
      %dma_start3A_331 = arith.constant 0 : i32
      %dma_start3A_332 = arith.constant 1664 : i32
      %dma_start3A_333 = tpu.memref_slice %arg18[%dma_start3A_331, %dma_start3A_332] : memref<32x3328xf32, #tpu.memory_space<vmem>> -> memref<32x128xf32, #tpu.memory_space<vmem>>
      %dma_start3A_334 = arith.constant 0 : i32
      %dma_start3A_335 = tpu.memref_slice %arg17[%dma_start3A_330, %dma_start3A_334] : memref<26x32xi32, #tpu.memory_space<vmem>> -> memref<1x32xi32, #tpu.memory_space<vmem>>
      %dma_start3A_336 = tpu.memref_squeeze %dma_start3A_335 : memref<1x32xi32, #tpu.memory_space<vmem>> -> memref<32xi32, #tpu.memory_space<vmem>>
      %dma_start3A_337 = arith.constant 0 : i32
      %dma_start3A_338 = arith.constant 0 : i32
      %dma_start3A_339 = tpu.memref_slice %arg9[%dma_start3A_337, %dma_start3A_338] : memref<100000x128xf32, #tpu.memory_space<hbm>> -> memref<100000x128xf32, #tpu.memory_space<hbm>>
      tpu.enqueue_indirect_dma source(%dma_start3A_339 : memref<100000x128xf32, #tpu.memory_space<hbm>>) target(%dma_start3A_333 : memref<32x128xf32, #tpu.memory_space<vmem>>) offsets(%dma_start3A_336 : memref<32xi32, #tpu.memory_space<vmem>>) semaphore(%arg20 : memref<!tpu.dma_semaphore, #tpu.memory_space<semaphore_mem>>)
      %dma_start3A_340 = arith.constant 14 : i32
      %dma_start3A_341 = arith.constant 0 : i32
      %dma_start3A_342 = arith.constant 1792 : i32
      %dma_start3A_343 = tpu.memref_slice %arg18[%dma_start3A_341, %dma_start3A_342] : memref<32x3328xf32, #tpu.memory_space<vmem>> -> memref<32x128xf32, #tpu.memory_space<vmem>>
      %dma_start3A_344 = arith.constant 0 : i32
      %dma_start3A_345 = tpu.memref_slice %arg17[%dma_start3A_340, %dma_start3A_344] : memref<26x32xi32, #tpu.memory_space<vmem>> -> memref<1x32xi32, #tpu.memory_space<vmem>>
      %dma_start3A_346 = tpu.memref_squeeze %dma_start3A_345 : memref<1x32xi32, #tpu.memory_space<vmem>> -> memref<32xi32, #tpu.memory_space<vmem>>
      %dma_start3A_347 = arith.constant 0 : i32
      %dma_start3A_348 = arith.constant 0 : i32
      %dma_start3A_349 = tpu.memref_slice %arg10[%dma_start3A_347, %dma_start3A_348] : memref<100000x128xf32, #tpu.memory_space<hbm>> -> memref<100000x128xf32, #tpu.memory_space<hbm>>
      tpu.enqueue_indirect_dma source(%dma_start3A_349 : memref<100000x128xf32, #tpu.memory_space<hbm>>) target(%dma_start3A_343 : memref<32x128xf32, #tpu.memory_space<vmem>>) offsets(%dma_start3A_346 : memref<32xi32, #tpu.memory_space<vmem>>) semaphore(%arg20 : memref<!tpu.dma_semaphore, #tpu.memory_space<semaphore_mem>>)
      %dma_start3A_350 = arith.constant 15 : i32
      %dma_start3A_351 = arith.constant 0 : i32
      %dma_start3A_352 = arith.constant 1920 : i32
      %dma_start3A_353 = tpu.memref_slice %arg18[%dma_start3A_351, %dma_start3A_352] : memref<32x3328xf32, #tpu.memory_space<vmem>> -> memref<32x128xf32, #tpu.memory_space<vmem>>
      %dma_start3A_354 = arith.constant 0 : i32
      %dma_start3A_355 = tpu.memref_slice %arg17[%dma_start3A_350, %dma_start3A_354] : memref<26x32xi32, #tpu.memory_space<vmem>> -> memref<1x32xi32, #tpu.memory_space<vmem>>
      %dma_start3A_356 = tpu.memref_squeeze %dma_start3A_355 : memref<1x32xi32, #tpu.memory_space<vmem>> -> memref<32xi32, #tpu.memory_space<vmem>>
      %dma_start3A_357 = arith.constant 0 : i32
      %dma_start3A_358 = arith.constant 0 : i32
      %dma_start3A_359 = tpu.memref_slice %arg10[%dma_start3A_357, %dma_start3A_358] : memref<100000x128xf32, #tpu.memory_space<hbm>> -> memref<100000x128xf32, #tpu.memory_space<hbm>>
      tpu.enqueue_indirect_dma source(%dma_start3A_359 : memref<100000x128xf32, #tpu.memory_space<hbm>>) target(%dma_start3A_353 : memref<32x128xf32, #tpu.memory_space<vmem>>) offsets(%dma_start3A_356 : memref<32xi32, #tpu.memory_space<vmem>>) semaphore(%arg20 : memref<!tpu.dma_semaphore, #tpu.memory_space<semaphore_mem>>)
      %dma_start3A_360 = arith.constant 16 : i32
      %dma_start3A_361 = arith.constant 0 : i32
      %dma_start3A_362 = arith.constant 2048 : i32
      %dma_start3A_363 = tpu.memref_slice %arg18[%dma_start3A_361, %dma_start3A_362] : memref<32x3328xf32, #tpu.memory_space<vmem>> -> memref<32x128xf32, #tpu.memory_space<vmem>>
      %dma_start3A_364 = arith.constant 0 : i32
      %dma_start3A_365 = tpu.memref_slice %arg17[%dma_start3A_360, %dma_start3A_364] : memref<26x32xi32, #tpu.memory_space<vmem>> -> memref<1x32xi32, #tpu.memory_space<vmem>>
      %dma_start3A_366 = tpu.memref_squeeze %dma_start3A_365 : memref<1x32xi32, #tpu.memory_space<vmem>> -> memref<32xi32, #tpu.memory_space<vmem>>
      %dma_start3A_367 = arith.constant 0 : i32
      %dma_start3A_368 = arith.constant 0 : i32
      %dma_start3A_369 = tpu.memref_slice %arg11[%dma_start3A_367, %dma_start3A_368] : memref<100000x128xf32, #tpu.memory_space<hbm>> -> memref<100000x128xf32, #tpu.memory_space<hbm>>
      tpu.enqueue_indirect_dma source(%dma_start3A_369 : memref<100000x128xf32, #tpu.memory_space<hbm>>) target(%dma_start3A_363 : memref<32x128xf32, #tpu.memory_space<vmem>>) offsets(%dma_start3A_366 : memref<32xi32, #tpu.memory_space<vmem>>) semaphore(%arg20 : memref<!tpu.dma_semaphore, #tpu.memory_space<semaphore_mem>>)
      %dma_start3A_370 = arith.constant 17 : i32
      %dma_start3A_371 = arith.constant 0 : i32
      %dma_start3A_372 = arith.constant 2176 : i32
      %dma_start3A_373 = tpu.memref_slice %arg18[%dma_start3A_371, %dma_start3A_372] : memref<32x3328xf32, #tpu.memory_space<vmem>> -> memref<32x128xf32, #tpu.memory_space<vmem>>
      %dma_start3A_374 = arith.constant 0 : i32
      %dma_start3A_375 = tpu.memref_slice %arg17[%dma_start3A_370, %dma_start3A_374] : memref<26x32xi32, #tpu.memory_space<vmem>> -> memref<1x32xi32, #tpu.memory_space<vmem>>
      %dma_start3A_376 = tpu.memref_squeeze %dma_start3A_375 : memref<1x32xi32, #tpu.memory_space<vmem>> -> memref<32xi32, #tpu.memory_space<vmem>>
      %dma_start3A_377 = arith.constant 0 : i32
      %dma_start3A_378 = arith.constant 0 : i32
      %dma_start3A_379 = tpu.memref_slice %arg11[%dma_start3A_377, %dma_start3A_378] : memref<100000x128xf32, #tpu.memory_space<hbm>> -> memref<100000x128xf32, #tpu.memory_space<hbm>>
      tpu.enqueue_indirect_dma source(%dma_start3A_379 : memref<100000x128xf32, #tpu.memory_space<hbm>>) target(%dma_start3A_373 : memref<32x128xf32, #tpu.memory_space<vmem>>) offsets(%dma_start3A_376 : memref<32xi32, #tpu.memory_space<vmem>>) semaphore(%arg20 : memref<!tpu.dma_semaphore, #tpu.memory_space<semaphore_mem>>)
      %dma_start3A_380 = arith.constant 18 : i32
      %dma_start3A_381 = arith.constant 0 : i32
      %dma_start3A_382 = arith.constant 2304 : i32
      %dma_start3A_383 = tpu.memref_slice %arg18[%dma_start3A_381, %dma_start3A_382] : memref<32x3328xf32, #tpu.memory_space<vmem>> -> memref<32x128xf32, #tpu.memory_space<vmem>>
      %dma_start3A_384 = arith.constant 0 : i32
      %dma_start3A_385 = tpu.memref_slice %arg17[%dma_start3A_380, %dma_start3A_384] : memref<26x32xi32, #tpu.memory_space<vmem>> -> memref<1x32xi32, #tpu.memory_space<vmem>>
      %dma_start3A_386 = tpu.memref_squeeze %dma_start3A_385 : memref<1x32xi32, #tpu.memory_space<vmem>> -> memref<32xi32, #tpu.memory_space<vmem>>
      %dma_start3A_387 = arith.constant 0 : i32
      %dma_start3A_388 = arith.constant 0 : i32
      %dma_start3A_389 = tpu.memref_slice %arg12[%dma_start3A_387, %dma_start3A_388] : memref<100000x128xf32, #tpu.memory_space<hbm>> -> memref<100000x128xf32, #tpu.memory_space<hbm>>
      tpu.enqueue_indirect_dma source(%dma_start3A_389 : memref<100000x128xf32, #tpu.memory_space<hbm>>) target(%dma_start3A_383 : memref<32x128xf32, #tpu.memory_space<vmem>>) offsets(%dma_start3A_386 : memref<32xi32, #tpu.memory_space<vmem>>) semaphore(%arg20 : memref<!tpu.dma_semaphore, #tpu.memory_space<semaphore_mem>>)
      %dma_start3A_390 = arith.constant 19 : i32
      %dma_start3A_391 = arith.constant 0 : i32
      %dma_start3A_392 = arith.constant 2432 : i32
      %dma_start3A_393 = tpu.memref_slice %arg18[%dma_start3A_391, %dma_start3A_392] : memref<32x3328xf32, #tpu.memory_space<vmem>> -> memref<32x128xf32, #tpu.memory_space<vmem>>
      %dma_start3A_394 = arith.constant 0 : i32
      %dma_start3A_395 = tpu.memref_slice %arg17[%dma_start3A_390, %dma_start3A_394] : memref<26x32xi32, #tpu.memory_space<vmem>> -> memref<1x32xi32, #tpu.memory_space<vmem>>
      %dma_start3A_396 = tpu.memref_squeeze %dma_start3A_395 : memref<1x32xi32, #tpu.memory_space<vmem>> -> memref<32xi32, #tpu.memory_space<vmem>>
      %dma_start3A_397 = arith.constant 0 : i32
      %dma_start3A_398 = arith.constant 0 : i32
      %dma_start3A_399 = tpu.memref_slice %arg12[%dma_start3A_397, %dma_start3A_398] : memref<100000x128xf32, #tpu.memory_space<hbm>> -> memref<100000x128xf32, #tpu.memory_space<hbm>>
      tpu.enqueue_indirect_dma source(%dma_start3A_399 : memref<100000x128xf32, #tpu.memory_space<hbm>>) target(%dma_start3A_393 : memref<32x128xf32, #tpu.memory_space<vmem>>) offsets(%dma_start3A_396 : memref<32xi32, #tpu.memory_space<vmem>>) semaphore(%arg20 : memref<!tpu.dma_semaphore, #tpu.memory_space<semaphore_mem>>)
      %dma_start3A_400 = arith.constant 20 : i32
      %dma_start3A_401 = arith.constant 0 : i32
      %dma_start3A_402 = arith.constant 2560 : i32
      %dma_start3A_403 = tpu.memref_slice %arg18[%dma_start3A_401, %dma_start3A_402] : memref<32x3328xf32, #tpu.memory_space<vmem>> -> memref<32x128xf32, #tpu.memory_space<vmem>>
      %dma_start3A_404 = arith.constant 0 : i32
      %dma_start3A_405 = tpu.memref_slice %arg17[%dma_start3A_400, %dma_start3A_404] : memref<26x32xi32, #tpu.memory_space<vmem>> -> memref<1x32xi32, #tpu.memory_space<vmem>>
      %dma_start3A_406 = tpu.memref_squeeze %dma_start3A_405 : memref<1x32xi32, #tpu.memory_space<vmem>> -> memref<32xi32, #tpu.memory_space<vmem>>
      %dma_start3A_407 = arith.constant 0 : i32
      %dma_start3A_408 = arith.constant 0 : i32
      %dma_start3A_409 = tpu.memref_slice %arg13[%dma_start3A_407, %dma_start3A_408] : memref<100000x128xf32, #tpu.memory_space<hbm>> -> memref<100000x128xf32, #tpu.memory_space<hbm>>
      tpu.enqueue_indirect_dma source(%dma_start3A_409 : memref<100000x128xf32, #tpu.memory_space<hbm>>) target(%dma_start3A_403 : memref<32x128xf32, #tpu.memory_space<vmem>>) offsets(%dma_start3A_406 : memref<32xi32, #tpu.memory_space<vmem>>) semaphore(%arg20 : memref<!tpu.dma_semaphore, #tpu.memory_space<semaphore_mem>>)
      %dma_start3A_410 = arith.constant 21 : i32
      %dma_start3A_411 = arith.constant 0 : i32
      %dma_start3A_412 = arith.constant 2688 : i32
      %dma_start3A_413 = tpu.memref_slice %arg18[%dma_start3A_411, %dma_start3A_412] : memref<32x3328xf32, #tpu.memory_space<vmem>> -> memref<32x128xf32, #tpu.memory_space<vmem>>
      %dma_start3A_414 = arith.constant 0 : i32
      %dma_start3A_415 = tpu.memref_slice %arg17[%dma_start3A_410, %dma_start3A_414] : memref<26x32xi32, #tpu.memory_space<vmem>> -> memref<1x32xi32, #tpu.memory_space<vmem>>
      %dma_start3A_416 = tpu.memref_squeeze %dma_start3A_415 : memref<1x32xi32, #tpu.memory_space<vmem>> -> memref<32xi32, #tpu.memory_space<vmem>>
      %dma_start3A_417 = arith.constant 0 : i32
      %dma_start3A_418 = arith.constant 0 : i32
      %dma_start3A_419 = tpu.memref_slice %arg13[%dma_start3A_417, %dma_start3A_418] : memref<100000x128xf32, #tpu.memory_space<hbm>> -> memref<100000x128xf32, #tpu.memory_space<hbm>>
      tpu.enqueue_indirect_dma source(%dma_start3A_419 : memref<100000x128xf32, #tpu.memory_space<hbm>>) target(%dma_start3A_413 : memref<32x128xf32, #tpu.memory_space<vmem>>) offsets(%dma_start3A_416 : memref<32xi32, #tpu.memory_space<vmem>>) semaphore(%arg20 : memref<!tpu.dma_semaphore, #tpu.memory_space<semaphore_mem>>)
      %dma_start3A_420 = arith.constant 22 : i32
      %dma_start3A_421 = arith.constant 0 : i32
      %dma_start3A_422 = arith.constant 2816 : i32
      %dma_start3A_423 = tpu.memref_slice %arg18[%dma_start3A_421, %dma_start3A_422] : memref<32x3328xf32, #tpu.memory_space<vmem>> -> memref<32x128xf32, #tpu.memory_space<vmem>>
      %dma_start3A_424 = arith.constant 0 : i32
      %dma_start3A_425 = tpu.memref_slice %arg17[%dma_start3A_420, %dma_start3A_424] : memref<26x32xi32, #tpu.memory_space<vmem>> -> memref<1x32xi32, #tpu.memory_space<vmem>>
      %dma_start3A_426 = tpu.memref_squeeze %dma_start3A_425 : memref<1x32xi32, #tpu.memory_space<vmem>> -> memref<32xi32, #tpu.memory_space<vmem>>
      %dma_start3A_427 = arith.constant 0 : i32
      %dma_start3A_428 = arith.constant 0 : i32
      %dma_start3A_429 = tpu.memref_slice %arg14[%dma_start3A_427, %dma_start3A_428] : memref<100000x128xf32, #tpu.memory_space<hbm>> -> memref<100000x128xf32, #tpu.memory_space<hbm>>
      tpu.enqueue_indirect_dma source(%dma_start3A_429 : memref<100000x128xf32, #tpu.memory_space<hbm>>) target(%dma_start3A_423 : memref<32x128xf32, #tpu.memory_space<vmem>>) offsets(%dma_start3A_426 : memref<32xi32, #tpu.memory_space<vmem>>) semaphore(%arg20 : memref<!tpu.dma_semaphore, #tpu.memory_space<semaphore_mem>>)
      %dma_start3A_430 = arith.constant 23 : i32
      %dma_start3A_431 = arith.constant 0 : i32
      %dma_start3A_432 = arith.constant 2944 : i32
      %dma_start3A_433 = tpu.memref_slice %arg18[%dma_start3A_431, %dma_start3A_432] : memref<32x3328xf32, #tpu.memory_space<vmem>> -> memref<32x128xf32, #tpu.memory_space<vmem>>
      %dma_start3A_434 = arith.constant 0 : i32
      %dma_start3A_435 = tpu.memref_slice %arg17[%dma_start3A_430, %dma_start3A_434] : memref<26x32xi32, #tpu.memory_space<vmem>> -> memref<1x32xi32, #tpu.memory_space<vmem>>
      %dma_start3A_436 = tpu.memref_squeeze %dma_start3A_435 : memref<1x32xi32, #tpu.memory_space<vmem>> -> memref<32xi32, #tpu.memory_space<vmem>>
      %dma_start3A_437 = arith.constant 0 : i32
      %dma_start3A_438 = arith.constant 0 : i32
      %dma_start3A_439 = tpu.memref_slice %arg14[%dma_start3A_437, %dma_start3A_438] : memref<100000x128xf32, #tpu.memory_space<hbm>> -> memref<100000x128xf32, #tpu.memory_space<hbm>>
      tpu.enqueue_indirect_dma source(%dma_start3A_439 : memref<100000x128xf32, #tpu.memory_space<hbm>>) target(%dma_start3A_433 : memref<32x128xf32, #tpu.memory_space<vmem>>) offsets(%dma_start3A_436 : memref<32xi32, #tpu.memory_space<vmem>>) semaphore(%arg20 : memref<!tpu.dma_semaphore, #tpu.memory_space<semaphore_mem>>)
      %dma_start3A_440 = arith.constant 24 : i32
      %dma_start3A_441 = arith.constant 0 : i32
      %dma_start3A_442 = arith.constant 3072 : i32
      %dma_start3A_443 = tpu.memref_slice %arg18[%dma_start3A_441, %dma_start3A_442] : memref<32x3328xf32, #tpu.memory_space<vmem>> -> memref<32x128xf32, #tpu.memory_space<vmem>>
      %dma_start3A_444 = arith.constant 0 : i32
      %dma_start3A_445 = tpu.memref_slice %arg17[%dma_start3A_440, %dma_start3A_444] : memref<26x32xi32, #tpu.memory_space<vmem>> -> memref<1x32xi32, #tpu.memory_space<vmem>>
      %dma_start3A_446 = tpu.memref_squeeze %dma_start3A_445 : memref<1x32xi32, #tpu.memory_space<vmem>> -> memref<32xi32, #tpu.memory_space<vmem>>
      %dma_start3A_447 = arith.constant 0 : i32
      %dma_start3A_448 = arith.constant 0 : i32
      %dma_start3A_449 = tpu.memref_slice %arg15[%dma_start3A_447, %dma_start3A_448] : memref<100000x128xf32, #tpu.memory_space<hbm>> -> memref<100000x128xf32, #tpu.memory_space<hbm>>
      tpu.enqueue_indirect_dma source(%dma_start3A_449 : memref<100000x128xf32, #tpu.memory_space<hbm>>) target(%dma_start3A_443 : memref<32x128xf32, #tpu.memory_space<vmem>>) offsets(%dma_start3A_446 : memref<32xi32, #tpu.memory_space<vmem>>) semaphore(%arg20 : memref<!tpu.dma_semaphore, #tpu.memory_space<semaphore_mem>>)
      %dma_start3A_450 = arith.constant 25 : i32
      %dma_start3A_451 = arith.constant 0 : i32
      %dma_start3A_452 = arith.constant 3200 : i32
      %dma_start3A_453 = tpu.memref_slice %arg18[%dma_start3A_451, %dma_start3A_452] : memref<32x3328xf32, #tpu.memory_space<vmem>> -> memref<32x128xf32, #tpu.memory_space<vmem>>
      %dma_start3A_454 = arith.constant 0 : i32
      %dma_start3A_455 = tpu.memref_slice %arg17[%dma_start3A_450, %dma_start3A_454] : memref<26x32xi32, #tpu.memory_space<vmem>> -> memref<1x32xi32, #tpu.memory_space<vmem>>
      %dma_start3A_456 = tpu.memref_squeeze %dma_start3A_455 : memref<1x32xi32, #tpu.memory_space<vmem>> -> memref<32xi32, #tpu.memory_space<vmem>>
      %dma_start3A_457 = arith.constant 0 : i32
      %dma_start3A_458 = arith.constant 0 : i32
      %dma_start3A_459 = tpu.memref_slice %arg15[%dma_start3A_457, %dma_start3A_458] : memref<100000x128xf32, #tpu.memory_space<hbm>> -> memref<100000x128xf32, #tpu.memory_space<hbm>>
      tpu.enqueue_indirect_dma source(%dma_start3A_459 : memref<100000x128xf32, #tpu.memory_space<hbm>>) target(%dma_start3A_453 : memref<32x128xf32, #tpu.memory_space<vmem>>) offsets(%dma_start3A_456 : memref<32xi32, #tpu.memory_space<vmem>>) semaphore(%arg20 : memref<!tpu.dma_semaphore, #tpu.memory_space<semaphore_mem>>)
      %dma_wait3A_460 = arith.constant 13 : i32
      %dma_wait3A_461 = arith.constant 0 : i32
      %dma_wait3A_462 = arith.constant 1664 : i32
      %dma_wait3A_463 = tpu.memref_slice %arg18[%dma_wait3A_461, %dma_wait3A_462] : memref<32x3328xf32, #tpu.memory_space<vmem>> -> memref<32x128xf32, #tpu.memory_space<vmem>>
      %dma_wait3A_464 = arith.constant 0 : i32
      %dma_wait3A_465 = tpu.memref_slice %arg17[%dma_wait3A_460, %dma_wait3A_464] : memref<26x32xi32, #tpu.memory_space<vmem>> -> memref<1x32xi32, #tpu.memory_space<vmem>>
      %dma_wait3A_466 = tpu.memref_squeeze %dma_wait3A_465 : memref<1x32xi32, #tpu.memory_space<vmem>> -> memref<32xi32, #tpu.memory_space<vmem>>
      %dma_wait3A_467 = arith.constant 0 : i32
      %dma_wait3A_468 = arith.constant 0 : i32
      %dma_wait3A_469 = tpu.memref_slice %arg9[%dma_wait3A_467, %dma_wait3A_468] : memref<100000x128xf32, #tpu.memory_space<hbm>> -> memref<100000x128xf32, #tpu.memory_space<hbm>>
      tpu.wait_indirect_dma semaphore(%arg20 : memref<!tpu.dma_semaphore, #tpu.memory_space<semaphore_mem>>) src(%dma_wait3A_469 : memref<100000x128xf32, #tpu.memory_space<hbm>>) dst(%dma_wait3A_463 : memref<32x128xf32, #tpu.memory_space<vmem>>)
      %dma_wait3A_470 = arith.constant 14 : i32
      %dma_wait3A_471 = arith.constant 0 : i32
      %dma_wait3A_472 = arith.constant 1792 : i32
      %dma_wait3A_473 = tpu.memref_slice %arg18[%dma_wait3A_471, %dma_wait3A_472] : memref<32x3328xf32, #tpu.memory_space<vmem>> -> memref<32x128xf32, #tpu.memory_space<vmem>>
      %dma_wait3A_474 = arith.constant 0 : i32
      %dma_wait3A_475 = tpu.memref_slice %arg17[%dma_wait3A_470, %dma_wait3A_474] : memref<26x32xi32, #tpu.memory_space<vmem>> -> memref<1x32xi32, #tpu.memory_space<vmem>>
      %dma_wait3A_476 = tpu.memref_squeeze %dma_wait3A_475 : memref<1x32xi32, #tpu.memory_space<vmem>> -> memref<32xi32, #tpu.memory_space<vmem>>
      %dma_wait3A_477 = arith.constant 0 : i32
      %dma_wait3A_478 = arith.constant 0 : i32
      %dma_wait3A_479 = tpu.memref_slice %arg10[%dma_wait3A_477, %dma_wait3A_478] : memref<100000x128xf32, #tpu.memory_space<hbm>> -> memref<100000x128xf32, #tpu.memory_space<hbm>>
      tpu.wait_indirect_dma semaphore(%arg20 : memref<!tpu.dma_semaphore, #tpu.memory_space<semaphore_mem>>) src(%dma_wait3A_479 : memref<100000x128xf32, #tpu.memory_space<hbm>>) dst(%dma_wait3A_473 : memref<32x128xf32, #tpu.memory_space<vmem>>)
      %dma_wait3A_480 = arith.constant 15 : i32
      %dma_wait3A_481 = arith.constant 0 : i32
      %dma_wait3A_482 = arith.constant 1920 : i32
      %dma_wait3A_483 = tpu.memref_slice %arg18[%dma_wait3A_481, %dma_wait3A_482] : memref<32x3328xf32, #tpu.memory_space<vmem>> -> memref<32x128xf32, #tpu.memory_space<vmem>>
      %dma_wait3A_484 = arith.constant 0 : i32
      %dma_wait3A_485 = tpu.memref_slice %arg17[%dma_wait3A_480, %dma_wait3A_484] : memref<26x32xi32, #tpu.memory_space<vmem>> -> memref<1x32xi32, #tpu.memory_space<vmem>>
      %dma_wait3A_486 = tpu.memref_squeeze %dma_wait3A_485 : memref<1x32xi32, #tpu.memory_space<vmem>> -> memref<32xi32, #tpu.memory_space<vmem>>
      %dma_wait3A_487 = arith.constant 0 : i32
      %dma_wait3A_488 = arith.constant 0 : i32
      %dma_wait3A_489 = tpu.memref_slice %arg10[%dma_wait3A_487, %dma_wait3A_488] : memref<100000x128xf32, #tpu.memory_space<hbm>> -> memref<100000x128xf32, #tpu.memory_space<hbm>>
      tpu.wait_indirect_dma semaphore(%arg20 : memref<!tpu.dma_semaphore, #tpu.memory_space<semaphore_mem>>) src(%dma_wait3A_489 : memref<100000x128xf32, #tpu.memory_space<hbm>>) dst(%dma_wait3A_483 : memref<32x128xf32, #tpu.memory_space<vmem>>)
      %dma_wait3A_490 = arith.constant 16 : i32
      %dma_wait3A_491 = arith.constant 0 : i32
      %dma_wait3A_492 = arith.constant 2048 : i32
      %dma_wait3A_493 = tpu.memref_slice %arg18[%dma_wait3A_491, %dma_wait3A_492] : memref<32x3328xf32, #tpu.memory_space<vmem>> -> memref<32x128xf32, #tpu.memory_space<vmem>>
      %dma_wait3A_494 = arith.constant 0 : i32
      %dma_wait3A_495 = tpu.memref_slice %arg17[%dma_wait3A_490, %dma_wait3A_494] : memref<26x32xi32, #tpu.memory_space<vmem>> -> memref<1x32xi32, #tpu.memory_space<vmem>>
      %dma_wait3A_496 = tpu.memref_squeeze %dma_wait3A_495 : memref<1x32xi32, #tpu.memory_space<vmem>> -> memref<32xi32, #tpu.memory_space<vmem>>
      %dma_wait3A_497 = arith.constant 0 : i32
      %dma_wait3A_498 = arith.constant 0 : i32
      %dma_wait3A_499 = tpu.memref_slice %arg11[%dma_wait3A_497, %dma_wait3A_498] : memref<100000x128xf32, #tpu.memory_space<hbm>> -> memref<100000x128xf32, #tpu.memory_space<hbm>>
      tpu.wait_indirect_dma semaphore(%arg20 : memref<!tpu.dma_semaphore, #tpu.memory_space<semaphore_mem>>) src(%dma_wait3A_499 : memref<100000x128xf32, #tpu.memory_space<hbm>>) dst(%dma_wait3A_493 : memref<32x128xf32, #tpu.memory_space<vmem>>)
      %dma_wait3A_500 = arith.constant 17 : i32
      %dma_wait3A_501 = arith.constant 0 : i32
      %dma_wait3A_502 = arith.constant 2176 : i32
      %dma_wait3A_503 = tpu.memref_slice %arg18[%dma_wait3A_501, %dma_wait3A_502] : memref<32x3328xf32, #tpu.memory_space<vmem>> -> memref<32x128xf32, #tpu.memory_space<vmem>>
      %dma_wait3A_504 = arith.constant 0 : i32
      %dma_wait3A_505 = tpu.memref_slice %arg17[%dma_wait3A_500, %dma_wait3A_504] : memref<26x32xi32, #tpu.memory_space<vmem>> -> memref<1x32xi32, #tpu.memory_space<vmem>>
      %dma_wait3A_506 = tpu.memref_squeeze %dma_wait3A_505 : memref<1x32xi32, #tpu.memory_space<vmem>> -> memref<32xi32, #tpu.memory_space<vmem>>
      %dma_wait3A_507 = arith.constant 0 : i32
      %dma_wait3A_508 = arith.constant 0 : i32
      %dma_wait3A_509 = tpu.memref_slice %arg11[%dma_wait3A_507, %dma_wait3A_508] : memref<100000x128xf32, #tpu.memory_space<hbm>> -> memref<100000x128xf32, #tpu.memory_space<hbm>>
      tpu.wait_indirect_dma semaphore(%arg20 : memref<!tpu.dma_semaphore, #tpu.memory_space<semaphore_mem>>) src(%dma_wait3A_509 : memref<100000x128xf32, #tpu.memory_space<hbm>>) dst(%dma_wait3A_503 : memref<32x128xf32, #tpu.memory_space<vmem>>)
      %dma_wait3A_510 = arith.constant 18 : i32
      %dma_wait3A_511 = arith.constant 0 : i32
      %dma_wait3A_512 = arith.constant 2304 : i32
      %dma_wait3A_513 = tpu.memref_slice %arg18[%dma_wait3A_511, %dma_wait3A_512] : memref<32x3328xf32, #tpu.memory_space<vmem>> -> memref<32x128xf32, #tpu.memory_space<vmem>>
      %dma_wait3A_514 = arith.constant 0 : i32
      %dma_wait3A_515 = tpu.memref_slice %arg17[%dma_wait3A_510, %dma_wait3A_514] : memref<26x32xi32, #tpu.memory_space<vmem>> -> memref<1x32xi32, #tpu.memory_space<vmem>>
      %dma_wait3A_516 = tpu.memref_squeeze %dma_wait3A_515 : memref<1x32xi32, #tpu.memory_space<vmem>> -> memref<32xi32, #tpu.memory_space<vmem>>
      %dma_wait3A_517 = arith.constant 0 : i32
      %dma_wait3A_518 = arith.constant 0 : i32
      %dma_wait3A_519 = tpu.memref_slice %arg12[%dma_wait3A_517, %dma_wait3A_518] : memref<100000x128xf32, #tpu.memory_space<hbm>> -> memref<100000x128xf32, #tpu.memory_space<hbm>>
      tpu.wait_indirect_dma semaphore(%arg20 : memref<!tpu.dma_semaphore, #tpu.memory_space<semaphore_mem>>) src(%dma_wait3A_519 : memref<100000x128xf32, #tpu.memory_space<hbm>>) dst(%dma_wait3A_513 : memref<32x128xf32, #tpu.memory_space<vmem>>)
      %dma_wait3A_520 = arith.constant 19 : i32
      %dma_wait3A_521 = arith.constant 0 : i32
      %dma_wait3A_522 = arith.constant 2432 : i32
      %dma_wait3A_523 = tpu.memref_slice %arg18[%dma_wait3A_521, %dma_wait3A_522] : memref<32x3328xf32, #tpu.memory_space<vmem>> -> memref<32x128xf32, #tpu.memory_space<vmem>>
      %dma_wait3A_524 = arith.constant 0 : i32
      %dma_wait3A_525 = tpu.memref_slice %arg17[%dma_wait3A_520, %dma_wait3A_524] : memref<26x32xi32, #tpu.memory_space<vmem>> -> memref<1x32xi32, #tpu.memory_space<vmem>>
      %dma_wait3A_526 = tpu.memref_squeeze %dma_wait3A_525 : memref<1x32xi32, #tpu.memory_space<vmem>> -> memref<32xi32, #tpu.memory_space<vmem>>
      %dma_wait3A_527 = arith.constant 0 : i32
      %dma_wait3A_528 = arith.constant 0 : i32
      %dma_wait3A_529 = tpu.memref_slice %arg12[%dma_wait3A_527, %dma_wait3A_528] : memref<100000x128xf32, #tpu.memory_space<hbm>> -> memref<100000x128xf32, #tpu.memory_space<hbm>>
      tpu.wait_indirect_dma semaphore(%arg20 : memref<!tpu.dma_semaphore, #tpu.memory_space<semaphore_mem>>) src(%dma_wait3A_529 : memref<100000x128xf32, #tpu.memory_space<hbm>>) dst(%dma_wait3A_523 : memref<32x128xf32, #tpu.memory_space<vmem>>)
      %dma_wait3A_530 = arith.constant 20 : i32
      %dma_wait3A_531 = arith.constant 0 : i32
      %dma_wait3A_532 = arith.constant 2560 : i32
      %dma_wait3A_533 = tpu.memref_slice %arg18[%dma_wait3A_531, %dma_wait3A_532] : memref<32x3328xf32, #tpu.memory_space<vmem>> -> memref<32x128xf32, #tpu.memory_space<vmem>>
      %dma_wait3A_534 = arith.constant 0 : i32
      %dma_wait3A_535 = tpu.memref_slice %arg17[%dma_wait3A_530, %dma_wait3A_534] : memref<26x32xi32, #tpu.memory_space<vmem>> -> memref<1x32xi32, #tpu.memory_space<vmem>>
      %dma_wait3A_536 = tpu.memref_squeeze %dma_wait3A_535 : memref<1x32xi32, #tpu.memory_space<vmem>> -> memref<32xi32, #tpu.memory_space<vmem>>
      %dma_wait3A_537 = arith.constant 0 : i32
      %dma_wait3A_538 = arith.constant 0 : i32
      %dma_wait3A_539 = tpu.memref_slice %arg13[%dma_wait3A_537, %dma_wait3A_538] : memref<100000x128xf32, #tpu.memory_space<hbm>> -> memref<100000x128xf32, #tpu.memory_space<hbm>>
      tpu.wait_indirect_dma semaphore(%arg20 : memref<!tpu.dma_semaphore, #tpu.memory_space<semaphore_mem>>) src(%dma_wait3A_539 : memref<100000x128xf32, #tpu.memory_space<hbm>>) dst(%dma_wait3A_533 : memref<32x128xf32, #tpu.memory_space<vmem>>)
      %dma_wait3A_540 = arith.constant 21 : i32
      %dma_wait3A_541 = arith.constant 0 : i32
      %dma_wait3A_542 = arith.constant 2688 : i32
      %dma_wait3A_543 = tpu.memref_slice %arg18[%dma_wait3A_541, %dma_wait3A_542] : memref<32x3328xf32, #tpu.memory_space<vmem>> -> memref<32x128xf32, #tpu.memory_space<vmem>>
      %dma_wait3A_544 = arith.constant 0 : i32
      %dma_wait3A_545 = tpu.memref_slice %arg17[%dma_wait3A_540, %dma_wait3A_544] : memref<26x32xi32, #tpu.memory_space<vmem>> -> memref<1x32xi32, #tpu.memory_space<vmem>>
      %dma_wait3A_546 = tpu.memref_squeeze %dma_wait3A_545 : memref<1x32xi32, #tpu.memory_space<vmem>> -> memref<32xi32, #tpu.memory_space<vmem>>
      %dma_wait3A_547 = arith.constant 0 : i32
      %dma_wait3A_548 = arith.constant 0 : i32
      %dma_wait3A_549 = tpu.memref_slice %arg13[%dma_wait3A_547, %dma_wait3A_548] : memref<100000x128xf32, #tpu.memory_space<hbm>> -> memref<100000x128xf32, #tpu.memory_space<hbm>>
      tpu.wait_indirect_dma semaphore(%arg20 : memref<!tpu.dma_semaphore, #tpu.memory_space<semaphore_mem>>) src(%dma_wait3A_549 : memref<100000x128xf32, #tpu.memory_space<hbm>>) dst(%dma_wait3A_543 : memref<32x128xf32, #tpu.memory_space<vmem>>)
      %dma_wait3A_550 = arith.constant 22 : i32
      %dma_wait3A_551 = arith.constant 0 : i32
      %dma_wait3A_552 = arith.constant 2816 : i32
      %dma_wait3A_553 = tpu.memref_slice %arg18[%dma_wait3A_551, %dma_wait3A_552] : memref<32x3328xf32, #tpu.memory_space<vmem>> -> memref<32x128xf32, #tpu.memory_space<vmem>>
      %dma_wait3A_554 = arith.constant 0 : i32
      %dma_wait3A_555 = tpu.memref_slice %arg17[%dma_wait3A_550, %dma_wait3A_554] : memref<26x32xi32, #tpu.memory_space<vmem>> -> memref<1x32xi32, #tpu.memory_space<vmem>>
      %dma_wait3A_556 = tpu.memref_squeeze %dma_wait3A_555 : memref<1x32xi32, #tpu.memory_space<vmem>> -> memref<32xi32, #tpu.memory_space<vmem>>
      %dma_wait3A_557 = arith.constant 0 : i32
      %dma_wait3A_558 = arith.constant 0 : i32
      %dma_wait3A_559 = tpu.memref_slice %arg14[%dma_wait3A_557, %dma_wait3A_558] : memref<100000x128xf32, #tpu.memory_space<hbm>> -> memref<100000x128xf32, #tpu.memory_space<hbm>>
      tpu.wait_indirect_dma semaphore(%arg20 : memref<!tpu.dma_semaphore, #tpu.memory_space<semaphore_mem>>) src(%dma_wait3A_559 : memref<100000x128xf32, #tpu.memory_space<hbm>>) dst(%dma_wait3A_553 : memref<32x128xf32, #tpu.memory_space<vmem>>)
      %dma_wait3A_560 = arith.constant 23 : i32
      %dma_wait3A_561 = arith.constant 0 : i32
      %dma_wait3A_562 = arith.constant 2944 : i32
      %dma_wait3A_563 = tpu.memref_slice %arg18[%dma_wait3A_561, %dma_wait3A_562] : memref<32x3328xf32, #tpu.memory_space<vmem>> -> memref<32x128xf32, #tpu.memory_space<vmem>>
      %dma_wait3A_564 = arith.constant 0 : i32
      %dma_wait3A_565 = tpu.memref_slice %arg17[%dma_wait3A_560, %dma_wait3A_564] : memref<26x32xi32, #tpu.memory_space<vmem>> -> memref<1x32xi32, #tpu.memory_space<vmem>>
      %dma_wait3A_566 = tpu.memref_squeeze %dma_wait3A_565 : memref<1x32xi32, #tpu.memory_space<vmem>> -> memref<32xi32, #tpu.memory_space<vmem>>
      %dma_wait3A_567 = arith.constant 0 : i32
      %dma_wait3A_568 = arith.constant 0 : i32
      %dma_wait3A_569 = tpu.memref_slice %arg14[%dma_wait3A_567, %dma_wait3A_568] : memref<100000x128xf32, #tpu.memory_space<hbm>> -> memref<100000x128xf32, #tpu.memory_space<hbm>>
      tpu.wait_indirect_dma semaphore(%arg20 : memref<!tpu.dma_semaphore, #tpu.memory_space<semaphore_mem>>) src(%dma_wait3A_569 : memref<100000x128xf32, #tpu.memory_space<hbm>>) dst(%dma_wait3A_563 : memref<32x128xf32, #tpu.memory_space<vmem>>)
      %dma_wait3A_570 = arith.constant 24 : i32
      %dma_wait3A_571 = arith.constant 0 : i32
      %dma_wait3A_572 = arith.constant 3072 : i32
      %dma_wait3A_573 = tpu.memref_slice %arg18[%dma_wait3A_571, %dma_wait3A_572] : memref<32x3328xf32, #tpu.memory_space<vmem>> -> memref<32x128xf32, #tpu.memory_space<vmem>>
      %dma_wait3A_574 = arith.constant 0 : i32
      %dma_wait3A_575 = tpu.memref_slice %arg17[%dma_wait3A_570, %dma_wait3A_574] : memref<26x32xi32, #tpu.memory_space<vmem>> -> memref<1x32xi32, #tpu.memory_space<vmem>>
      %dma_wait3A_576 = tpu.memref_squeeze %dma_wait3A_575 : memref<1x32xi32, #tpu.memory_space<vmem>> -> memref<32xi32, #tpu.memory_space<vmem>>
      %dma_wait3A_577 = arith.constant 0 : i32
      %dma_wait3A_578 = arith.constant 0 : i32
      %dma_wait3A_579 = tpu.memref_slice %arg15[%dma_wait3A_577, %dma_wait3A_578] : memref<100000x128xf32, #tpu.memory_space<hbm>> -> memref<100000x128xf32, #tpu.memory_space<hbm>>
      tpu.wait_indirect_dma semaphore(%arg20 : memref<!tpu.dma_semaphore, #tpu.memory_space<semaphore_mem>>) src(%dma_wait3A_579 : memref<100000x128xf32, #tpu.memory_space<hbm>>) dst(%dma_wait3A_573 : memref<32x128xf32, #tpu.memory_space<vmem>>)
      %dma_wait3A_580 = arith.constant 25 : i32
      %dma_wait3A_581 = arith.constant 0 : i32
      %dma_wait3A_582 = arith.constant 3200 : i32
      %dma_wait3A_583 = tpu.memref_slice %arg18[%dma_wait3A_581, %dma_wait3A_582] : memref<32x3328xf32, #tpu.memory_space<vmem>> -> memref<32x128xf32, #tpu.memory_space<vmem>>
      %dma_wait3A_584 = arith.constant 0 : i32
      %dma_wait3A_585 = tpu.memref_slice %arg17[%dma_wait3A_580, %dma_wait3A_584] : memref<26x32xi32, #tpu.memory_space<vmem>> -> memref<1x32xi32, #tpu.memory_space<vmem>>
      %dma_wait3A_586 = tpu.memref_squeeze %dma_wait3A_585 : memref<1x32xi32, #tpu.memory_space<vmem>> -> memref<32xi32, #tpu.memory_space<vmem>>
      %dma_wait3A_587 = arith.constant 0 : i32
      %dma_wait3A_588 = arith.constant 0 : i32
      %dma_wait3A_589 = tpu.memref_slice %arg15[%dma_wait3A_587, %dma_wait3A_588] : memref<100000x128xf32, #tpu.memory_space<hbm>> -> memref<100000x128xf32, #tpu.memory_space<hbm>>
      tpu.wait_indirect_dma semaphore(%arg20 : memref<!tpu.dma_semaphore, #tpu.memory_space<semaphore_mem>>) src(%dma_wait3A_589 : memref<100000x128xf32, #tpu.memory_space<hbm>>) dst(%dma_wait3A_583 : memref<32x128xf32, #tpu.memory_space<vmem>>)
      %dma_start3A_590 = arith.constant 0 : i32
      %dma_start3A_591 = arith.constant 1664 : i32
      %dma_start3A_592 = tpu.memref_slice %arg18[%dma_start3A_590, %dma_start3A_591] : memref<32x3328xf32, #tpu.memory_space<vmem>> -> memref<32x1664xf32, #tpu.memory_space<vmem>>
      %dma_start3A_593 = arith.constant 1664 : i32
      %dma_start3A_594 = tpu.memref_slice %arg16[%add3A_329, %dma_start3A_593] : memref<16384x3328xf32, #tpu.memory_space<hbm>> -> memref<32x1664xf32, #tpu.memory_space<hbm>>
      %dma_start3A_595 = arith.constant 1664 : i32
      %dma_start3A_596 = tpu.memref_slice %arg16[%add3A_329, %dma_start3A_595] : memref<16384x3328xf32, #tpu.memory_space<hbm>> -> memref<32x1664xf32, #tpu.memory_space<hbm>>
      %dma_start3A_597 = arith.constant 0 : i32
      %dma_start3A_598 = arith.constant 1664 : i32
      %dma_start3A_599 = tpu.memref_slice %arg18[%dma_start3A_597, %dma_start3A_598] : memref<32x3328xf32, #tpu.memory_space<vmem>> -> memref<32x1664xf32, #tpu.memory_space<vmem>>
      tpu.enqueue_dma source(%dma_start3A_599 : memref<32x1664xf32, #tpu.memory_space<vmem>>) target(%dma_start3A_596 : memref<32x1664xf32, #tpu.memory_space<hbm>>) target_semaphore(%arg21 : memref<!tpu.dma_semaphore, #tpu.memory_space<semaphore_mem>>)
    }
    %scan3A_4 = arith.constant 16 : i32
    %dma_wait3A = arith.constant 0 : i32
    %dma_wait3A_5 = arith.constant 0 : i32
    %dma_wait3A_6 = tpu.memref_slice %arg18[%dma_wait3A, %dma_wait3A_5] : memref<32x3328xf32, #tpu.memory_space<vmem>> -> memref<32x1664xf32, #tpu.memory_space<vmem>>
    %dma_wait3A_7 = arith.constant 0 : i32
    %dma_wait3A_8 = arith.constant 0 : i32
    %dma_wait3A_9 = tpu.memref_slice %arg16[%dma_wait3A_7, %dma_wait3A_8] : memref<16384x3328xf32, #tpu.memory_space<hbm>> -> memref<32x1664xf32, #tpu.memory_space<hbm>>
    %dma_wait3A_10 = arith.constant 0 : i32
    %dma_wait3A_11 = arith.constant 0 : i32
    %dma_wait3A_12 = tpu.memref_slice %arg16[%dma_wait3A_10, %dma_wait3A_11] : memref<16384x3328xf32, #tpu.memory_space<hbm>> -> memref<32x1664xf32, #tpu.memory_space<hbm>>
    %dma_wait3A_13 = arith.constant 0 : i32
    %dma_wait3A_14 = arith.constant 0 : i32
    %dma_wait3A_15 = tpu.memref_slice %arg18[%dma_wait3A_13, %dma_wait3A_14] : memref<32x3328xf32, #tpu.memory_space<vmem>> -> memref<32x1664xf32, #tpu.memory_space<vmem>>
    tpu.wait_dma2 semaphore(%arg21 : memref<!tpu.dma_semaphore, #tpu.memory_space<semaphore_mem>>) src(%dma_wait3A_15 : memref<32x1664xf32, #tpu.memory_space<vmem>>) dst(%dma_wait3A_12 : memref<32x1664xf32, #tpu.memory_space<hbm>>)
    %dma_wait3A_16 = arith.constant 0 : i32
    %dma_wait3A_17 = arith.constant 0 : i32
    %dma_wait3A_18 = tpu.memref_slice %arg18[%dma_wait3A_16, %dma_wait3A_17] : memref<32x3328xf32, #tpu.memory_space<vmem>> -> memref<32x1664xf32, #tpu.memory_space<vmem>>
    %dma_wait3A_19 = arith.constant 0 : i32
    %dma_wait3A_20 = arith.constant 0 : i32
    %dma_wait3A_21 = tpu.memref_slice %arg16[%dma_wait3A_19, %dma_wait3A_20] : memref<16384x3328xf32, #tpu.memory_space<hbm>> -> memref<32x1664xf32, #tpu.memory_space<hbm>>
    %dma_wait3A_22 = arith.constant 0 : i32
    %dma_wait3A_23 = arith.constant 0 : i32
    %dma_wait3A_24 = tpu.memref_slice %arg16[%dma_wait3A_22, %dma_wait3A_23] : memref<16384x3328xf32, #tpu.memory_space<hbm>> -> memref<32x1664xf32, #tpu.memory_space<hbm>>
    %dma_wait3A_25 = arith.constant 0 : i32
    %dma_wait3A_26 = arith.constant 0 : i32
    %dma_wait3A_27 = tpu.memref_slice %arg18[%dma_wait3A_25, %dma_wait3A_26] : memref<32x3328xf32, #tpu.memory_space<vmem>> -> memref<32x1664xf32, #tpu.memory_space<vmem>>
    tpu.wait_dma2 semaphore(%arg21 : memref<!tpu.dma_semaphore, #tpu.memory_space<semaphore_mem>>) src(%dma_wait3A_27 : memref<32x1664xf32, #tpu.memory_space<vmem>>) dst(%dma_wait3A_24 : memref<32x1664xf32, #tpu.memory_space<hbm>>)
    return
  }
}

module attributes {stable_mosaic.version = 14 : i64} {
  func.func @body(%arg0: i32, %arg1: memref<11x2048xf32, #tpu.memory_space<vmem>>, %arg2: memref<32x2048xf32, #tpu.memory_space<vmem>>, %arg3: memref<1x2048xf32, #tpu.memory_space<vmem>>, %arg4: memref<8x2048xf32, #tpu.memory_space<vmem>>, %arg5: memref<10x2048xf32, #tpu.memory_space<vmem>>, %arg6: memref<28x2048xf32, #tpu.memory_space<vmem>>, %arg7: memref<26x2048xf32, #tpu.memory_space<vmem>>, %arg8: memref<10x2048xf32, #tpu.memory_space<vmem>>, %arg9: memref<30x2048xf32, #tpu.memory_space<vmem>>, %arg10: memref<18x2048xf32, #tpu.memory_space<vmem>>, %arg11: memref<34x2048xf32, #tpu.memory_space<vmem>>, %arg12: memref<7x2048xf32, #tpu.memory_space<vmem>>, %arg13: memref<37x2048xf32, #tpu.memory_space<vmem>>, %arg14: memref<39x2048xf32, #tpu.memory_space<vmem>>, %arg15: memref<24x2048xf32, #tpu.memory_space<vmem>>, %arg16: memref<5x2048xf32, #tpu.memory_space<vmem>>, %arg17: memref<47x2048xf32, #tpu.memory_space<vmem>>, %arg18: memref<27x2048xf32, #tpu.memory_space<vmem>>, %arg19: memref<33x2048xf32, #tpu.memory_space<vmem>>, %arg20: memref<30x2048xf32, #tpu.memory_space<vmem>>, %arg21: memref<1x2048xf32, #tpu.memory_space<vmem>>, %arg22: memref<29x2048xf32, #tpu.memory_space<vmem>>, %arg23: memref<45x2048xf32, #tpu.memory_space<vmem>>, %arg24: memref<14x2048xf32, #tpu.memory_space<vmem>>, %arg25: memref<24x2048xf32, #tpu.memory_space<vmem>>, %arg26: memref<17x2048xf32, #tpu.memory_space<vmem>>, %arg27: memref<43x128xbf16, #tpu.memory_space<vmem>>, %arg28: memref<9x128xbf16, #tpu.memory_space<vmem>>, %arg29: memref<38x128xbf16, #tpu.memory_space<vmem>>, %arg30: memref<36x128xbf16, #tpu.memory_space<vmem>>, %arg31: memref<48x128xbf16, #tpu.memory_space<vmem>>, %arg32: memref<41x128xbf16, #tpu.memory_space<vmem>>, %arg33: memref<76x128xbf16, #tpu.memory_space<vmem>>, %arg34: memref<29x128xbf16, #tpu.memory_space<vmem>>, %arg35: memref<74x128xbf16, #tpu.memory_space<vmem>>, %arg36: memref<63x128xbf16, #tpu.memory_space<vmem>>, %arg37: memref<30x128xbf16, #tpu.memory_space<vmem>>, %arg38: memref<59x128xbf16, #tpu.memory_space<vmem>>, %arg39: memref<41x128xbf16, #tpu.memory_space<vmem>>, %arg40: memref<2048x128xf32, #tpu.memory_space<vmem>>, %arg41: memref<2048x128xf32, #tpu.memory_space<vmem>>, %arg42: memref<2048x128xf32, #tpu.memory_space<vmem>>, %arg43: memref<2048x128xf32, #tpu.memory_space<vmem>>, %arg44: memref<2048x128xf32, #tpu.memory_space<vmem>>, %arg45: memref<2048x128xf32, #tpu.memory_space<vmem>>, %arg46: memref<2048x128xf32, #tpu.memory_space<vmem>>, %arg47: memref<2048x128xf32, #tpu.memory_space<vmem>>, %arg48: memref<2048x128xf32, #tpu.memory_space<vmem>>, %arg49: memref<2048x128xf32, #tpu.memory_space<vmem>>, %arg50: memref<2048x128xf32, #tpu.memory_space<vmem>>, %arg51: memref<2048x128xf32, #tpu.memory_space<vmem>>, %arg52: memref<2048x128xf32, #tpu.memory_space<vmem>>) attributes {dimension_semantics = [#tpu.dimension_semantics<arbitrary>], iteration_bounds = array<i64: 49>, scalar_prefetch = 0 : i64, scratch_operands = 0 : i64, tpu.core_type = #tpu.core_type<tc>, window_params = [{transform_indices = @transform_0, window_bounds = array<i64: 11, 2048>}, {transform_indices = @transform_1, window_bounds = array<i64: 32, 2048>}, {transform_indices = @transform_2, window_bounds = array<i64: 1, 2048>}, {transform_indices = @transform_3, window_bounds = array<i64: 8, 2048>}, {transform_indices = @transform_4, window_bounds = array<i64: 10, 2048>}, {transform_indices = @transform_5, window_bounds = array<i64: 28, 2048>}, {transform_indices = @transform_6, window_bounds = array<i64: 26, 2048>}, {transform_indices = @transform_7, window_bounds = array<i64: 10, 2048>}, {transform_indices = @transform_8, window_bounds = array<i64: 30, 2048>}, {transform_indices = @transform_9, window_bounds = array<i64: 18, 2048>}, {transform_indices = @transform_10, window_bounds = array<i64: 34, 2048>}, {transform_indices = @transform_11, window_bounds = array<i64: 7, 2048>}, {transform_indices = @transform_12, window_bounds = array<i64: 37, 2048>}, {transform_indices = @transform_13, window_bounds = array<i64: 39, 2048>}, {transform_indices = @transform_14, window_bounds = array<i64: 24, 2048>}, {transform_indices = @transform_15, window_bounds = array<i64: 5, 2048>}, {transform_indices = @transform_16, window_bounds = array<i64: 47, 2048>}, {transform_indices = @transform_17, window_bounds = array<i64: 27, 2048>}, {transform_indices = @transform_18, window_bounds = array<i64: 33, 2048>}, {transform_indices = @transform_19, window_bounds = array<i64: 30, 2048>}, {transform_indices = @transform_20, window_bounds = array<i64: 1, 2048>}, {transform_indices = @transform_21, window_bounds = array<i64: 29, 2048>}, {transform_indices = @transform_22, window_bounds = array<i64: 45, 2048>}, {transform_indices = @transform_23, window_bounds = array<i64: 14, 2048>}, {transform_indices = @transform_24, window_bounds = array<i64: 24, 2048>}, {transform_indices = @transform_25, window_bounds = array<i64: 17, 2048>}, {pipeline_mode = #tpu.pipeline_mode<synchronous>, transform_indices = @transform_26, window_bounds = array<i64: 43, 128>}, {pipeline_mode = #tpu.pipeline_mode<synchronous>, transform_indices = @transform_27, window_bounds = array<i64: 9, 128>}, {pipeline_mode = #tpu.pipeline_mode<synchronous>, transform_indices = @transform_28, window_bounds = array<i64: 38, 128>}, {pipeline_mode = #tpu.pipeline_mode<synchronous>, transform_indices = @transform_29, window_bounds = array<i64: 36, 128>}, {pipeline_mode = #tpu.pipeline_mode<synchronous>, transform_indices = @transform_30, window_bounds = array<i64: 48, 128>}, {pipeline_mode = #tpu.pipeline_mode<synchronous>, transform_indices = @transform_31, window_bounds = array<i64: 41, 128>}, {pipeline_mode = #tpu.pipeline_mode<synchronous>, transform_indices = @transform_32, window_bounds = array<i64: 76, 128>}, {pipeline_mode = #tpu.pipeline_mode<synchronous>, transform_indices = @transform_33, window_bounds = array<i64: 29, 128>}, {pipeline_mode = #tpu.pipeline_mode<synchronous>, transform_indices = @transform_34, window_bounds = array<i64: 74, 128>}, {pipeline_mode = #tpu.pipeline_mode<synchronous>, transform_indices = @transform_35, window_bounds = array<i64: 63, 128>}, {pipeline_mode = #tpu.pipeline_mode<synchronous>, transform_indices = @transform_36, window_bounds = array<i64: 30, 128>}, {pipeline_mode = #tpu.pipeline_mode<synchronous>, transform_indices = @transform_37, window_bounds = array<i64: 59, 128>}, {pipeline_mode = #tpu.pipeline_mode<synchronous>, transform_indices = @transform_38, window_bounds = array<i64: 41, 128>}, {transform_indices = @transform_39, window_bounds = array<i64: 2048, 128>}, {transform_indices = @transform_40, window_bounds = array<i64: 2048, 128>}, {transform_indices = @transform_41, window_bounds = array<i64: 2048, 128>}, {transform_indices = @transform_42, window_bounds = array<i64: 2048, 128>}, {transform_indices = @transform_43, window_bounds = array<i64: 2048, 128>}, {transform_indices = @transform_44, window_bounds = array<i64: 2048, 128>}, {transform_indices = @transform_45, window_bounds = array<i64: 2048, 128>}, {transform_indices = @transform_46, window_bounds = array<i64: 2048, 128>}, {transform_indices = @transform_47, window_bounds = array<i64: 2048, 128>}, {transform_indices = @transform_48, window_bounds = array<i64: 2048, 128>}, {transform_indices = @transform_49, window_bounds = array<i64: 2048, 128>}, {transform_indices = @transform_50, window_bounds = array<i64: 2048, 128>}, {transform_indices = @transform_51, window_bounds = array<i64: 2048, 128>}]} {
    %get3A = arith.constant 0 : index
    %get3A_0 = arith.constant 0 : index
    %get3A_1 = vector.load %arg1[%get3A, %get3A_0] : memref<11x2048xf32, #tpu.memory_space<vmem>>, vector<11x2048xf32>
    %get3A_2 = arith.constant 0 : index
    %get3A_3 = arith.constant 0 : index
    %get3A_4 = vector.load %arg2[%get3A_2, %get3A_3] : memref<32x2048xf32, #tpu.memory_space<vmem>>, vector<32x2048xf32>
    %concatenate3A = tpu.concatenate %get3A_1, %get3A_4 in 0 : vector<11x2048xf32>, vector<32x2048xf32> -> vector<43x2048xf32>
    %convert_element_type3A = arith.truncf %concatenate3A : vector<43x2048xf32> to vector<43x2048xbf16>
    %get3A_5 = arith.constant 0 : index
    %get3A_6 = arith.constant 0 : index
    %get3A_7 = vector.load %arg27[%get3A_5, %get3A_6] : memref<43x128xbf16, #tpu.memory_space<vmem>>, vector<43x128xbf16>
    %dot_general3A = arith.constant dense<0.000000e+00> : vector<2048x128xf32>
    %dot_general3A_8 = tpu.matmul %convert_element_type3A, %get3A_7, %dot_general3A {dimension_numbers = #tpu.dot_dimension_numbers<[0], [0], [1], [1], [0, 1, 1, 1], [], []>, transpose_lhs_hint = false} : vector<43x2048xbf16>, vector<43x128xbf16>, vector<2048x128xf32> -> vector<2048x128xf32>
    %swap3A = arith.constant 0 : index
    %swap3A_9 = arith.constant 0 : index
    %swap3A_10 = vector.load %arg40[%swap3A, %swap3A_9] : memref<2048x128xf32, #tpu.memory_space<vmem>>, vector<2048x128xf32>
    tpu.vector_store %arg40[%swap3A, %swap3A_9], %dot_general3A_8 {strides = array<i32>} : memref<2048x128xf32, #tpu.memory_space<vmem>>, vector<2048x128xf32>,
    %get3A_11 = arith.constant 0 : index
    %get3A_12 = arith.constant 0 : index
    %get3A_13 = vector.load %arg3[%get3A_11, %get3A_12] : memref<1x2048xf32, #tpu.memory_space<vmem>>, vector<1x2048xf32>
    %get3A_14 = arith.constant 0 : index
    %get3A_15 = arith.constant 0 : index
    %get3A_16 = vector.load %arg4[%get3A_14, %get3A_15] : memref<8x2048xf32, #tpu.memory_space<vmem>>, vector<8x2048xf32>
    %concatenate3A_17 = tpu.concatenate %get3A_13, %get3A_16 in 0 : vector<1x2048xf32>, vector<8x2048xf32> -> vector<9x2048xf32>
    %convert_element_type3A_18 = arith.truncf %concatenate3A_17 : vector<9x2048xf32> to vector<9x2048xbf16>
    %get3A_19 = arith.constant 0 : index
    %get3A_20 = arith.constant 0 : index
    %get3A_21 = vector.load %arg28[%get3A_19, %get3A_20] : memref<9x128xbf16, #tpu.memory_space<vmem>>, vector<9x128xbf16>
    %dot_general3A_22 = arith.constant dense<0.000000e+00> : vector<2048x128xf32>
    %dot_general3A_23 = tpu.matmul %convert_element_type3A_18, %get3A_21, %dot_general3A_22 {dimension_numbers = #tpu.dot_dimension_numbers<[0], [0], [1], [1], [0, 1, 1, 1], [], []>, transpose_lhs_hint = false} : vector<9x2048xbf16>, vector<9x128xbf16>, vector<2048x128xf32> -> vector<2048x128xf32>
    %swap3A_24 = arith.constant 0 : index
    %swap3A_25 = arith.constant 0 : index
    %swap3A_26 = vector.load %arg41[%swap3A_24, %swap3A_25] : memref<2048x128xf32, #tpu.memory_space<vmem>>, vector<2048x128xf32>
    tpu.vector_store %arg41[%swap3A_24, %swap3A_25], %dot_general3A_23 {strides = array<i32>} : memref<2048x128xf32, #tpu.memory_space<vmem>>, vector<2048x128xf32>,
    %get3A_27 = arith.constant 0 : index
    %get3A_28 = arith.constant 0 : index
    %get3A_29 = vector.load %arg5[%get3A_27, %get3A_28] : memref<10x2048xf32, #tpu.memory_space<vmem>>, vector<10x2048xf32>
    %get3A_30 = arith.constant 0 : index
    %get3A_31 = arith.constant 0 : index
    %get3A_32 = vector.load %arg6[%get3A_30, %get3A_31] : memref<28x2048xf32, #tpu.memory_space<vmem>>, vector<28x2048xf32>
    %concatenate3A_33 = tpu.concatenate %get3A_29, %get3A_32 in 0 : vector<10x2048xf32>, vector<28x2048xf32> -> vector<38x2048xf32>
    %convert_element_type3A_34 = arith.truncf %concatenate3A_33 : vector<38x2048xf32> to vector<38x2048xbf16>
    %get3A_35 = arith.constant 0 : index
    %get3A_36 = arith.constant 0 : index
    %get3A_37 = vector.load %arg29[%get3A_35, %get3A_36] : memref<38x128xbf16, #tpu.memory_space<vmem>>, vector<38x128xbf16>
    %dot_general3A_38 = arith.constant dense<0.000000e+00> : vector<2048x128xf32>
    %dot_general3A_39 = tpu.matmul %convert_element_type3A_34, %get3A_37, %dot_general3A_38 {dimension_numbers = #tpu.dot_dimension_numbers<[0], [0], [1], [1], [0, 1, 1, 1], [], []>, transpose_lhs_hint = false} : vector<38x2048xbf16>, vector<38x128xbf16>, vector<2048x128xf32> -> vector<2048x128xf32>
    %swap3A_40 = arith.constant 0 : index
    %swap3A_41 = arith.constant 0 : index
    %swap3A_42 = vector.load %arg42[%swap3A_40, %swap3A_41] : memref<2048x128xf32, #tpu.memory_space<vmem>>, vector<2048x128xf32>
    tpu.vector_store %arg42[%swap3A_40, %swap3A_41], %dot_general3A_39 {strides = array<i32>} : memref<2048x128xf32, #tpu.memory_space<vmem>>, vector<2048x128xf32>,
    %get3A_43 = arith.constant 0 : index
    %get3A_44 = arith.constant 0 : index
    %get3A_45 = vector.load %arg7[%get3A_43, %get3A_44] : memref<26x2048xf32, #tpu.memory_space<vmem>>, vector<26x2048xf32>
    %get3A_46 = arith.constant 0 : index
    %get3A_47 = arith.constant 0 : index
    %get3A_48 = vector.load %arg8[%get3A_46, %get3A_47] : memref<10x2048xf32, #tpu.memory_space<vmem>>, vector<10x2048xf32>
    %concatenate3A_49 = tpu.concatenate %get3A_45, %get3A_48 in 0 : vector<26x2048xf32>, vector<10x2048xf32> -> vector<36x2048xf32>
    %convert_element_type3A_50 = arith.truncf %concatenate3A_49 : vector<36x2048xf32> to vector<36x2048xbf16>
    %get3A_51 = arith.constant 0 : index
    %get3A_52 = arith.constant 0 : index
    %get3A_53 = vector.load %arg30[%get3A_51, %get3A_52] : memref<36x128xbf16, #tpu.memory_space<vmem>>, vector<36x128xbf16>
    %dot_general3A_54 = arith.constant dense<0.000000e+00> : vector<2048x128xf32>
    %dot_general3A_55 = tpu.matmul %convert_element_type3A_50, %get3A_53, %dot_general3A_54 {dimension_numbers = #tpu.dot_dimension_numbers<[0], [0], [1], [1], [0, 1, 1, 1], [], []>, transpose_lhs_hint = false} : vector<36x2048xbf16>, vector<36x128xbf16>, vector<2048x128xf32> -> vector<2048x128xf32>
    %swap3A_56 = arith.constant 0 : index
    %swap3A_57 = arith.constant 0 : index
    %swap3A_58 = vector.load %arg43[%swap3A_56, %swap3A_57] : memref<2048x128xf32, #tpu.memory_space<vmem>>, vector<2048x128xf32>
    tpu.vector_store %arg43[%swap3A_56, %swap3A_57], %dot_general3A_55 {strides = array<i32>} : memref<2048x128xf32, #tpu.memory_space<vmem>>, vector<2048x128xf32>,
    %get3A_59 = arith.constant 0 : index
    %get3A_60 = arith.constant 0 : index
    %get3A_61 = vector.load %arg9[%get3A_59, %get3A_60] : memref<30x2048xf32, #tpu.memory_space<vmem>>, vector<30x2048xf32>
    %get3A_62 = arith.constant 0 : index
    %get3A_63 = arith.constant 0 : index
    %get3A_64 = vector.load %arg10[%get3A_62, %get3A_63] : memref<18x2048xf32, #tpu.memory_space<vmem>>, vector<18x2048xf32>
    %concatenate3A_65 = tpu.concatenate %get3A_61, %get3A_64 in 0 : vector<30x2048xf32>, vector<18x2048xf32> -> vector<48x2048xf32>
    %convert_element_type3A_66 = arith.truncf %concatenate3A_65 : vector<48x2048xf32> to vector<48x2048xbf16>
    %get3A_67 = arith.constant 0 : index
    %get3A_68 = arith.constant 0 : index
    %get3A_69 = vector.load %arg31[%get3A_67, %get3A_68] : memref<48x128xbf16, #tpu.memory_space<vmem>>, vector<48x128xbf16>
    %dot_general3A_70 = arith.constant dense<0.000000e+00> : vector<2048x128xf32>
    %dot_general3A_71 = tpu.matmul %convert_element_type3A_66, %get3A_69, %dot_general3A_70 {dimension_numbers = #tpu.dot_dimension_numbers<[0], [0], [1], [1], [0, 1, 1, 1], [], []>, transpose_lhs_hint = false} : vector<48x2048xbf16>, vector<48x128xbf16>, vector<2048x128xf32> -> vector<2048x128xf32>
    %swap3A_72 = arith.constant 0 : index
    %swap3A_73 = arith.constant 0 : index
    %swap3A_74 = vector.load %arg44[%swap3A_72, %swap3A_73] : memref<2048x128xf32, #tpu.memory_space<vmem>>, vector<2048x128xf32>
    tpu.vector_store %arg44[%swap3A_72, %swap3A_73], %dot_general3A_71 {strides = array<i32>} : memref<2048x128xf32, #tpu.memory_space<vmem>>, vector<2048x128xf32>,
    %get3A_75 = arith.constant 0 : index
    %get3A_76 = arith.constant 0 : index
    %get3A_77 = vector.load %arg11[%get3A_75, %get3A_76] : memref<34x2048xf32, #tpu.memory_space<vmem>>, vector<34x2048xf32>
    %get3A_78 = arith.constant 0 : index
    %get3A_79 = arith.constant 0 : index
    %get3A_80 = vector.load %arg12[%get3A_78, %get3A_79] : memref<7x2048xf32, #tpu.memory_space<vmem>>, vector<7x2048xf32>
    %concatenate3A_81 = tpu.concatenate %get3A_77, %get3A_80 in 0 : vector<34x2048xf32>, vector<7x2048xf32> -> vector<41x2048xf32>
    %convert_element_type3A_82 = arith.truncf %concatenate3A_81 : vector<41x2048xf32> to vector<41x2048xbf16>
    %get3A_83 = arith.constant 0 : index
    %get3A_84 = arith.constant 0 : index
    %get3A_85 = vector.load %arg32[%get3A_83, %get3A_84] : memref<41x128xbf16, #tpu.memory_space<vmem>>, vector<41x128xbf16>
    %dot_general3A_86 = arith.constant dense<0.000000e+00> : vector<2048x128xf32>
    %dot_general3A_87 = tpu.matmul %convert_element_type3A_82, %get3A_85, %dot_general3A_86 {dimension_numbers = #tpu.dot_dimension_numbers<[0], [0], [1], [1], [0, 1, 1, 1], [], []>, transpose_lhs_hint = false} : vector<41x2048xbf16>, vector<41x128xbf16>, vector<2048x128xf32> -> vector<2048x128xf32>
    %swap3A_88 = arith.constant 0 : index
    %swap3A_89 = arith.constant 0 : index
    %swap3A_90 = vector.load %arg45[%swap3A_88, %swap3A_89] : memref<2048x128xf32, #tpu.memory_space<vmem>>, vector<2048x128xf32>
    tpu.vector_store %arg45[%swap3A_88, %swap3A_89], %dot_general3A_87 {strides = array<i32>} : memref<2048x128xf32, #tpu.memory_space<vmem>>, vector<2048x128xf32>,
    %get3A_91 = arith.constant 0 : index
    %get3A_92 = arith.constant 0 : index
    %get3A_93 = vector.load %arg13[%get3A_91, %get3A_92] : memref<37x2048xf32, #tpu.memory_space<vmem>>, vector<37x2048xf32>
    %get3A_94 = arith.constant 0 : index
    %get3A_95 = arith.constant 0 : index
    %get3A_96 = vector.load %arg14[%get3A_94, %get3A_95] : memref<39x2048xf32, #tpu.memory_space<vmem>>, vector<39x2048xf32>
    %concatenate3A_97 = tpu.concatenate %get3A_93, %get3A_96 in 0 : vector<37x2048xf32>, vector<39x2048xf32> -> vector<76x2048xf32>
    %convert_element_type3A_98 = arith.truncf %concatenate3A_97 : vector<76x2048xf32> to vector<76x2048xbf16>
    %get3A_99 = arith.constant 0 : index
    %get3A_100 = arith.constant 0 : index
    %get3A_101 = vector.load %arg33[%get3A_99, %get3A_100] : memref<76x128xbf16, #tpu.memory_space<vmem>>, vector<76x128xbf16>
    %dot_general3A_102 = arith.constant dense<0.000000e+00> : vector<2048x128xf32>
    %dot_general3A_103 = tpu.matmul %convert_element_type3A_98, %get3A_101, %dot_general3A_102 {dimension_numbers = #tpu.dot_dimension_numbers<[0], [0], [1], [1], [0, 1, 1, 1], [], []>, transpose_lhs_hint = false} : vector<76x2048xbf16>, vector<76x128xbf16>, vector<2048x128xf32> -> vector<2048x128xf32>
    %swap3A_104 = arith.constant 0 : index
    %swap3A_105 = arith.constant 0 : index
    %swap3A_106 = vector.load %arg46[%swap3A_104, %swap3A_105] : memref<2048x128xf32, #tpu.memory_space<vmem>>, vector<2048x128xf32>
    tpu.vector_store %arg46[%swap3A_104, %swap3A_105], %dot_general3A_103 {strides = array<i32>} : memref<2048x128xf32, #tpu.memory_space<vmem>>, vector<2048x128xf32>,
    %get3A_107 = arith.constant 0 : index
    %get3A_108 = arith.constant 0 : index
    %get3A_109 = vector.load %arg15[%get3A_107, %get3A_108] : memref<24x2048xf32, #tpu.memory_space<vmem>>, vector<24x2048xf32>
    %get3A_110 = arith.constant 0 : index
    %get3A_111 = arith.constant 0 : index
    %get3A_112 = vector.load %arg16[%get3A_110, %get3A_111] : memref<5x2048xf32, #tpu.memory_space<vmem>>, vector<5x2048xf32>
    %concatenate3A_113 = tpu.concatenate %get3A_109, %get3A_112 in 0 : vector<24x2048xf32>, vector<5x2048xf32> -> vector<29x2048xf32>
    %convert_element_type3A_114 = arith.truncf %concatenate3A_113 : vector<29x2048xf32> to vector<29x2048xbf16>
    %get3A_115 = arith.constant 0 : index
    %get3A_116 = arith.constant 0 : index
    %get3A_117 = vector.load %arg34[%get3A_115, %get3A_116] : memref<29x128xbf16, #tpu.memory_space<vmem>>, vector<29x128xbf16>
    %dot_general3A_118 = arith.constant dense<0.000000e+00> : vector<2048x128xf32>
    %dot_general3A_119 = tpu.matmul %convert_element_type3A_114, %get3A_117, %dot_general3A_118 {dimension_numbers = #tpu.dot_dimension_numbers<[0], [0], [1], [1], [0, 1, 1, 1], [], []>, transpose_lhs_hint = false} : vector<29x2048xbf16>, vector<29x128xbf16>, vector<2048x128xf32> -> vector<2048x128xf32>
    %swap3A_120 = arith.constant 0 : index
    %swap3A_121 = arith.constant 0 : index
    %swap3A_122 = vector.load %arg47[%swap3A_120, %swap3A_121] : memref<2048x128xf32, #tpu.memory_space<vmem>>, vector<2048x128xf32>
    tpu.vector_store %arg47[%swap3A_120, %swap3A_121], %dot_general3A_119 {strides = array<i32>} : memref<2048x128xf32, #tpu.memory_space<vmem>>, vector<2048x128xf32>,
    %get3A_123 = arith.constant 0 : index
    %get3A_124 = arith.constant 0 : index
    %get3A_125 = vector.load %arg17[%get3A_123, %get3A_124] : memref<47x2048xf32, #tpu.memory_space<vmem>>, vector<47x2048xf32>
    %get3A_126 = arith.constant 0 : index
    %get3A_127 = arith.constant 0 : index
    %get3A_128 = vector.load %arg18[%get3A_126, %get3A_127] : memref<27x2048xf32, #tpu.memory_space<vmem>>, vector<27x2048xf32>
    %concatenate3A_129 = tpu.concatenate %get3A_125, %get3A_128 in 0 : vector<47x2048xf32>, vector<27x2048xf32> -> vector<74x2048xf32>
    %convert_element_type3A_130 = arith.truncf %concatenate3A_129 : vector<74x2048xf32> to vector<74x2048xbf16>
    %get3A_131 = arith.constant 0 : index
    %get3A_132 = arith.constant 0 : index
    %get3A_133 = vector.load %arg35[%get3A_131, %get3A_132] : memref<74x128xbf16, #tpu.memory_space<vmem>>, vector<74x128xbf16>
    %dot_general3A_134 = arith.constant dense<0.000000e+00> : vector<2048x128xf32>
    %dot_general3A_135 = tpu.matmul %convert_element_type3A_130, %get3A_133, %dot_general3A_134 {dimension_numbers = #tpu.dot_dimension_numbers<[0], [0], [1], [1], [0, 1, 1, 1], [], []>, transpose_lhs_hint = false} : vector<74x2048xbf16>, vector<74x128xbf16>, vector<2048x128xf32> -> vector<2048x128xf32>
    %swap3A_136 = arith.constant 0 : index
    %swap3A_137 = arith.constant 0 : index
    %swap3A_138 = vector.load %arg48[%swap3A_136, %swap3A_137] : memref<2048x128xf32, #tpu.memory_space<vmem>>, vector<2048x128xf32>
    tpu.vector_store %arg48[%swap3A_136, %swap3A_137], %dot_general3A_135 {strides = array<i32>} : memref<2048x128xf32, #tpu.memory_space<vmem>>, vector<2048x128xf32>,
    %get3A_139 = arith.constant 0 : index
    %get3A_140 = arith.constant 0 : index
    %get3A_141 = vector.load %arg19[%get3A_139, %get3A_140] : memref<33x2048xf32, #tpu.memory_space<vmem>>, vector<33x2048xf32>
    %get3A_142 = arith.constant 0 : index
    %get3A_143 = arith.constant 0 : index
    %get3A_144 = vector.load %arg20[%get3A_142, %get3A_143] : memref<30x2048xf32, #tpu.memory_space<vmem>>, vector<30x2048xf32>
    %concatenate3A_145 = tpu.concatenate %get3A_141, %get3A_144 in 0 : vector<33x2048xf32>, vector<30x2048xf32> -> vector<63x2048xf32>
    %convert_element_type3A_146 = arith.truncf %concatenate3A_145 : vector<63x2048xf32> to vector<63x2048xbf16>
    %get3A_147 = arith.constant 0 : index
    %get3A_148 = arith.constant 0 : index
    %get3A_149 = vector.load %arg36[%get3A_147, %get3A_148] : memref<63x128xbf16, #tpu.memory_space<vmem>>, vector<63x128xbf16>
    %dot_general3A_150 = arith.constant dense<0.000000e+00> : vector<2048x128xf32>
    %dot_general3A_151 = tpu.matmul %convert_element_type3A_146, %get3A_149, %dot_general3A_150 {dimension_numbers = #tpu.dot_dimension_numbers<[0], [0], [1], [1], [0, 1, 1, 1], [], []>, transpose_lhs_hint = false} : vector<63x2048xbf16>, vector<63x128xbf16>, vector<2048x128xf32> -> vector<2048x128xf32>
    %swap3A_152 = arith.constant 0 : index
    %swap3A_153 = arith.constant 0 : index
    %swap3A_154 = vector.load %arg49[%swap3A_152, %swap3A_153] : memref<2048x128xf32, #tpu.memory_space<vmem>>, vector<2048x128xf32>
    tpu.vector_store %arg49[%swap3A_152, %swap3A_153], %dot_general3A_151 {strides = array<i32>} : memref<2048x128xf32, #tpu.memory_space<vmem>>, vector<2048x128xf32>,
    %get3A_155 = arith.constant 0 : index
    %get3A_156 = arith.constant 0 : index
    %get3A_157 = vector.load %arg21[%get3A_155, %get3A_156] : memref<1x2048xf32, #tpu.memory_space<vmem>>, vector<1x2048xf32>
    %get3A_158 = arith.constant 0 : index
    %get3A_159 = arith.constant 0 : index
    %get3A_160 = vector.load %arg22[%get3A_158, %get3A_159] : memref<29x2048xf32, #tpu.memory_space<vmem>>, vector<29x2048xf32>
    %concatenate3A_161 = tpu.concatenate %get3A_157, %get3A_160 in 0 : vector<1x2048xf32>, vector<29x2048xf32> -> vector<30x2048xf32>
    %convert_element_type3A_162 = arith.truncf %concatenate3A_161 : vector<30x2048xf32> to vector<30x2048xbf16>
    %get3A_163 = arith.constant 0 : index
    %get3A_164 = arith.constant 0 : index
    %get3A_165 = vector.load %arg37[%get3A_163, %get3A_164] : memref<30x128xbf16, #tpu.memory_space<vmem>>, vector<30x128xbf16>
    %dot_general3A_166 = arith.constant dense<0.000000e+00> : vector<2048x128xf32>
    %dot_general3A_167 = tpu.matmul %convert_element_type3A_162, %get3A_165, %dot_general3A_166 {dimension_numbers = #tpu.dot_dimension_numbers<[0], [0], [1], [1], [0, 1, 1, 1], [], []>, transpose_lhs_hint = false} : vector<30x2048xbf16>, vector<30x128xbf16>, vector<2048x128xf32> -> vector<2048x128xf32>
    %swap3A_168 = arith.constant 0 : index
    %swap3A_169 = arith.constant 0 : index
    %swap3A_170 = vector.load %arg50[%swap3A_168, %swap3A_169] : memref<2048x128xf32, #tpu.memory_space<vmem>>, vector<2048x128xf32>
    tpu.vector_store %arg50[%swap3A_168, %swap3A_169], %dot_general3A_167 {strides = array<i32>} : memref<2048x128xf32, #tpu.memory_space<vmem>>, vector<2048x128xf32>,
    %get3A_171 = arith.constant 0 : index
    %get3A_172 = arith.constant 0 : index
    %get3A_173 = vector.load %arg23[%get3A_171, %get3A_172] : memref<45x2048xf32, #tpu.memory_space<vmem>>, vector<45x2048xf32>
    %get3A_174 = arith.constant 0 : index
    %get3A_175 = arith.constant 0 : index
    %get3A_176 = vector.load %arg24[%get3A_174, %get3A_175] : memref<14x2048xf32, #tpu.memory_space<vmem>>, vector<14x2048xf32>
    %concatenate3A_177 = tpu.concatenate %get3A_173, %get3A_176 in 0 : vector<45x2048xf32>, vector<14x2048xf32> -> vector<59x2048xf32>
    %convert_element_type3A_178 = arith.truncf %concatenate3A_177 : vector<59x2048xf32> to vector<59x2048xbf16>
    %get3A_179 = arith.constant 0 : index
    %get3A_180 = arith.constant 0 : index
    %get3A_181 = vector.load %arg38[%get3A_179, %get3A_180] : memref<59x128xbf16, #tpu.memory_space<vmem>>, vector<59x128xbf16>
    %dot_general3A_182 = arith.constant dense<0.000000e+00> : vector<2048x128xf32>
    %dot_general3A_183 = tpu.matmul %convert_element_type3A_178, %get3A_181, %dot_general3A_182 {dimension_numbers = #tpu.dot_dimension_numbers<[0], [0], [1], [1], [0, 1, 1, 1], [], []>, transpose_lhs_hint = false} : vector<59x2048xbf16>, vector<59x128xbf16>, vector<2048x128xf32> -> vector<2048x128xf32>
    %swap3A_184 = arith.constant 0 : index
    %swap3A_185 = arith.constant 0 : index
    %swap3A_186 = vector.load %arg51[%swap3A_184, %swap3A_185] : memref<2048x128xf32, #tpu.memory_space<vmem>>, vector<2048x128xf32>
    tpu.vector_store %arg51[%swap3A_184, %swap3A_185], %dot_general3A_183 {strides = array<i32>} : memref<2048x128xf32, #tpu.memory_space<vmem>>, vector<2048x128xf32>,
    %get3A_187 = arith.constant 0 : index
    %get3A_188 = arith.constant 0 : index
    %get3A_189 = vector.load %arg25[%get3A_187, %get3A_188] : memref<24x2048xf32, #tpu.memory_space<vmem>>, vector<24x2048xf32>
    %get3A_190 = arith.constant 0 : index
    %get3A_191 = arith.constant 0 : index
    %get3A_192 = vector.load %arg26[%get3A_190, %get3A_191] : memref<17x2048xf32, #tpu.memory_space<vmem>>, vector<17x2048xf32>
    %concatenate3A_193 = tpu.concatenate %get3A_189, %get3A_192 in 0 : vector<24x2048xf32>, vector<17x2048xf32> -> vector<41x2048xf32>
    %convert_element_type3A_194 = arith.truncf %concatenate3A_193 : vector<41x2048xf32> to vector<41x2048xbf16>
    %get3A_195 = arith.constant 0 : index
    %get3A_196 = arith.constant 0 : index
    %get3A_197 = vector.load %arg39[%get3A_195, %get3A_196] : memref<41x128xbf16, #tpu.memory_space<vmem>>, vector<41x128xbf16>
    %dot_general3A_198 = arith.constant dense<0.000000e+00> : vector<2048x128xf32>
    %dot_general3A_199 = tpu.matmul %convert_element_type3A_194, %get3A_197, %dot_general3A_198 {dimension_numbers = #tpu.dot_dimension_numbers<[0], [0], [1], [1], [0, 1, 1, 1], [], []>, transpose_lhs_hint = false} : vector<41x2048xbf16>, vector<41x128xbf16>, vector<2048x128xf32> -> vector<2048x128xf32>
    %swap3A_200 = arith.constant 0 : index
    %swap3A_201 = arith.constant 0 : index
    %swap3A_202 = vector.load %arg52[%swap3A_200, %swap3A_201] : memref<2048x128xf32, #tpu.memory_space<vmem>>, vector<2048x128xf32>
    tpu.vector_store %arg52[%swap3A_200, %swap3A_201], %dot_general3A_199 {strides = array<i32>} : memref<2048x128xf32, #tpu.memory_space<vmem>>, vector<2048x128xf32>,
    return
  }
  func.func @transform_0(%arg0: i32) -> (i32, i32) {
    %c0_i32 = arith.constant 0 : i32
    %c0_i32_0 = arith.constant 0 : i32
    return %c0_i32, %arg0 : i32, i32
  }
  func.func @transform_1(%arg0: i32) -> (i32, i32) {
    %c0_i32 = arith.constant 0 : i32
    %c0_i32_0 = arith.constant 0 : i32
    return %c0_i32, %arg0 : i32, i32
  }
  func.func @transform_2(%arg0: i32) -> (i32, i32) {
    %c0_i32 = arith.constant 0 : i32
    %c0_i32_0 = arith.constant 0 : i32
    return %c0_i32, %arg0 : i32, i32
  }
  func.func @transform_3(%arg0: i32) -> (i32, i32) {
    %c0_i32 = arith.constant 0 : i32
    %c0_i32_0 = arith.constant 0 : i32
    return %c0_i32, %arg0 : i32, i32
  }
  func.func @transform_4(%arg0: i32) -> (i32, i32) {
    %c0_i32 = arith.constant 0 : i32
    %c0_i32_0 = arith.constant 0 : i32
    return %c0_i32, %arg0 : i32, i32
  }
  func.func @transform_5(%arg0: i32) -> (i32, i32) {
    %c0_i32 = arith.constant 0 : i32
    %c0_i32_0 = arith.constant 0 : i32
    return %c0_i32, %arg0 : i32, i32
  }
  func.func @transform_6(%arg0: i32) -> (i32, i32) {
    %c0_i32 = arith.constant 0 : i32
    %c0_i32_0 = arith.constant 0 : i32
    return %c0_i32, %arg0 : i32, i32
  }
  func.func @transform_7(%arg0: i32) -> (i32, i32) {
    %c0_i32 = arith.constant 0 : i32
    %c0_i32_0 = arith.constant 0 : i32
    return %c0_i32, %arg0 : i32, i32
  }
  func.func @transform_8(%arg0: i32) -> (i32, i32) {
    %c0_i32 = arith.constant 0 : i32
    %c0_i32_0 = arith.constant 0 : i32
    return %c0_i32, %arg0 : i32, i32
  }
  func.func @transform_9(%arg0: i32) -> (i32, i32) {
    %c0_i32 = arith.constant 0 : i32
    %c0_i32_0 = arith.constant 0 : i32
    return %c0_i32, %arg0 : i32, i32
  }
  func.func @transform_10(%arg0: i32) -> (i32, i32) {
    %c0_i32 = arith.constant 0 : i32
    %c0_i32_0 = arith.constant 0 : i32
    return %c0_i32, %arg0 : i32, i32
  }
  func.func @transform_11(%arg0: i32) -> (i32, i32) {
    %c0_i32 = arith.constant 0 : i32
    %c0_i32_0 = arith.constant 0 : i32
    return %c0_i32, %arg0 : i32, i32
  }
  func.func @transform_12(%arg0: i32) -> (i32, i32) {
    %c0_i32 = arith.constant 0 : i32
    %c0_i32_0 = arith.constant 0 : i32
    return %c0_i32, %arg0 : i32, i32
  }
  func.func @transform_13(%arg0: i32) -> (i32, i32) {
    %c0_i32 = arith.constant 0 : i32
    %c0_i32_0 = arith.constant 0 : i32
    return %c0_i32, %arg0 : i32, i32
  }
  func.func @transform_14(%arg0: i32) -> (i32, i32) {
    %c0_i32 = arith.constant 0 : i32
    %c0_i32_0 = arith.constant 0 : i32
    return %c0_i32, %arg0 : i32, i32
  }
  func.func @transform_15(%arg0: i32) -> (i32, i32) {
    %c0_i32 = arith.constant 0 : i32
    %c0_i32_0 = arith.constant 0 : i32
    return %c0_i32, %arg0 : i32, i32
  }
  func.func @transform_16(%arg0: i32) -> (i32, i32) {
    %c0_i32 = arith.constant 0 : i32
    %c0_i32_0 = arith.constant 0 : i32
    return %c0_i32, %arg0 : i32, i32
  }
  func.func @transform_17(%arg0: i32) -> (i32, i32) {
    %c0_i32 = arith.constant 0 : i32
    %c0_i32_0 = arith.constant 0 : i32
    return %c0_i32, %arg0 : i32, i32
  }
  func.func @transform_18(%arg0: i32) -> (i32, i32) {
    %c0_i32 = arith.constant 0 : i32
    %c0_i32_0 = arith.constant 0 : i32
    return %c0_i32, %arg0 : i32, i32
  }
  func.func @transform_19(%arg0: i32) -> (i32, i32) {
    %c0_i32 = arith.constant 0 : i32
    %c0_i32_0 = arith.constant 0 : i32
    return %c0_i32, %arg0 : i32, i32
  }
  func.func @transform_20(%arg0: i32) -> (i32, i32) {
    %c0_i32 = arith.constant 0 : i32
    %c0_i32_0 = arith.constant 0 : i32
    return %c0_i32, %arg0 : i32, i32
  }
  func.func @transform_21(%arg0: i32) -> (i32, i32) {
    %c0_i32 = arith.constant 0 : i32
    %c0_i32_0 = arith.constant 0 : i32
    return %c0_i32, %arg0 : i32, i32
  }
  func.func @transform_22(%arg0: i32) -> (i32, i32) {
    %c0_i32 = arith.constant 0 : i32
    %c0_i32_0 = arith.constant 0 : i32
    return %c0_i32, %arg0 : i32, i32
  }
  func.func @transform_23(%arg0: i32) -> (i32, i32) {
    %c0_i32 = arith.constant 0 : i32
    %c0_i32_0 = arith.constant 0 : i32
    return %c0_i32, %arg0 : i32, i32
  }
  func.func @transform_24(%arg0: i32) -> (i32, i32) {
    %c0_i32 = arith.constant 0 : i32
    %c0_i32_0 = arith.constant 0 : i32
    return %c0_i32, %arg0 : i32, i32
  }
  func.func @transform_25(%arg0: i32) -> (i32, i32) {
    %c0_i32 = arith.constant 0 : i32
    %c0_i32_0 = arith.constant 0 : i32
    return %c0_i32, %arg0 : i32, i32
  }
  func.func @transform_26(%arg0: i32) -> (i32, i32) {
    %c0_i32 = arith.constant 0 : i32
    %c0_i32_0 = arith.constant 0 : i32
    %c0_i32_1 = arith.constant 0 : i32
    return %c0_i32, %c0_i32_0 : i32, i32
  }
  func.func @transform_27(%arg0: i32) -> (i32, i32) {
    %c0_i32 = arith.constant 0 : i32
    %c0_i32_0 = arith.constant 0 : i32
    %c0_i32_1 = arith.constant 0 : i32
    return %c0_i32, %c0_i32_0 : i32, i32
  }
  func.func @transform_28(%arg0: i32) -> (i32, i32) {
    %c0_i32 = arith.constant 0 : i32
    %c0_i32_0 = arith.constant 0 : i32
    %c0_i32_1 = arith.constant 0 : i32
    return %c0_i32, %c0_i32_0 : i32, i32
  }
  func.func @transform_29(%arg0: i32) -> (i32, i32) {
    %c0_i32 = arith.constant 0 : i32
    %c0_i32_0 = arith.constant 0 : i32
    %c0_i32_1 = arith.constant 0 : i32
    return %c0_i32, %c0_i32_0 : i32, i32
  }
  func.func @transform_30(%arg0: i32) -> (i32, i32) {
    %c0_i32 = arith.constant 0 : i32
    %c0_i32_0 = arith.constant 0 : i32
    %c0_i32_1 = arith.constant 0 : i32
    return %c0_i32, %c0_i32_0 : i32, i32
  }
  func.func @transform_31(%arg0: i32) -> (i32, i32) {
    %c0_i32 = arith.constant 0 : i32
    %c0_i32_0 = arith.constant 0 : i32
    %c0_i32_1 = arith.constant 0 : i32
    return %c0_i32, %c0_i32_0 : i32, i32
  }
  func.func @transform_32(%arg0: i32) -> (i32, i32) {
    %c0_i32 = arith.constant 0 : i32
    %c0_i32_0 = arith.constant 0 : i32
    %c0_i32_1 = arith.constant 0 : i32
    return %c0_i32, %c0_i32_0 : i32, i32
  }
  func.func @transform_33(%arg0: i32) -> (i32, i32) {
    %c0_i32 = arith.constant 0 : i32
    %c0_i32_0 = arith.constant 0 : i32
    %c0_i32_1 = arith.constant 0 : i32
    return %c0_i32, %c0_i32_0 : i32, i32
  }
  func.func @transform_34(%arg0: i32) -> (i32, i32) {
    %c0_i32 = arith.constant 0 : i32
    %c0_i32_0 = arith.constant 0 : i32
    %c0_i32_1 = arith.constant 0 : i32
    return %c0_i32, %c0_i32_0 : i32, i32
  }
  func.func @transform_35(%arg0: i32) -> (i32, i32) {
    %c0_i32 = arith.constant 0 : i32
    %c0_i32_0 = arith.constant 0 : i32
    %c0_i32_1 = arith.constant 0 : i32
    return %c0_i32, %c0_i32_0 : i32, i32
  }
  func.func @transform_36(%arg0: i32) -> (i32, i32) {
    %c0_i32 = arith.constant 0 : i32
    %c0_i32_0 = arith.constant 0 : i32
    %c0_i32_1 = arith.constant 0 : i32
    return %c0_i32, %c0_i32_0 : i32, i32
  }
  func.func @transform_37(%arg0: i32) -> (i32, i32) {
    %c0_i32 = arith.constant 0 : i32
    %c0_i32_0 = arith.constant 0 : i32
    %c0_i32_1 = arith.constant 0 : i32
    return %c0_i32, %c0_i32_0 : i32, i32
  }
  func.func @transform_38(%arg0: i32) -> (i32, i32) {
    %c0_i32 = arith.constant 0 : i32
    %c0_i32_0 = arith.constant 0 : i32
    %c0_i32_1 = arith.constant 0 : i32
    return %c0_i32, %c0_i32_0 : i32, i32
  }
  func.func @transform_39(%arg0: i32) -> (i32, i32) {
    %c0_i32 = arith.constant 0 : i32
    %c0_i32_0 = arith.constant 0 : i32
    return %arg0, %c0_i32 : i32, i32
  }
  func.func @transform_40(%arg0: i32) -> (i32, i32) {
    %c0_i32 = arith.constant 0 : i32
    %c0_i32_0 = arith.constant 0 : i32
    return %arg0, %c0_i32 : i32, i32
  }
  func.func @transform_41(%arg0: i32) -> (i32, i32) {
    %c0_i32 = arith.constant 0 : i32
    %c0_i32_0 = arith.constant 0 : i32
    return %arg0, %c0_i32 : i32, i32
  }
  func.func @transform_42(%arg0: i32) -> (i32, i32) {
    %c0_i32 = arith.constant 0 : i32
    %c0_i32_0 = arith.constant 0 : i32
    return %arg0, %c0_i32 : i32, i32
  }
  func.func @transform_43(%arg0: i32) -> (i32, i32) {
    %c0_i32 = arith.constant 0 : i32
    %c0_i32_0 = arith.constant 0 : i32
    return %arg0, %c0_i32 : i32, i32
  }
  func.func @transform_44(%arg0: i32) -> (i32, i32) {
    %c0_i32 = arith.constant 0 : i32
    %c0_i32_0 = arith.constant 0 : i32
    return %arg0, %c0_i32 : i32, i32
  }
  func.func @transform_45(%arg0: i32) -> (i32, i32) {
    %c0_i32 = arith.constant 0 : i32
    %c0_i32_0 = arith.constant 0 : i32
    return %arg0, %c0_i32 : i32, i32
  }
  func.func @transform_46(%arg0: i32) -> (i32, i32) {
    %c0_i32 = arith.constant 0 : i32
    %c0_i32_0 = arith.constant 0 : i32
    return %arg0, %c0_i32 : i32, i32
  }
  func.func @transform_47(%arg0: i32) -> (i32, i32) {
    %c0_i32 = arith.constant 0 : i32
    %c0_i32_0 = arith.constant 0 : i32
    return %arg0, %c0_i32 : i32, i32
  }
  func.func @transform_48(%arg0: i32) -> (i32, i32) {
    %c0_i32 = arith.constant 0 : i32
    %c0_i32_0 = arith.constant 0 : i32
    return %arg0, %c0_i32 : i32, i32
  }
  func.func @transform_49(%arg0: i32) -> (i32, i32) {
    %c0_i32 = arith.constant 0 : i32
    %c0_i32_0 = arith.constant 0 : i32
    return %arg0, %c0_i32 : i32, i32
  }
  func.func @transform_50(%arg0: i32) -> (i32, i32) {
    %c0_i32 = arith.constant 0 : i32
    %c0_i32_0 = arith.constant 0 : i32
    return %arg0, %c0_i32 : i32, i32
  }
  func.func @transform_51(%arg0: i32) -> (i32, i32) {
    %c0_i32 = arith.constant 0 : i32
    %c0_i32_0 = arith.constant 0 : i32
    return %arg0, %c0_i32 : i32, i32
  }
}

module attributes {stable_mosaic.version = 14 : i64} {
  func.func @body(%arg0: i32, %arg1: memref<512x3328xf32, #tpu.memory_space<vmem>>, %arg2: memref<512x13xf32, #tpu.memory_space<vmem>>, %arg3: memref<13x512xbf16, #tpu.memory_space<vmem>>, %arg4: memref<512x256xbf16, #tpu.memory_space<vmem>>, %arg5: memref<256x64xbf16, #tpu.memory_space<vmem>>, %arg6: memref<1x512xf32, #tpu.memory_space<vmem>>, %arg7: memref<1x256xf32, #tpu.memory_space<vmem>>, %arg8: memref<1x64xf32, #tpu.memory_space<vmem>>, %arg9: memref<793x1024xbf16, #tpu.memory_space<vmem>>, %arg10: memref<1x1024xf32, #tpu.memory_space<vmem>>, %arg11: memref<1024x512xbf16, #tpu.memory_space<vmem>>, %arg12: memref<1x512xf32, #tpu.memory_space<vmem>>, %arg13: memref<512x256xbf16, #tpu.memory_space<vmem>>, %arg14: memref<1x256xf32, #tpu.memory_space<vmem>>, %arg15: memref<256x1xbf16, #tpu.memory_space<vmem>>, %arg16: memref<1x1xf32, #tpu.memory_space<vmem>>, %arg17: memref<512x1xf32, #tpu.memory_space<vmem>>) attributes {dimension_semantics = [#tpu.dimension_semantics<arbitrary>], iteration_bounds = array<i64: 32>, scalar_prefetch = 0 : i64, scratch_operands = 0 : i64, tpu.core_type = #tpu.core_type<tc>, window_params = [{transform_indices = @transform_0, window_bounds = array<i64: 512, 3328>}, {transform_indices = @transform_1, window_bounds = array<i64: 512, 13>}, {pipeline_mode = #tpu.pipeline_mode<synchronous>, transform_indices = @transform_2, window_bounds = array<i64: 13, 512>}, {pipeline_mode = #tpu.pipeline_mode<synchronous>, transform_indices = @transform_3, window_bounds = array<i64: 512, 256>}, {pipeline_mode = #tpu.pipeline_mode<synchronous>, transform_indices = @transform_4, window_bounds = array<i64: 256, 64>}, {pipeline_mode = #tpu.pipeline_mode<synchronous>, transform_indices = @transform_5, window_bounds = array<i64: 1, 512>}, {pipeline_mode = #tpu.pipeline_mode<synchronous>, transform_indices = @transform_6, window_bounds = array<i64: 1, 256>}, {pipeline_mode = #tpu.pipeline_mode<synchronous>, transform_indices = @transform_7, window_bounds = array<i64: 1, 64>}, {pipeline_mode = #tpu.pipeline_mode<synchronous>, transform_indices = @transform_8, window_bounds = array<i64: 793, 1024>}, {pipeline_mode = #tpu.pipeline_mode<synchronous>, transform_indices = @transform_9, window_bounds = array<i64: 1, 1024>}, {pipeline_mode = #tpu.pipeline_mode<synchronous>, transform_indices = @transform_10, window_bounds = array<i64: 1024, 512>}, {pipeline_mode = #tpu.pipeline_mode<synchronous>, transform_indices = @transform_11, window_bounds = array<i64: 1, 512>}, {pipeline_mode = #tpu.pipeline_mode<synchronous>, transform_indices = @transform_12, window_bounds = array<i64: 512, 256>}, {pipeline_mode = #tpu.pipeline_mode<synchronous>, transform_indices = @transform_13, window_bounds = array<i64: 1, 256>}, {pipeline_mode = #tpu.pipeline_mode<synchronous>, transform_indices = @transform_14, window_bounds = array<i64: 256, 1>}, {pipeline_mode = #tpu.pipeline_mode<synchronous>, transform_indices = @transform_15, window_bounds = array<i64: 1, 1>}, {transform_indices = @transform_16, window_bounds = array<i64: 512, 1>}]} {
    %get3A = arith.constant 0 : index
    %get3A_0 = arith.constant 0 : index
    %get3A_1 = vector.load %arg2[%get3A, %get3A_0] : memref<512x13xf32, #tpu.memory_space<vmem>>, vector<512x13xf32>
    %convert_element_type3A = arith.truncf %get3A_1 : vector<512x13xf32> to vector<512x13xbf16>
    %get3A_2 = arith.constant 0 : index
    %get3A_3 = arith.constant 0 : index
    %get3A_4 = vector.load %arg3[%get3A_2, %get3A_3] : memref<13x512xbf16, #tpu.memory_space<vmem>>, vector<13x512xbf16>
    %dot_general3A = arith.constant dense<0.000000e+00> : vector<512x512xf32>
    %dot_general3A_5 = tpu.matmul %convert_element_type3A, %get3A_4, %dot_general3A {dimension_numbers = #tpu.dot_dimension_numbers<[1], [0], [0], [1], [0, 0, 1, 1], [], []>, transpose_lhs_hint = false} : vector<512x13xbf16>, vector<13x512xbf16>, vector<512x512xf32> -> vector<512x512xf32>
    %get3A_6 = arith.constant 0 : index
    %get3A_7 = arith.constant 0 : index
    %get3A_8 = vector.load %arg6[%get3A_6, %get3A_7] : memref<1x512xf32, #tpu.memory_space<vmem>>, vector<1x512xf32>
    %add3A = vector.broadcast %get3A_8 : vector<1x512xf32> to vector<512x512xf32>
    %add3A_9 = arith.addf %dot_general3A_5, %add3A : vector<512x512xf32>
    %max3A = arith.constant 0.000000e+00 : f32
    %max3A_10 = vector.broadcast %max3A : f32 to vector<512x512xf32>
    %max3A_11 = arith.maximumf %add3A_9, %max3A_10 : vector<512x512xf32>
    %convert_element_type3A_12 = arith.truncf %max3A_11 : vector<512x512xf32> to vector<512x512xbf16>
    %get3A_13 = arith.constant 0 : index
    %get3A_14 = arith.constant 0 : index
    %get3A_15 = vector.load %arg4[%get3A_13, %get3A_14] : memref<512x256xbf16, #tpu.memory_space<vmem>>, vector<512x256xbf16>
    %dot_general3A_16 = arith.constant dense<0.000000e+00> : vector<512x256xf32>
    %dot_general3A_17 = tpu.matmul %convert_element_type3A_12, %get3A_15, %dot_general3A_16 {dimension_numbers = #tpu.dot_dimension_numbers<[1], [0], [0], [1], [0, 0, 1, 1], [], []>, transpose_lhs_hint = false} : vector<512x512xbf16>, vector<512x256xbf16>, vector<512x256xf32> -> vector<512x256xf32>
    %get3A_18 = arith.constant 0 : index
    %get3A_19 = arith.constant 0 : index
    %get3A_20 = vector.load %arg7[%get3A_18, %get3A_19] : memref<1x256xf32, #tpu.memory_space<vmem>>, vector<1x256xf32>
    %add3A_21 = vector.broadcast %get3A_20 : vector<1x256xf32> to vector<512x256xf32>
    %add3A_22 = arith.addf %dot_general3A_17, %add3A_21 : vector<512x256xf32>
    %max3A_23 = arith.constant 0.000000e+00 : f32
    %max3A_24 = vector.broadcast %max3A_23 : f32 to vector<512x256xf32>
    %max3A_25 = arith.maximumf %add3A_22, %max3A_24 : vector<512x256xf32>
    %convert_element_type3A_26 = arith.truncf %max3A_25 : vector<512x256xf32> to vector<512x256xbf16>
    %get3A_27 = arith.constant 0 : index
    %get3A_28 = arith.constant 0 : index
    %get3A_29 = vector.load %arg5[%get3A_27, %get3A_28] : memref<256x64xbf16, #tpu.memory_space<vmem>>, vector<256x64xbf16>
    %dot_general3A_30 = arith.constant dense<0.000000e+00> : vector<512x64xf32>
    %dot_general3A_31 = tpu.matmul %convert_element_type3A_26, %get3A_29, %dot_general3A_30 {dimension_numbers = #tpu.dot_dimension_numbers<[1], [0], [0], [1], [0, 0, 1, 1], [], []>, transpose_lhs_hint = false} : vector<512x256xbf16>, vector<256x64xbf16>, vector<512x64xf32> -> vector<512x64xf32>
    %get3A_32 = arith.constant 0 : index
    %get3A_33 = arith.constant 0 : index
    %get3A_34 = vector.load %arg8[%get3A_32, %get3A_33] : memref<1x64xf32, #tpu.memory_space<vmem>>, vector<1x64xf32>
    %add3A_35 = vector.broadcast %get3A_34 : vector<1x64xf32> to vector<512x64xf32>
    %add3A_36 = arith.addf %dot_general3A_31, %add3A_35 : vector<512x64xf32>
    %max3A_37 = arith.constant 0.000000e+00 : f32
    %max3A_38 = vector.broadcast %max3A_37 : f32 to vector<512x64xf32>
    %max3A_39 = arith.maximumf %add3A_36, %max3A_38 : vector<512x64xf32>
    %get3A_40 = arith.constant 0 : index
    %get3A_41 = arith.constant 0 : index
    %get3A_42 = vector.load %arg1[%get3A_40, %get3A_41] : memref<512x3328xf32, #tpu.memory_space<vmem>>, vector<512x3328xf32>
    %slice3A = vector.extract_strided_slice %get3A_42 {offsets = [0, 0], sizes = [512, 64], strides = [1, 1]} : vector<512x3328xf32> to vector<512x64xf32>
    %slice3A_43 = vector.extract_strided_slice %get3A_42 {offsets = [0, 192], sizes = [512, 64], strides = [1, 1]} : vector<512x3328xf32> to vector<512x64xf32>
    %slice3A_44 = vector.extract_strided_slice %get3A_42 {offsets = [0, 256], sizes = [512, 64], strides = [1, 1]} : vector<512x3328xf32> to vector<512x64xf32>
    %slice3A_45 = vector.extract_strided_slice %get3A_42 {offsets = [0, 448], sizes = [512, 64], strides = [1, 1]} : vector<512x3328xf32> to vector<512x64xf32>
    %slice3A_46 = vector.extract_strided_slice %get3A_42 {offsets = [0, 512], sizes = [512, 64], strides = [1, 1]} : vector<512x3328xf32> to vector<512x64xf32>
    %slice3A_47 = vector.extract_strided_slice %get3A_42 {offsets = [0, 704], sizes = [512, 64], strides = [1, 1]} : vector<512x3328xf32> to vector<512x64xf32>
    %slice3A_48 = vector.extract_strided_slice %get3A_42 {offsets = [0, 768], sizes = [512, 64], strides = [1, 1]} : vector<512x3328xf32> to vector<512x64xf32>
    %slice3A_49 = vector.extract_strided_slice %get3A_42 {offsets = [0, 960], sizes = [512, 64], strides = [1, 1]} : vector<512x3328xf32> to vector<512x64xf32>
    %slice3A_50 = vector.extract_strided_slice %get3A_42 {offsets = [0, 1024], sizes = [512, 64], strides = [1, 1]} : vector<512x3328xf32> to vector<512x64xf32>
    %slice3A_51 = vector.extract_strided_slice %get3A_42 {offsets = [0, 1216], sizes = [512, 64], strides = [1, 1]} : vector<512x3328xf32> to vector<512x64xf32>
    %slice3A_52 = vector.extract_strided_slice %get3A_42 {offsets = [0, 1280], sizes = [512, 64], strides = [1, 1]} : vector<512x3328xf32> to vector<512x64xf32>
    %slice3A_53 = vector.extract_strided_slice %get3A_42 {offsets = [0, 1472], sizes = [512, 64], strides = [1, 1]} : vector<512x3328xf32> to vector<512x64xf32>
    %slice3A_54 = vector.extract_strided_slice %get3A_42 {offsets = [0, 1536], sizes = [512, 64], strides = [1, 1]} : vector<512x3328xf32> to vector<512x64xf32>
    %slice3A_55 = vector.extract_strided_slice %get3A_42 {offsets = [0, 1728], sizes = [512, 64], strides = [1, 1]} : vector<512x3328xf32> to vector<512x64xf32>
    %slice3A_56 = vector.extract_strided_slice %get3A_42 {offsets = [0, 1792], sizes = [512, 64], strides = [1, 1]} : vector<512x3328xf32> to vector<512x64xf32>
    %slice3A_57 = vector.extract_strided_slice %get3A_42 {offsets = [0, 1984], sizes = [512, 64], strides = [1, 1]} : vector<512x3328xf32> to vector<512x64xf32>
    %slice3A_58 = vector.extract_strided_slice %get3A_42 {offsets = [0, 2048], sizes = [512, 64], strides = [1, 1]} : vector<512x3328xf32> to vector<512x64xf32>
    %slice3A_59 = vector.extract_strided_slice %get3A_42 {offsets = [0, 2240], sizes = [512, 64], strides = [1, 1]} : vector<512x3328xf32> to vector<512x64xf32>
    %slice3A_60 = vector.extract_strided_slice %get3A_42 {offsets = [0, 2304], sizes = [512, 64], strides = [1, 1]} : vector<512x3328xf32> to vector<512x64xf32>
    %slice3A_61 = vector.extract_strided_slice %get3A_42 {offsets = [0, 2496], sizes = [512, 64], strides = [1, 1]} : vector<512x3328xf32> to vector<512x64xf32>
    %slice3A_62 = vector.extract_strided_slice %get3A_42 {offsets = [0, 2560], sizes = [512, 64], strides = [1, 1]} : vector<512x3328xf32> to vector<512x64xf32>
    %slice3A_63 = vector.extract_strided_slice %get3A_42 {offsets = [0, 2752], sizes = [512, 64], strides = [1, 1]} : vector<512x3328xf32> to vector<512x64xf32>
    %slice3A_64 = vector.extract_strided_slice %get3A_42 {offsets = [0, 2816], sizes = [512, 64], strides = [1, 1]} : vector<512x3328xf32> to vector<512x64xf32>
    %slice3A_65 = vector.extract_strided_slice %get3A_42 {offsets = [0, 3008], sizes = [512, 64], strides = [1, 1]} : vector<512x3328xf32> to vector<512x64xf32>
    %slice3A_66 = vector.extract_strided_slice %get3A_42 {offsets = [0, 3072], sizes = [512, 64], strides = [1, 1]} : vector<512x3328xf32> to vector<512x64xf32>
    %slice3A_67 = vector.extract_strided_slice %get3A_42 {offsets = [0, 3264], sizes = [512, 64], strides = [1, 1]} : vector<512x3328xf32> to vector<512x64xf32>
    %concatenate3A = tpu.concatenate %max3A_39, %slice3A, %slice3A_43, %slice3A_44, %slice3A_45, %slice3A_46, %slice3A_47, %slice3A_48, %slice3A_49, %slice3A_50, %slice3A_51, %slice3A_52, %slice3A_53, %slice3A_54, %slice3A_55, %slice3A_56, %slice3A_57, %slice3A_58, %slice3A_59, %slice3A_60, %slice3A_61, %slice3A_62, %slice3A_63, %slice3A_64, %slice3A_65, %slice3A_66, %slice3A_67 in 1 : vector<512x64xf32>, vector<512x64xf32>, vector<512x64xf32>, vector<512x64xf32>, vector<512x64xf32>, vector<512x64xf32>, vector<512x64xf32>, vector<512x64xf32>, vector<512x64xf32>, vector<512x64xf32>, vector<512x64xf32>, vector<512x64xf32>, vector<512x64xf32>, vector<512x64xf32>, vector<512x64xf32>, vector<512x64xf32>, vector<512x64xf32>, vector<512x64xf32>, vector<512x64xf32>, vector<512x64xf32>, vector<512x64xf32>, vector<512x64xf32>, vector<512x64xf32>, vector<512x64xf32>, vector<512x64xf32>, vector<512x64xf32>, vector<512x64xf32> -> vector<512x1728xf32>
    %convert_element_type3A_68 = arith.truncf %concatenate3A : vector<512x1728xf32> to vector<512x1728xbf16>
    %reshape3A = vector.shape_cast %convert_element_type3A_68 : vector<512x1728xbf16> to vector<512x27x64xbf16>
    %dot_general3A_69 = arith.constant dense<0.000000e+00> : vector<512x27x27xf32>
    %dot_general3A_70 = tpu.matmul %reshape3A, %reshape3A, %dot_general3A_69 {dimension_numbers = #tpu.dot_dimension_numbers<[2], [2], [1], [1], [0, 0, 0, 1, 1, 1], [0], [0]>, transpose_lhs_hint = false} : vector<512x27x64xbf16>, vector<512x27x64xbf16>, vector<512x27x27xf32> -> vector<512x27x27xf32>
    %reshape3A_71 = vector.shape_cast %dot_general3A_70 : vector<512x27x27xf32> to vector<512x729xf32>
    %convert_element_type3A_72 = arith.truncf %reshape3A_71 : vector<512x729xf32> to vector<512x729xbf16>
    %convert_element_type3A_73 = arith.truncf %max3A_39 : vector<512x64xf32> to vector<512x64xbf16>
    %concatenate3A_74 = tpu.concatenate %convert_element_type3A_73, %convert_element_type3A_72 in 1 : vector<512x64xbf16>, vector<512x729xbf16> -> vector<512x793xbf16>
    %get3A_75 = arith.constant 0 : index
    %get3A_76 = arith.constant 0 : index
    %get3A_77 = vector.load %arg9[%get3A_75, %get3A_76] : memref<793x1024xbf16, #tpu.memory_space<vmem>>, vector<793x1024xbf16>
    %dot_general3A_78 = arith.constant dense<0.000000e+00> : vector<512x1024xf32>
    %dot_general3A_79 = tpu.matmul %concatenate3A_74, %get3A_77, %dot_general3A_78 {dimension_numbers = #tpu.dot_dimension_numbers<[1], [0], [0], [1], [0, 0, 1, 1], [], []>, transpose_lhs_hint = false} : vector<512x793xbf16>, vector<793x1024xbf16>, vector<512x1024xf32> -> vector<512x1024xf32>
    %get3A_80 = arith.constant 0 : index
    %get3A_81 = arith.constant 0 : index
    %get3A_82 = vector.load %arg10[%get3A_80, %get3A_81] : memref<1x1024xf32, #tpu.memory_space<vmem>>, vector<1x1024xf32>
    %add3A_83 = vector.broadcast %get3A_82 : vector<1x1024xf32> to vector<512x1024xf32>
    %add3A_84 = arith.addf %dot_general3A_79, %add3A_83 : vector<512x1024xf32>
    %max3A_85 = arith.constant 0.000000e+00 : f32
    %max3A_86 = vector.broadcast %max3A_85 : f32 to vector<512x1024xf32>
    %max3A_87 = arith.maximumf %add3A_84, %max3A_86 : vector<512x1024xf32>
    %convert_element_type3A_88 = arith.truncf %max3A_87 : vector<512x1024xf32> to vector<512x1024xbf16>
    %get3A_89 = arith.constant 0 : index
    %get3A_90 = arith.constant 0 : index
    %get3A_91 = vector.load %arg11[%get3A_89, %get3A_90] : memref<1024x512xbf16, #tpu.memory_space<vmem>>, vector<1024x512xbf16>
    %dot_general3A_92 = arith.constant dense<0.000000e+00> : vector<512x512xf32>
    %dot_general3A_93 = tpu.matmul %convert_element_type3A_88, %get3A_91, %dot_general3A_92 {dimension_numbers = #tpu.dot_dimension_numbers<[1], [0], [0], [1], [0, 0, 1, 1], [], []>, transpose_lhs_hint = false} : vector<512x1024xbf16>, vector<1024x512xbf16>, vector<512x512xf32> -> vector<512x512xf32>
    %get3A_94 = arith.constant 0 : index
    %get3A_95 = arith.constant 0 : index
    %get3A_96 = vector.load %arg12[%get3A_94, %get3A_95] : memref<1x512xf32, #tpu.memory_space<vmem>>, vector<1x512xf32>
    %add3A_97 = vector.broadcast %get3A_96 : vector<1x512xf32> to vector<512x512xf32>
    %add3A_98 = arith.addf %dot_general3A_93, %add3A_97 : vector<512x512xf32>
    %max3A_99 = arith.constant 0.000000e+00 : f32
    %max3A_100 = vector.broadcast %max3A_99 : f32 to vector<512x512xf32>
    %max3A_101 = arith.maximumf %add3A_98, %max3A_100 : vector<512x512xf32>
    %convert_element_type3A_102 = arith.truncf %max3A_101 : vector<512x512xf32> to vector<512x512xbf16>
    %get3A_103 = arith.constant 0 : index
    %get3A_104 = arith.constant 0 : index
    %get3A_105 = vector.load %arg13[%get3A_103, %get3A_104] : memref<512x256xbf16, #tpu.memory_space<vmem>>, vector<512x256xbf16>
    %dot_general3A_106 = arith.constant dense<0.000000e+00> : vector<512x256xf32>
    %dot_general3A_107 = tpu.matmul %convert_element_type3A_102, %get3A_105, %dot_general3A_106 {dimension_numbers = #tpu.dot_dimension_numbers<[1], [0], [0], [1], [0, 0, 1, 1], [], []>, transpose_lhs_hint = false} : vector<512x512xbf16>, vector<512x256xbf16>, vector<512x256xf32> -> vector<512x256xf32>
    %get3A_108 = arith.constant 0 : index
    %get3A_109 = arith.constant 0 : index
    %get3A_110 = vector.load %arg14[%get3A_108, %get3A_109] : memref<1x256xf32, #tpu.memory_space<vmem>>, vector<1x256xf32>
    %add3A_111 = vector.broadcast %get3A_110 : vector<1x256xf32> to vector<512x256xf32>
    %add3A_112 = arith.addf %dot_general3A_107, %add3A_111 : vector<512x256xf32>
    %max3A_113 = arith.constant 0.000000e+00 : f32
    %max3A_114 = vector.broadcast %max3A_113 : f32 to vector<512x256xf32>
    %max3A_115 = arith.maximumf %add3A_112, %max3A_114 : vector<512x256xf32>
    %convert_element_type3A_116 = arith.truncf %max3A_115 : vector<512x256xf32> to vector<512x256xbf16>
    %get3A_117 = arith.constant 0 : index
    %get3A_118 = arith.constant 0 : index
    %get3A_119 = vector.load %arg15[%get3A_117, %get3A_118] : memref<256x1xbf16, #tpu.memory_space<vmem>>, vector<256x1xbf16>
    %dot_general3A_120 = arith.constant dense<0.000000e+00> : vector<512x1xf32>
    %dot_general3A_121 = tpu.matmul %convert_element_type3A_116, %get3A_119, %dot_general3A_120 {dimension_numbers = #tpu.dot_dimension_numbers<[1], [0], [0], [1], [0, 0, 1, 1], [], []>, transpose_lhs_hint = false} : vector<512x256xbf16>, vector<256x1xbf16>, vector<512x1xf32> -> vector<512x1xf32>
    %get3A_122 = arith.constant 0 : index
    %get3A_123 = arith.constant 0 : index
    %get3A_124 = vector.load %arg16[%get3A_122, %get3A_123] : memref<1x1xf32, #tpu.memory_space<vmem>>, vector<1x1xf32>
    %add3A_125 = vector.broadcast %get3A_124 : vector<1x1xf32> to vector<512x1xf32>
    %add3A_126 = arith.addf %dot_general3A_121, %add3A_125 : vector<512x1xf32>
    %logistic3A = arith.negf %add3A_126 : vector<512x1xf32>
    %logistic3A_127 = math.exp %logistic3A : vector<512x1xf32>
    %logistic3A_128 = arith.constant 1.000000e+00 : f32
    %logistic3A_129 = vector.broadcast %logistic3A_128 : f32 to vector<512x1xf32>
    %logistic3A_130 = arith.addf %logistic3A_129, %logistic3A_127 : vector<512x1xf32>
    %logistic3A_131 = arith.divf %logistic3A_129, %logistic3A_130 : vector<512x1xf32>
    %swap3A = arith.constant 0 : index
    %swap3A_132 = arith.constant 0 : index
    %swap3A_133 = vector.load %arg17[%swap3A, %swap3A_132] : memref<512x1xf32, #tpu.memory_space<vmem>>, vector<512x1xf32>
    tpu.vector_store %arg17[%swap3A, %swap3A_132], %logistic3A_131 {strides = array<i32>} : memref<512x1xf32, #tpu.memory_space<vmem>>, vector<512x1xf32>,
    return
  }
  func.func @transform_0(%arg0: i32) -> (i32, i32) {
    %c0_i32 = arith.constant 0 : i32
    %c0_i32_0 = arith.constant 0 : i32
    return %arg0, %c0_i32 : i32, i32
  }
  func.func @transform_1(%arg0: i32) -> (i32, i32) {
    %c0_i32 = arith.constant 0 : i32
    %c0_i32_0 = arith.constant 0 : i32
    return %arg0, %c0_i32 : i32, i32
  }
  func.func @transform_2(%arg0: i32) -> (i32, i32) {
    %c0_i32 = arith.constant 0 : i32
    %c0_i32_0 = arith.constant 0 : i32
    %c0_i32_1 = arith.constant 0 : i32
    return %c0_i32, %c0_i32_0 : i32, i32
  }
  func.func @transform_3(%arg0: i32) -> (i32, i32) {
    %c0_i32 = arith.constant 0 : i32
    %c0_i32_0 = arith.constant 0 : i32
    %c0_i32_1 = arith.constant 0 : i32
    return %c0_i32, %c0_i32_0 : i32, i32
  }
  func.func @transform_4(%arg0: i32) -> (i32, i32) {
    %c0_i32 = arith.constant 0 : i32
    %c0_i32_0 = arith.constant 0 : i32
    %c0_i32_1 = arith.constant 0 : i32
    return %c0_i32, %c0_i32_0 : i32, i32
  }
  func.func @transform_5(%arg0: i32) -> (i32, i32) {
    %c0_i32 = arith.constant 0 : i32
    %c0_i32_0 = arith.constant 0 : i32
    %c0_i32_1 = arith.constant 0 : i32
    return %c0_i32, %c0_i32_0 : i32, i32
  }
  func.func @transform_6(%arg0: i32) -> (i32, i32) {
    %c0_i32 = arith.constant 0 : i32
    %c0_i32_0 = arith.constant 0 : i32
    %c0_i32_1 = arith.constant 0 : i32
    return %c0_i32, %c0_i32_0 : i32, i32
  }
  func.func @transform_7(%arg0: i32) -> (i32, i32) {
    %c0_i32 = arith.constant 0 : i32
    %c0_i32_0 = arith.constant 0 : i32
    %c0_i32_1 = arith.constant 0 : i32
    return %c0_i32, %c0_i32_0 : i32, i32
  }
  func.func @transform_8(%arg0: i32) -> (i32, i32) {
    %c0_i32 = arith.constant 0 : i32
    %c0_i32_0 = arith.constant 0 : i32
    %c0_i32_1 = arith.constant 0 : i32
    return %c0_i32, %c0_i32_0 : i32, i32
  }
  func.func @transform_9(%arg0: i32) -> (i32, i32) {
    %c0_i32 = arith.constant 0 : i32
    %c0_i32_0 = arith.constant 0 : i32
    %c0_i32_1 = arith.constant 0 : i32
    return %c0_i32, %c0_i32_0 : i32, i32
  }
  func.func @transform_10(%arg0: i32) -> (i32, i32) {
    %c0_i32 = arith.constant 0 : i32
    %c0_i32_0 = arith.constant 0 : i32
    %c0_i32_1 = arith.constant 0 : i32
    return %c0_i32, %c0_i32_0 : i32, i32
  }
  func.func @transform_11(%arg0: i32) -> (i32, i32) {
    %c0_i32 = arith.constant 0 : i32
    %c0_i32_0 = arith.constant 0 : i32
    %c0_i32_1 = arith.constant 0 : i32
    return %c0_i32, %c0_i32_0 : i32, i32
  }
  func.func @transform_12(%arg0: i32) -> (i32, i32) {
    %c0_i32 = arith.constant 0 : i32
    %c0_i32_0 = arith.constant 0 : i32
    %c0_i32_1 = arith.constant 0 : i32
    return %c0_i32, %c0_i32_0 : i32, i32
  }
  func.func @transform_13(%arg0: i32) -> (i32, i32) {
    %c0_i32 = arith.constant 0 : i32
    %c0_i32_0 = arith.constant 0 : i32
    %c0_i32_1 = arith.constant 0 : i32
    return %c0_i32, %c0_i32_0 : i32, i32
  }
  func.func @transform_14(%arg0: i32) -> (i32, i32) {
    %c0_i32 = arith.constant 0 : i32
    %c0_i32_0 = arith.constant 0 : i32
    %c0_i32_1 = arith.constant 0 : i32
    return %c0_i32, %c0_i32_0 : i32, i32
  }
  func.func @transform_15(%arg0: i32) -> (i32, i32) {
    %c0_i32 = arith.constant 0 : i32
    %c0_i32_0 = arith.constant 0 : i32
    %c0_i32_1 = arith.constant 0 : i32
    return %c0_i32, %c0_i32_0 : i32, i32
  }
  func.func @transform_16(%arg0: i32) -> (i32, i32) {
    %c0_i32 = arith.constant 0 : i32
    %c0_i32_0 = arith.constant 0 : i32
    return %arg0, %c0_i32 : i32, i32
  }
}

</mosaic_0001>

<sc_bundles>
// kernel: kernel.5.cloned.1.call-start
scs
__scs_entry_jumppad:
0x0: {  	(pc) =	sbr.rel $0x88, $3  }
0x1: {  	(tag) =	ssettag $0x0;
	lr =	simm.s32 $0x1  }
0x2: {  	[smem:$0x3F5D] =	sst lr;
	_ =	strace $0xD0000000  }
0x3: {  	_ = 	snop  }
0x4: {  	_ = 	snop  }
0x5: {  	_ = 	snop  }
0x6: {  	_ = 	snop  }
0x7: {  	_ = 	snop  }
__scs_overlays_trampoline_lowered:
0x8: {  	[smem:$0x3F6C] =	sst s0  }
0x9: {  	[smem:$0x3F6D] =	sst s1  }
0xa: {  	[smem:$0x3F6E] =	sst s2  }
0xb: {  	[smem:$0x3F6F] =	sst s3  }
0xc: {  	[smem:$0x3F70] =	sst s4  }
0xd: {  	[smem:$0x3F71] =	sst s5  }
0xe: {  	[smem:$0x3F72] =	sst s6  }
0xf: {  	[smem:$0x3F73] =	sst s7  }
0x10: {  	[smem:$0x3F74] =	sst s8  }
0x11: {  	[smem:$0x3F75] =	sst s9;
	s0 =	simm.s32 @!p0 $0x0  }
0x12: {  	s1 =	sld [smem:$0x3F5B];
	s0 =	simm.s32 @p0 $0x1  }
0x13: {  	[smem:$0x3F76] =	sst s0;
	s0 =	simm.s32 @!p1 $0x0  }
0x14: {  	s2 =	sld [smem:$0x3F5A];
	s0 =	simm.s32 @p1 $0x1  }
0x15: {  	[smem:$0x3F77] =	sst s0;
	s0 =	simm.s32 @!p2 $0x0  }
0x16: {  	s3 =	sld [smem:$0x3FDB];
	s0 =	simm.s32 @p2 $0x1  }
0x17: {  	s4 =	simm.s32 $0x1BF5;
	[smem:$0x3F79] =	sst s0  }
0x18: {  	s0 =	sld [smem:$0x3F5C];
	_ =	swait.ge [sflag:s4], $0x0  }
0x19: {  	s7 =	sld [smem:$0x3F5D]  }
0x1a: {  	s8 =	sadd.s32 $0xFFFFE003, lr  }
0x1b: {  	s9 =	sadd.s32 $0xFFFFFEF7, lr;
	s5 =	simm.s32 $0xFFFFFFFF;
	p2 =	slt.u32 s8, $0xFFFFF086  }
0x1c: {  	p1 =	slt.u32 s9, $0xF7A;
	s5 =	simm.s32 @!p2 $0x0  }
0x1d: {  	s5 =	simm.s32 @p1 $0x1;
	p0 =	seq.s32 s7, s2  }
0x1e: {  	s7 =	smul.u32 @!p0 $0xF7A, s2;
	p2 =	seq.s32 @!p0 s5, $0x0  }
0x1f: {  	s9 =	smul.u32 $0xF7A, s1;
	s8 =	simm.s32 @!p0 $0x1BF5;
	p2 =	por !p2, p0  }
0x20: {  	[sflag:s8] =	ssyncset.s32 @!p0 $0xFFFFF086;
	s6 =	sadd.s32 @!p0 s3, s7;
	s7 =	simm.s32 @!p0 $0x108  }
0x21: {  	s3 =	sadd.s32 s3, s9;
	s6 =	sadd.s32 @!p0 $0x88, s6;
	s7 =	simm.s32 @p2 $0x1082  }
0x22: {  	[simem:s7], [sflag:s8] =	dma.local @!p0 [hbm:s6], $0xF7A  }
0x23: {  	s9 =	sor.u32 $0xD0000000, s2;
	s6 =	simm.s32 $0x108;
	_ =	swait.ge @!p0 [sflag:s8], $0x0  }
0x24: {  	s3 =	sadd.s32 $0x88, s3;
	s6 =	simm.s32 @!p1 $0x1082;
	[sflag:s4] =	ssyncset.s32 $0xFFFFF086  }
0x25: {  	[simem:s6], [sflag:s4] =	dma.local [hbm:s3], $0xF7A  }
0x26: {  	[smem:$0x3F5D] =	sst s1;
	(tag) =	ssettag s2;
	_ =	strace s9  }
0x27: {  	s1 =	sld [smem:$0x3F6D]  }
0x28: {  	s2 =	sld [smem:$0x3F6E]  }
0x29: {  	s4 =	sld [smem:$0x3F70]  }
0x2a: {  	p0 =	seq.s32 s5, $0x0;
	s5 =	sld [smem:$0x3F71]  }
0x2b: {  	s6 =	sld [smem:$0x3F72]  }
0x2c: {  	s7 =	sld [smem:$0x3F73]  }
0x2d: {  	s3 =	simm.s32 $0x108;
	s8 =	sld [smem:$0x3F74]  }
0x2e: {  	s3 =	simm.s32 @!p0 $0x1082;
	s9 =	sld [smem:$0x3F75]  }
0x2f: {  	lr =	sadd.s32 s0, s3;
	s0 =	sld [smem:$0x3F6C]  }
0x30: {  	s3 =	sld [smem:$0x3F6F]  }
0x31: {  	[smem:$0x3F78] =	sst s10  }
0x32: {  	s10 =	sld [smem:$0x3F76];
	_ =	sdelay $0x3  }
0x33: {  	p0 =	seq.s32 s10, $0x1;
	s10 =	sld [smem:$0x3F78];
	_ =	sdelay $0x3  }
0x34: {  	[smem:$0x3F78] =	sst s10  }
0x35: {  	s10 =	sld [smem:$0x3F77];
	_ =	sdelay $0x3  }
0x36: {  	p1 =	seq.s32 s10, $0x1;
	s10 =	sld [smem:$0x3F78];
	_ =	sdelay $0x3  }
0x37: {  	[smem:$0x3F78] =	sst s10  }
0x38: {  	s10 =	sld [smem:$0x3F79]  }
0x39: {  	_ = 	snop;
	(pc) =	sbr.ind lr, $3  }
0x3a: {  	_ = 	snop  }
0x3b: {  	_ = 	snop  }
0x3c: {  	p2 =	seq.s32 s10, $0x1;
	s10 =	sld [smem:$0x3F78]  }
0x3d: {  	_ =	shalt  }
0x3e: {  	_ =	shalt  }
0x3f: {  	_ =	shalt  }
0x40: {  	_ =	shalt  }
0x41: {  	_ =	shalt  }
0x42: {  	_ =	shalt  }
0x43: {  	_ =	shalt  }
0x44: {  	_ =	shalt  }
0x45: {  	_ =	shalt  }
0x46: {  	_ =	shalt  }
0x47: {  	_ =	shalt  }
0x48: {  	_ =	shalt  }
0x49: {  	_ =	shalt  }
0x4a: {  	_ =	shalt  }
0x4b: {  	_ =	shalt  }
0x4c: {  	_ =	shalt  }
0x4d: {  	_ =	shalt  }
0x4e: {  	_ =	shalt  }
0x4f: {  	_ =	shalt  }
0x50: {  	_ =	shalt  }
0x51: {  	_ =	shalt  }
0x52: {  	_ =	shalt  }
0x53: {  	_ =	shalt  }
0x54: {  	_ =	shalt  }
0x55: {  	_ =	shalt  }
0x56: {  	_ =	shalt  }
0x57: {  	_ =	shalt  }
0x58: {  	_ =	shalt  }
0x59: {  	_ =	shalt  }
0x5a: {  	_ =	shalt  }
0x5b: {  	_ =	shalt  }
0x5c: {  	_ =	shalt  }
0x5d: {  	_ =	shalt  }
0x5e: {  	_ =	shalt  }
0x5f: {  	_ =	shalt  }
0x60: {  	_ =	shalt  }
0x61: {  	_ =	shalt  }
0x62: {  	_ =	shalt  }
0x63: {  	_ =	shalt  }
0x64: {  	_ =	shalt  }
0x65: {  	_ =	shalt  }
0x66: {  	_ =	shalt  }
0x67: {  	_ =	shalt  }
0x68: {  	_ =	shalt  }
0x69: {  	_ =	shalt  }
0x6a: {  	_ =	shalt  }
0x6b: {  	_ =	shalt  }
0x6c: {  	_ =	shalt  }
0x6d: {  	_ =	shalt  }
0x6e: {  	_ =	shalt  }
0x6f: {  	_ =	shalt  }
0x70: {  	_ =	shalt  }
0x71: {  	_ =	shalt  }
0x72: {  	_ =	shalt  }
0x73: {  	_ =	shalt  }
0x74: {  	_ =	shalt  }
0x75: {  	_ =	shalt  }
0x76: {  	_ =	shalt  }
0x77: {  	_ =	shalt  }
0x78: {  	_ =	shalt  }
0x79: {  	_ =	shalt  }
0x7a: {  	_ =	shalt  }
0x7b: {  	_ =	shalt  }
0x7c: {  	_ =	shalt  }
0x7d: {  	_ =	shalt  }
0x7e: {  	_ =	shalt  }
0x7f: {  	_ =	shalt  }
0x80: {  	_ =	shalt  }
0x81: {  	_ =	shalt  }
0x82: {  	_ =	shalt  }
0x83: {  	_ =	shalt  }
0x84: {  	_ =	shalt  }
0x85: {  	_ =	shalt  }
0x86: {  	_ =	shalt  }
0x87: {  	_ =	shalt  }
.Lfunc_end0:
.L_simem_size_0:
called_computation_lowered:
.L_overlay_start_0:
0x88: {  	s2 =	sld [smem:$0x3FD9]  }
0x89: {  	s3 =	sld [smem:$0x3FFE];
	_ =	sdelay $0x1  }
0x8a: {  	s1 =	srdreg.scid  }
0x8b: {  	s0 =	sand.u32 $0x1, s1  }
0x8c: {  	s16 =	sshll.u32 s0, $0xA;
	s2 =	sadd.s32 s3, s2  }
0x8d: {  	s2 =	sadd.s32 s2, s16  }
0x8e: {  	[smem:$0x3F84] =	sst s2  }
0x8f: {  	_ = 	snop  }
0x90: {  	(tm) =	ssettm $0x1  }
0x91: {  	s17 =	sld [smem:$0x3FFB];
	_ =	sdelay $0x3  }
0x92: {  	_ =	strace s17  }
0x93: {  	s2 =	sld [smem:$0x3FFC];
	_ =	sdelay $0x3  }
0x94: {  	_ =	strace s2  }
0x95: {  	s2 =	sld [smem:$0x3FFD];
	_ =	sdelay $0x3  }
0x96: {  	_ =	strace s2  }
0x97: {  	_ =	strace $0x8FFFFFFF  }
0x98: {  	s18 =	sld [smem:$0x3FDB];
	_ =	sdelay $0x1  }
0x99: {  	s19 =	simm.s32 $_scs_section_size  }
0x9a: {  	s4 =	simm.s32 $_size__tile_overlayer_lowered;
	s5 =	simm.s32 $_tile_overlayer_lowered  }
0x9b: {  	s22 =	simm.s32 $0x1BFF;
	s21 =	sshll.u32 s5, $0x1;
	s2 =	sadd.s32 s19, s18  }
0x9c: {  	s6 =	simm.s32 $0x0;
	s20 =	sshll.u32 s4, $0x1;
	s4 =	sadd.s32 s21, s2  }
0x9d: {  	[timem:s6], [sflag:s22] =	dma.local [hbm:s4], s20  }
0x9e: {  	_ =	swait.ge [sflag:s22], s20  }
0x9f: {  	s3 =	ssub.s32 $0x0, s20;
	[sflag:s22] =	ssyncset.done $0x0  }
0xa0: {  	[sflag:s22] =	ssyncadd.s32 s3;
	_ =	sdelay $0x1  }
0xa1: {  	s23 =	simm.s32 $0x1B8B  }
0xa2: {  	_ =	swait.ge [sflag:s23], $0x1  }
0xa3: {  	[sflag:s23] =	ssyncset.done $0x0  }
0xa4: {  	s25 =	simm.s32 $0x1B8E;
	s24 =	sld [smem:$0x3FFE];
	[sflag:s23] =	ssyncadd.s32 $0xFFFFFFFF  }
0xa5: {  	s26 =	simm.s32 $execute0_lowered;
	[smem:$0x3FD2] =	sst s25  }
0xa6: {  	s4 =	sshll.u32 s26, $0x1;
	_ =	strace $0x80000046;
	[dreg:$0x1] =	wrdreg $0xFFFFFFFF  }
0xa7: {  	s28 =	simm.s32 $_size_execute0_lowered;
	s2 =	sadd.s32 s2, s4;
	[dreg:$0x0] =	wrdreg $0x0  }
0xa8: {  	s4 =	sshll.u32 s28, $0x1;
	[dreg:$0x2] =	wrdreg s2  }
0xa9: {  	[dreg:$0x3] =	wrdreg s4  }
0xaa: {  	[dreg:$0x4] =	wrdreg $0xC0  }
0xab: {  	_ =	task [dreg:s6], $0x5FFFF  }
0xac: {  	[dreg:$0x1] =	wrdreg $0xFFFFFFFF  }
0xad: {  	[dreg:$0x0] =	wrdreg $0x60  }
0xae: {  	[dreg:$0x2] =	wrdreg s24  }
0xaf: {  	[dreg:$0x3] =	wrdreg $0x9  }
0xb0: {  	_ =	task.clear_ibuf [dreg:s6], $0x4FFFF;
	_ =	strace $0x90000046  }
0xb1: {  	s29 =	simm.s32 $0x9;
	_ =	strace $0x80000048  }
0xb2: {  	_ =	swait.ge [sflag:s29], $0x1  }
0xb3: {  	[sflag:s29] =	ssyncadd.s32 $0xFFFFFFFF  }
0xb4: {  	_ =	strace $0x90000048  }
0xb5: {  	_ =	sfence  }
0xb6: {  	s30 =	sld [smem:$0x0];
	_ =	sdelay $0x2  }
0xb7: {  	s31 =	sshll.u32 s1, $0xD;
	s1 =	sshrl.u32 s1, $0x2  }
0xb8: {  	s3 =	sand.u32 $0x4000, s31;
	s1 =	sadd.s32 s1, s30  }
0xb9: {  	s0 =	sor.u32 s3, s0;
	s1 =	sshll.u32 s1, $0x11  }
0xba: {  	s0 =	sor.u32 s1, s0  }
0xbb: {  	s0 =	sadd.s32 $0x8F2B, s0  }
0xbc: {  	[sflag:s0] =	ssyncadd.remote.s32 $0x1  }
0xbd: {  	_ =	sfence.sel $0xFFFF  }
0xbe: {  	[dreg:$0x0] =	wrdreg $0xFFFFFFFF;
	(pc) =	sbr.abs _section_cstart, $3  }
0xbf: {  	[dreg:$0x1] =	wrdreg $0xFFFFFFFF  }
0xc0: {  	_ =	task.clear_ibuf [dreg:s6], $0x2FFFF;
	_ =	strace $0x9FFFFFFF  }
0xc1: {  	(tm) =	ssettm $0x7FFFFFFF  }
tec
execute0_lowered:
.L_overlay_start_1:
0x0: {  	(tag) =	ssettag $0x1  }
0x1: {  	s15 =	rddreg [dreg:$0x0];
	s2 =	simm.s32 $0x0  }
0x2: {  	s20 =	simm.s32 $0x1400;
	[smem:$0x7FF] =	sst s2  }
0x3: {  	s21 =	simm.s32 $0x7C00;
	_ =	strace $0x80000047;
	[dreg:$0x4] =	wrdreg s20  }
0x4: {  	s22 =	simm.s32 $0xE400;
	[dreg:$0x5] =	wrdreg s21  }
0x5: {  	s23 =	simm.s32 $0x14C00;
	[dreg:$0x6] =	wrdreg s22  }
0x6: {  	s24 =	simm.s32 $0x1800;
	[dreg:$0x7] =	wrdreg s23  }
0x7: {  	s25 =	simm.s32 $0x8000;
	[dreg:$0x8] =	wrdreg s24  }
0x8: {  	s26 =	simm.s32 $0xE800;
	[dreg:$0x9] =	wrdreg s25  }
0x9: {  	s31 =	simm.s32 $0x15000;
	[dreg:$0xa] =	wrdreg s26  }
0xa: {  	s6 =	simm.s32 $0xEC00;
	[dreg:$0xb] =	wrdreg s31  }
0xb: {  	s7 =	simm.s32 $0x15400;
	[dreg:$0xe] =	wrdreg s6  }
0xc: {  	s8 =	simm.s32 $0x2000;
	[dreg:$0xf] =	wrdreg s7  }
0xd: {  	s9 =	simm.s32 $0x8800;
	[dreg:$0x10] =	wrdreg s8  }
0xe: {  	s10 =	simm.s32 $0xF000;
	[dreg:$0x11] =	wrdreg s9  }
0xf: {  	s11 =	simm.s32 $0x15800;
	[dreg:$0x12] =	wrdreg s10  }
0x10: {  	s12 =	simm.s32 $0x2400;
	[dreg:$0x13] =	wrdreg s11  }
0x11: {  	s13 =	simm.s32 $0x8C00;
	[dreg:$0x14] =	wrdreg s12  }
0x12: {  	s14 =	simm.s32 $0xF400;
	[dreg:$0x15] =	wrdreg s13  }
0x13: {  	s16 =	simm.s32 $0x15C00;
	[dreg:$0x16] =	wrdreg s14  }
0x14: {  	s17 =	simm.s32 $0x2800;
	[dreg:$0x17] =	wrdreg s16  }
0x15: {  	s18 =	simm.s32 $0x9000;
	[dreg:$0x18] =	wrdreg s17  }
0x16: {  	[dreg:$0x19] =	wrdreg s18;
	s20 =	simm.s32 $0x16000  }
0x17: {  	s21 =	simm.s32 $0x2C00;
	[dreg:$0x1b] =	wrdreg s20  }
0x18: {  	s22 =	simm.s32 $0x9400;
	[dreg:$0x1c] =	wrdreg s21  }
0x19: {  	s23 =	simm.s32 $0xFC00;
	[dreg:$0x1d] =	wrdreg s22  }
0x1a: {  	s24 =	simm.s32 $0x16400;
	[dreg:$0x1e] =	wrdreg s23  }
0x1b: {  	s25 =	simm.s32 $0x3000;
	[dreg:$0x1f] =	wrdreg s24  }
0x1c: {  	s26 =	simm.s32 $0x9800;
	[smem:$0x7B9] =	sst s25  }
0x1d: {  	s31 =	simm.s32 $0x10000;
	[smem:$0x7BA] =	sst s26  }
0x1e: {  	s6 =	simm.s32 $0x9C00;
	[smem:$0x7BB] =	sst s31  }
0x1f: {  	s7 =	simm.s32 $0x10400;
	[smem:$0x7BE] =	sst s6  }
0x20: {  	s8 =	simm.s32 $0x16C00;
	[smem:$0x7BF] =	sst s7  }
0x21: {  	s9 =	simm.s32 $0x3800;
	[smem:$0x7C0] =	sst s8  }
0x22: {  	s10 =	simm.s32 $0xA000;
	[smem:$0x7C1] =	sst s9  }
0x23: {  	s11 =	simm.s32 $0x10800;
	[smem:$0x7C2] =	sst s10  }
0x24: {  	s12 =	simm.s32 $0x17000;
	[smem:$0x7C3] =	sst s11  }
0x25: {  	s13 =	simm.s32 $0x3C00;
	[smem:$0x7C4] =	sst s12  }
0x26: {  	s14 =	simm.s32 $0xA400;
	[smem:$0x7C5] =	sst s13  }
0x27: {  	s16 =	simm.s32 $0x10C00;
	[smem:$0x7C6] =	sst s14  }
0x28: {  	s17 =	simm.s32 $0x17400;
	[smem:$0x7C7] =	sst s16  }
0x29: {  	s18 =	simm.s32 $0x4000;
	[smem:$0x7C8] =	sst s17  }
0x2a: {  	[smem:$0x7C9] =	sst s18;
	s20 =	simm.s32 $0x11000  }
0x2b: {  	s21 =	simm.s32 $0x17800;
	[smem:$0x7CB] =	sst s20  }
0x2c: {  	s22 =	simm.s32 $0x4800;
	[smem:$0x7CC] =	sst s21  }
0x2d: {  	s23 =	simm.s32 $0xB000;
	[smem:$0x7CD] =	sst s22  }
0x2e: {  	s24 =	simm.s32 $0x11800;
	[smem:$0x7CE] =	sst s23  }
0x2f: {  	s25 =	simm.s32 $0x18000;
	[smem:$0x7CF] =	sst s24  }
0x30: {  	s26 =	simm.s32 $0x4C00;
	[smem:$0x7D0] =	sst s25  }
0x31: {  	s31 =	simm.s32 $0xB400;
	[smem:$0x7D1] =	sst s26  }
0x32: {  	s6 =	simm.s32 $0x5000;
	[smem:$0x7D2] =	sst s31  }
0x33: {  	s7 =	simm.s32 $0xB800;
	[smem:$0x7D5] =	sst s6  }
0x34: {  	s8 =	simm.s32 $0x12000;
	[smem:$0x7D6] =	sst s7  }
0x35: {  	s9 =	simm.s32 $0x18800;
	[smem:$0x7D7] =	sst s8  }
0x36: {  	s10 =	simm.s32 $0x5400;
	[smem:$0x7D8] =	sst s9  }
0x37: {  	s11 =	simm.s32 $0xBC00;
	[smem:$0x7D9] =	sst s10  }
0x38: {  	s0 =	stileid.u32;
	s12 =	simm.s32 $0x12400;
	[smem:$0x7DA] =	sst s11  }
0x39: {  	s1 =	srdreg.scid;
	s13 =	simm.s32 $0x18C00;
	[smem:$0x7DB] =	sst s12  }
0x3a: {  	s1 =	sand.u32 $0x1, s1;
	s14 =	simm.s32 $0x5800;
	[smem:$0x7DC] =	sst s13  }
0x3b: {  	s3 =	smul.u32 $0x340000, s0;
	s16 =	simm.s32 $0xC000;
	[smem:$0x7DD] =	sst s14  }
0x3c: {  	s4 =	smul.u32 $0x1A0000, s1;
	s17 =	simm.s32 $0x12800;
	[smem:$0x7DE] =	sst s16  }
0x3d: {  	s18 =	sshll.u32 s0, $0xE;
	s0 =	simm.s32 $0xD400;
	[smem:$0x7DF] =	sst s17  }
0x3e: {  	s3 =	sadd.s32 s4, s3;
	s4 =	simm.s32 $0x1C00;
	[smem:$0x7F3] =	sst s0  }
0x3f: {  	s20 =	simm.s32 $0x5C00;
	[dreg:$0xc] =	wrdreg s4  }
0x40: {  	s21 =	simm.s32 $0xC400;
	[smem:$0x7E1] =	sst s20  }
0x41: {  	s6 =	simm.s32 $0x12C00;
	[smem:$0x7E2] =	sst s21  }
0x42: {  	s7 =	simm.s32 $0x19400;
	[smem:$0x7E3] =	sst s6  }
0x43: {  	s28 =	simm.s32 $0x17C00;
	s8 =	simm.s32 $0x6000;
	[smem:$0x7E4] =	sst s7  }
0x44: {  	s29 =	simm.s32 $0x3;
	s9 =	simm.s32 $0xC800;
	[smem:$0x7E5] =	sst s8  }
0x45: {  	s30 =	simm.s32 $0x0;
	s10 =	simm.s32 $0x13000;
	[smem:$0x7E6] =	sst s9  }
0x46: {  	s19 =	sadd.s32 $0x141A200, s15;
	s11 =	simm.s32 $0x19800;
	[smem:$0x7E7] =	sst s10  }
0x47: {  	s17 =	sadd.s32 s18, s15;
	s12 =	simm.s32 $0x6400;
	[smem:$0x7E8] =	sst s11  }
0x48: {  	s13 =	simm.s32 $0xCC00;
	s14 =	simm.s32 $0x13400;
	[smem:$0x7E9] =	sst s12  }
0x49: {  	s16 =	simm.s32 $0x19C00;
	s22 =	simm.s32 $0x6800;
	[smem:$0x7EA] =	sst s13  }
0x4a: {  	s23 =	simm.s32 $0xD000;
	s18 =	ssub.s32 $0x2, s1;
	[smem:$0x7EB] =	sst s14  }
0x4b: {  	s24 =	simm.s32 $0x13800;
	s25 =	simm.s32 $0x1A000;
	[smem:$0x7EC] =	sst s16  }
0x4c: {  	s26 =	simm.s32 $0x6C00;
	s6 =	sadd.s32 $0x4D7E00, s15;
	[smem:$0x7ED] =	sst s22  }
0x4d: {  	s1 =	sshll.u32 s1, $0xD;
	s7 =	sadd.s32 $0x65E800, s15;
	[smem:$0x7EE] =	sst s23  }
0x4e: {  	s5 =	sshrl.u32 s3, $0x3;
	s8 =	sadd.s32 $0x7E5200, s15;
	[smem:$0x7EF] =	sst s24  }
0x4f: {  	s3 =	sor.u32 $0x3400, s3;
	s9 =	sadd.s32 $0x96BC00, s15;
	[smem:$0x7F0] =	sst s25  }
0x50: {  	s4 =	simm.s32 $0x16800;
	s10 =	sadd.s32 $0xAF2600, s15;
	[smem:$0x7F2] =	sst s26  }
0x51: {  	s11 =	sadd.s32 $0xC79000, s15;
	s16 =	simm.s32 $0x13C00;
	[smem:$0x7BC] =	sst s4  }
0x52: {  	s12 =	sadd.s32 $0xDFFA00, s15;
	s20 =	simm.s32 $0x7000;
	[smem:$0x7F4] =	sst s16  }
0x53: {  	s13 =	sadd.s32 $0xF86400, s15;
	s21 =	simm.s32 $0xD800;
	[smem:$0x7F6] =	sst s20  }
0x54: {  	s14 =	sadd.s32 $0x110CE00, s15;
	s22 =	simm.s32 $0x14000;
	[smem:$0x7F7] =	sst s21  }
0x55: {  	s1 =	sadd.s32 s1, s17;
	s23 =	simm.s32 $0x1A800;
	[smem:$0x7F8] =	sst s22  }
0x56: {  	s24 =	simm.s32 $0x7400;
	s25 =	simm.s32 $0xDC00;
	[smem:$0x7F9] =	sst s23  }
0x57: {  	s26 =	simm.s32 $0x14400;
	s5 =	sadd.s32 s5, s19;
	[smem:$0x7FA] =	sst s24  }
0x58: {  	s3 =	sshrl.u32 s3, $0x3;
	s4 =	simm.s32 $0x11C00;
	[smem:$0x7FB] =	sst s25  }
0x59: {  	s17 =	sadd.s32 $0x3A00, s1;
	s20 =	simm.s32 $0x7800;
	[smem:$0x7FC] =	sst s26  }
0x5a: {  	s21 =	simm.s32 $0xE000;
	s22 =	simm.s32 $0x14800;
	[dreg:$0x2] =	wrdreg s5  }
0x5b: {  	s23 =	simm.s32 $0x2;
	s3 =	sadd.s32 s3, s19;
	[smem:$0x7D3] =	sst s4  }
0x5c: {  	s24 =	simm.s32 $0x4400;
	s5 =	simm.s32 $0x8400;
	[dreg:$0x3] =	wrdreg s3  }
0x5d: {  	s25 =	simm.s32 $0xAC00;
	s19 =	simm.s32 $0xF800;
	[dreg:$0xd] =	wrdreg s5  }
0x5e: {  	s26 =	simm.s32 $0x11400;
	[dreg:$0x1a] =	wrdreg s19;
	s5 =	simm.s32 $0x3400  }
0x5f: {  	s4 =	sadd.s32 $0x1CAA00, s15;
	s19 =	simm.s32 $0xA800;
	[smem:$0x7BD] =	sst s5  }
0x60: {  	s3 =	sadd.s32 $0x44000, s15;
	[smem:$0x7CA] =	sst s19;
	s19 =	simm.s32 $0x19000  }
0x61: {  	s5 =	simm.s32 $0x18400;
	[smem:$0x7E0] =	sst s19;
	s19 =	sshrl.u32 s18, $0x1  }
0x62: {  	[smem:$0x7D4] =	sst s5;
	s18 =	ssub.s32 s18, s19;
	s19 =	simm.s32 $0x1A400  }
0x63: {  	v2 =	vlaneseq.u32;
	s5 =	sadd.s32 $0x351400, s15;
	s31 =	smax.u32 s18, $0x1;
	[smem:$0x7F5] =	sst s19  }
0x64: {  	vm0 =	vmmov $0xff;
	v1 =	vshrl.u32 v2, $0x3;
	s15 =	sadd.s32 $0x1293800, s15;
	[smem:$0x7F1] =	sst s31;
	s31 =	simm.s32 $0x1AC00  }
0x65: {  	v0 =	vand.u32 $0x7, v2;
	v2 =	vor.u32 $0x8, v2;
	v1 =	vmul.u32 $0x8, v1;
	s18 =	simm.s32 $0x1;
	s19 =	simm.s32 $0x1000;
	[smem:$0x7FD] =	sst s31  }
.LBB2_1:
0x66: {  	s31 =	smov.u32 s17;
	s1 =	simm.s32 $0x0  }
.LBB2_2:
0x67: {  	[tilespmem:s2], [sflag:$0x1] =	stream.linear.gather [hbm4b:s31+s2], $0xD00, $0x38;
	[tilespmem:$0x1B000] =	vst v63  }
0x68: {  	_ =	swait.ge [sflag:s18], $0xD00  }
0x69: {  	p0 =	seq.s32 s1, $0x0;
	[sflag:s18] =	ssyncset.done $0x0  }
0x6a: {  	s0 =	simm.s32 @!p0 $0x3;
	[sflag:s18] =	ssyncadd.s32 $0xFFFFF300  }
0x6b: {  	_ =	swait.ge @!p0 [sflag:s0], $0xD000  }
0x6c: {  	[sflag:s0] =	ssyncset.done @!p0 $0x0  }
0x6d: {  	[sflag:s0] =	ssyncadd.s32 @!p0 $0xFFFF3000  }
0x6e: {  	_ =	swait.ge @!p0 [sflag:s0], $0xD000  }
0x6f: {  	[sflag:s0] =	ssyncset.done @!p0 $0x0  }
0x70: {  	[sflag:s0] =	ssyncadd.s32 @!p0 $0xFFFF3000  }
0x71: {  	v3 =	vld [tilespmem:$0x0];
	_ =	sdelay $0x4  }
0x72: {  	v4 =	vperm.xlane v3, v0;
	_ =	sdelay $0x1  }
0x73: {  	v3 =	vperm.xlane v3, v2;
	v4 =	vadd.s32 v1, v4;
	_ =	sdelay $0x1  }
0x74: {  	v3 =	vadd.s32 v1, v3;
	_ =	sdelay $0x2  }
0x75: {  	[tilespmem:s19], [sflag:$0x2] =	stream.indirect_vreg.gather [hbm4b:s3+s2], $0x80, v4, vm0, $0xb8;
	[tilespmem:$0x1B000] =	vst v63  }
0x76: {  	_ = 	snop  }
0x77: {  	[tilespmem:s20], [sflag:$0x2] =	stream.indirect_vreg.gather [hbm4b:s3+s2], $0x80, v3, vm0, $0xb8;
	[tilespmem:$0x1B000] =	vst v63  }
0x78: {  	v3 =	vld [tilespmem:$0x10];
	_ =	sdelay $0x4  }
0x79: {  	v13 =	vperm.xlane v3, v0;
	_ =	sdelay $0x1  }
0x7a: {  	v3 =	vperm.xlane v3, v2;
	v4 =	vadd.s32 v1, v13;
	_ =	sdelay $0x1  }
0x7b: {  	v3 =	vadd.s32 v1, v3;
	_ =	sdelay $0x2  }
0x7c: {  	[tilespmem:s21], [sflag:$0x2] =	stream.indirect_vreg.gather [hbm4b:s3+s2], $0x80, v4, vm0, $0xb8;
	[tilespmem:$0x1B000] =	vst v63  }
0x7d: {  	_ = 	snop  }
0x7e: {  	[tilespmem:s22], [sflag:$0x2] =	stream.indirect_vreg.gather [hbm4b:s3+s2], $0x80, v3, vm0, $0xb8;
	[tilespmem:$0x1B000] =	vst v63  }
0x7f: {  	v3 =	vld [tilespmem:$0x80];
	_ =	sdelay $0x4  }
0x80: {  	v14 =	vperm.xlane v3, v0;
	_ =	sdelay $0x1  }
0x81: {  	v3 =	vperm.xlane v3, v2;
	v4 =	vadd.s32 v1, v14;
	_ =	sdelay $0x1  }
0x82: {  	v3 =	vadd.s32 v1, v3;
	_ =	sdelay $0x1  }
0x83: {  	s0 =	rddreg [dreg:$0x4]  }
0x84: {  	[tilespmem:s0], [sflag:$0x2] =	stream.indirect_vreg.gather [hbm4b:s3+s2], $0x80, v4, vm0, $0xb8;
	[tilespmem:$0x1B000] =	vst v63  }
0x85: {  	s16 =	rddreg [dreg:$0x5]  }
0x86: {  	[tilespmem:s16], [sflag:$0x2] =	stream.indirect_vreg.gather [hbm4b:s3+s2], $0x80, v3, vm0, $0xb8;
	[tilespmem:$0x1B000] =	vst v63  }
0x87: {  	v3 =	vld [tilespmem:$0x90];
	_ =	sdelay $0x4  }
0x88: {  	v15 =	vperm.xlane v3, v0;
	_ =	sdelay $0x1  }
0x89: {  	v3 =	vperm.xlane v3, v2;
	v4 =	vadd.s32 v1, v15;
	_ =	sdelay $0x1  }
0x8a: {  	v3 =	vadd.s32 v1, v3;
	_ =	sdelay $0x1  }
0x8b: {  	s0 =	rddreg [dreg:$0x6]  }
0x8c: {  	[tilespmem:s0], [sflag:$0x2] =	stream.indirect_vreg.gather [hbm4b:s3+s2], $0x80, v4, vm0, $0xb8;
	[tilespmem:$0x1B000] =	vst v63  }
0x8d: {  	s16 =	rddreg [dreg:$0x7]  }
0x8e: {  	[tilespmem:s16], [sflag:$0x2] =	stream.indirect_vreg.gather [hbm4b:s3+s2], $0x80, v3, vm0, $0xb8;
	[tilespmem:$0x1B000] =	vst v63  }
0x8f: {  	v3 =	vld [tilespmem:$0x100];
	_ =	sdelay $0x4  }
0x90: {  	v16 =	vperm.xlane v3, v0;
	_ =	sdelay $0x1  }
0x91: {  	v3 =	vperm.xlane v3, v2;
	v4 =	vadd.s32 v1, v16;
	_ =	sdelay $0x1  }
0x92: {  	v3 =	vadd.s32 v1, v3;
	_ =	sdelay $0x1  }
0x93: {  	s0 =	rddreg [dreg:$0x8]  }
0x94: {  	[tilespmem:s0], [sflag:$0x2] =	stream.indirect_vreg.gather [hbm4b:s4+s2], $0x80, v4, vm0, $0xb8;
	[tilespmem:$0x1B000] =	vst v63  }
0x95: {  	s16 =	rddreg [dreg:$0x9]  }
0x96: {  	[tilespmem:s16], [sflag:$0x2] =	stream.indirect_vreg.gather [hbm4b:s4+s2], $0x80, v3, vm0, $0xb8;
	[tilespmem:$0x1B000] =	vst v63  }
0x97: {  	v3 =	vld [tilespmem:$0x110];
	_ =	sdelay $0x4  }
0x98: {  	v17 =	vperm.xlane v3, v0;
	_ =	sdelay $0x1  }
0x99: {  	v3 =	vperm.xlane v3, v2;
	v4 =	vadd.s32 v1, v17;
	_ =	sdelay $0x1  }
0x9a: {  	v3 =	vadd.s32 v1, v3;
	_ =	sdelay $0x1  }
0x9b: {  	s0 =	rddreg [dreg:$0xa]  }
0x9c: {  	[tilespmem:s0], [sflag:$0x2] =	stream.indirect_vreg.gather [hbm4b:s4+s2], $0x80, v4, vm0, $0xb8;
	[tilespmem:$0x1B000] =	vst v63  }
0x9d: {  	s16 =	rddreg [dreg:$0xb]  }
0x9e: {  	[tilespmem:s16], [sflag:$0x2] =	stream.indirect_vreg.gather [hbm4b:s4+s2], $0x80, v3, vm0, $0xb8;
	[tilespmem:$0x1B000] =	vst v63  }
0x9f: {  	v3 =	vld [tilespmem:$0x180];
	_ =	sdelay $0x4  }
0xa0: {  	v18 =	vperm.xlane v3, v0;
	_ =	sdelay $0x1  }
0xa1: {  	v3 =	vperm.xlane v3, v2;
	v4 =	vadd.s32 v1, v18;
	_ =	sdelay $0x1  }
0xa2: {  	v3 =	vadd.s32 v1, v3;
	_ =	sdelay $0x1  }
0xa3: {  	s0 =	rddreg [dreg:$0xc]  }
0xa4: {  	[tilespmem:s0], [sflag:$0x2] =	stream.indirect_vreg.gather [hbm4b:s4+s2], $0x80, v4, vm0, $0xb8;
	[tilespmem:$0x1B000] =	vst v63  }
0xa5: {  	s16 =	rddreg [dreg:$0xd]  }
0xa6: {  	[tilespmem:s16], [sflag:$0x2] =	stream.indirect_vreg.gather [hbm4b:s4+s2], $0x80, v3, vm0, $0xb8;
	[tilespmem:$0x1B000] =	vst v63  }
0xa7: {  	v3 =	vld [tilespmem:$0x190];
	_ =	sdelay $0x4  }
0xa8: {  	v19 =	vperm.xlane v3, v0;
	_ =	sdelay $0x1  }
0xa9: {  	v3 =	vperm.xlane v3, v2;
	v4 =	vadd.s32 v1, v19;
	_ =	sdelay $0x1  }
0xaa: {  	v3 =	vadd.s32 v1, v3;
	_ =	sdelay $0x1  }
0xab: {  	s0 =	rddreg [dreg:$0xe]  }
0xac: {  	[tilespmem:s0], [sflag:$0x2] =	stream.indirect_vreg.gather [hbm4b:s4+s2], $0x80, v4, vm0, $0xb8;
	[tilespmem:$0x1B000] =	vst v63  }
0xad: {  	s16 =	rddreg [dreg:$0xf]  }
0xae: {  	[tilespmem:s16], [sflag:$0x2] =	stream.indirect_vreg.gather [hbm4b:s4+s2], $0x80, v3, vm0, $0xb8;
	[tilespmem:$0x1B000] =	vst v63  }
0xaf: {  	v3 =	vld [tilespmem:$0x200];
	_ =	sdelay $0x4  }
0xb0: {  	v20 =	vperm.xlane v3, v0;
	_ =	sdelay $0x1  }
0xb1: {  	v3 =	vperm.xlane v3, v2;
	v4 =	vadd.s32 v1, v20;
	_ =	sdelay $0x1  }
0xb2: {  	v3 =	vadd.s32 v1, v3;
	_ =	sdelay $0x1  }
0xb3: {  	s0 =	rddreg [dreg:$0x10]  }
0xb4: {  	[tilespmem:s0], [sflag:$0x2] =	stream.indirect_vreg.gather [hbm4b:s5+s2], $0x80, v4, vm0, $0xb8;
	[tilespmem:$0x1B000] =	vst v63  }
0xb5: {  	s16 =	rddreg [dreg:$0x11]  }
0xb6: {  	[tilespmem:s16], [sflag:$0x2] =	stream.indirect_vreg.gather [hbm4b:s5+s2], $0x80, v3, vm0, $0xb8;
	[tilespmem:$0x1B000] =	vst v63  }
0xb7: {  	v3 =	vld [tilespmem:$0x210];
	_ =	sdelay $0x4  }
0xb8: {  	v21 =	vperm.xlane v3, v0;
	_ =	sdelay $0x1  }
0xb9: {  	v3 =	vperm.xlane v3, v2;
	v4 =	vadd.s32 v1, v21;
	_ =	sdelay $0x1  }
0xba: {  	v3 =	vadd.s32 v1, v3;
	_ =	sdelay $0x1  }
0xbb: {  	s0 =	rddreg [dreg:$0x12]  }
0xbc: {  	[tilespmem:s0], [sflag:$0x2] =	stream.indirect_vreg.gather [hbm4b:s5+s2], $0x80, v4, vm0, $0xb8;
	[tilespmem:$0x1B000] =	vst v63  }
0xbd: {  	s16 =	rddreg [dreg:$0x13]  }
0xbe: {  	[tilespmem:s16], [sflag:$0x2] =	stream.indirect_vreg.gather [hbm4b:s5+s2], $0x80, v3, vm0, $0xb8;
	[tilespmem:$0x1B000] =	vst v63  }
0xbf: {  	v3 =	vld [tilespmem:$0x280];
	_ =	sdelay $0x4  }
0xc0: {  	v22 =	vperm.xlane v3, v0;
	_ =	sdelay $0x1  }
0xc1: {  	v3 =	vperm.xlane v3, v2;
	v4 =	vadd.s32 v1, v22;
	_ =	sdelay $0x1  }
0xc2: {  	v3 =	vadd.s32 v1, v3;
	_ =	sdelay $0x1  }
0xc3: {  	s0 =	rddreg [dreg:$0x14]  }
0xc4: {  	[tilespmem:s0], [sflag:$0x2] =	stream.indirect_vreg.gather [hbm4b:s5+s2], $0x80, v4, vm0, $0xb8;
	[tilespmem:$0x1B000] =	vst v63  }
0xc5: {  	s16 =	rddreg [dreg:$0x15]  }
0xc6: {  	[tilespmem:s16], [sflag:$0x2] =	stream.indirect_vreg.gather [hbm4b:s5+s2], $0x80, v3, vm0, $0xb8;
	[tilespmem:$0x1B000] =	vst v63  }
0xc7: {  	v3 =	vld [tilespmem:$0x290];
	_ =	sdelay $0x4  }
0xc8: {  	v23 =	vperm.xlane v3, v0;
	_ =	sdelay $0x1  }
0xc9: {  	v3 =	vperm.xlane v3, v2;
	v4 =	vadd.s32 v1, v23;
	_ =	sdelay $0x1  }
0xca: {  	v3 =	vadd.s32 v1, v3;
	_ =	sdelay $0x1  }
0xcb: {  	s0 =	rddreg [dreg:$0x16]  }
0xcc: {  	[tilespmem:s0], [sflag:$0x2] =	stream.indirect_vreg.gather [hbm4b:s5+s2], $0x80, v4, vm0, $0xb8;
	[tilespmem:$0x1B000] =	vst v63  }
0xcd: {  	s16 =	rddreg [dreg:$0x17]  }
0xce: {  	[tilespmem:s16], [sflag:$0x2] =	stream.indirect_vreg.gather [hbm4b:s5+s2], $0x80, v3, vm0, $0xb8;
	[tilespmem:$0x1B000] =	vst v63  }
0xcf: {  	v3 =	vld [tilespmem:$0x300];
	_ =	sdelay $0x4  }
0xd0: {  	v24 =	vperm.xlane v3, v0;
	_ =	sdelay $0x1  }
0xd1: {  	v3 =	vperm.xlane v3, v2;
	v4 =	vadd.s32 v1, v24;
	_ =	sdelay $0x1  }
0xd2: {  	v3 =	vadd.s32 v1, v3;
	_ =	sdelay $0x1  }
0xd3: {  	s0 =	rddreg [dreg:$0x18]  }
0xd4: {  	[tilespmem:s0], [sflag:$0x2] =	stream.indirect_vreg.gather [hbm4b:s6+s2], $0x80, v4, vm0, $0xb8;
	[tilespmem:$0x1B000] =	vst v63  }
0xd5: {  	s16 =	rddreg [dreg:$0x19]  }
0xd6: {  	[tilespmem:s16], [sflag:$0x2] =	stream.indirect_vreg.gather [hbm4b:s6+s2], $0x80, v3, vm0, $0xb8;
	[tilespmem:$0x1B000] =	vst v63  }
0xd7: {  	v3 =	vld [tilespmem:$0x310];
	_ =	sdelay $0x4  }
0xd8: {  	v25 =	vperm.xlane v3, v0;
	_ =	sdelay $0x1  }
0xd9: {  	v3 =	vperm.xlane v3, v2;
	v4 =	vadd.s32 v1, v25;
	_ =	sdelay $0x1  }
0xda: {  	v3 =	vadd.s32 v1, v3;
	_ =	sdelay $0x1  }
0xdb: {  	s0 =	rddreg [dreg:$0x1a]  }
0xdc: {  	[tilespmem:s0], [sflag:$0x2] =	stream.indirect_vreg.gather [hbm4b:s6+s2], $0x80, v4, vm0, $0xb8;
	[tilespmem:$0x1B000] =	vst v63  }
0xdd: {  	s16 =	rddreg [dreg:$0x1b]  }
0xde: {  	[tilespmem:s16], [sflag:$0x2] =	stream.indirect_vreg.gather [hbm4b:s6+s2], $0x80, v3, vm0, $0xb8;
	[tilespmem:$0x1B000] =	vst v63  }
0xdf: {  	v3 =	vld [tilespmem:$0x380];
	_ =	sdelay $0x4  }
0xe0: {  	v26 =	vperm.xlane v3, v0;
	_ =	sdelay $0x1  }
0xe1: {  	v3 =	vperm.xlane v3, v2;
	v4 =	vadd.s32 v1, v26;
	_ =	sdelay $0x1  }
0xe2: {  	v3 =	vadd.s32 v1, v3;
	_ =	sdelay $0x1  }
0xe3: {  	s0 =	rddreg [dreg:$0x1c]  }
0xe4: {  	[tilespmem:s0], [sflag:$0x2] =	stream.indirect_vreg.gather [hbm4b:s6+s2], $0x80, v4, vm0, $0xb8;
	[tilespmem:$0x1B000] =	vst v63  }
0xe5: {  	s16 =	rddreg [dreg:$0x1d]  }
0xe6: {  	[tilespmem:s16], [sflag:$0x2] =	stream.indirect_vreg.gather [hbm4b:s6+s2], $0x80, v3, vm0, $0xb8;
	[tilespmem:$0x1B000] =	vst v63  }
0xe7: {  	v3 =	vld [tilespmem:$0x390];
	_ =	sdelay $0x4  }
0xe8: {  	v27 =	vperm.xlane v3, v0;
	_ =	sdelay $0x1  }
0xe9: {  	v3 =	vperm.xlane v3, v2;
	v4 =	vadd.s32 v1, v27;
	_ =	sdelay $0x1  }
0xea: {  	v3 =	vadd.s32 v1, v3;
	_ =	sdelay $0x1  }
0xeb: {  	s0 =	rddreg [dreg:$0x1e]  }
0xec: {  	[tilespmem:s0], [sflag:$0x2] =	stream.indirect_vreg.gather [hbm4b:s6+s2], $0x80, v4, vm0, $0xb8;
	[tilespmem:$0x1B000] =	vst v63  }
0xed: {  	s16 =	rddreg [dreg:$0x1f]  }
0xee: {  	[tilespmem:s16], [sflag:$0x2] =	stream.indirect_vreg.gather [hbm4b:s6+s2], $0x80, v3, vm0, $0xb8;
	[tilespmem:$0x1B000] =	vst v63  }
0xef: {  	v3 =	vld [tilespmem:$0x400];
	_ =	sdelay $0x4  }
0xf0: {  	v28 =	vperm.xlane v3, v0;
	_ =	sdelay $0x1  }
0xf1: {  	v3 =	vperm.xlane v3, v2;
	v4 =	vadd.s32 v1, v28;
	_ =	sdelay $0x1  }
0xf2: {  	s0 =	sld [smem:$0x7B9];
	v3 =	vadd.s32 v1, v3;
	_ =	sdelay $0x1  }
0xf3: {  	s16 =	sld [smem:$0x7BA]  }
0xf4: {  	[tilespmem:s0], [sflag:$0x2] =	stream.indirect_vreg.gather [hbm4b:s7+s2], $0x80, v4, vm0, $0xb8;
	[tilespmem:$0x1B000] =	vst v63  }
0xf5: {  	_ = 	snop  }
0xf6: {  	[tilespmem:s16], [sflag:$0x2] =	stream.indirect_vreg.gather [hbm4b:s7+s2], $0x80, v3, vm0, $0xb8;
	[tilespmem:$0x1B000] =	vst v63  }
0xf7: {  	v3 =	vld [tilespmem:$0x410];
	_ =	sdelay $0x4  }
0xf8: {  	v29 =	vperm.xlane v3, v0;
	_ =	sdelay $0x1  }
0xf9: {  	v3 =	vperm.xlane v3, v2;
	v4 =	vadd.s32 v1, v29;
	_ =	sdelay $0x1  }
0xfa: {  	s0 =	sld [smem:$0x7BB];
	v3 =	vadd.s32 v1, v3;
	_ =	sdelay $0x1  }
0xfb: {  	s16 =	sld [smem:$0x7BC]  }
0xfc: {  	[tilespmem:s0], [sflag:$0x2] =	stream.indirect_vreg.gather [hbm4b:s7+s2], $0x80, v4, vm0, $0xb8;
	[tilespmem:$0x1B000] =	vst v63  }
0xfd: {  	_ = 	snop  }
0xfe: {  	[tilespmem:s16], [sflag:$0x2] =	stream.indirect_vreg.gather [hbm4b:s7+s2], $0x80, v3, vm0, $0xb8;
	[tilespmem:$0x1B000] =	vst v63  }
0xff: {  	v3 =	vld [tilespmem:$0x480];
	_ =	sdelay $0x4  }
0x100: {  	v30 =	vperm.xlane v3, v0;
	_ =	sdelay $0x1  }
0x101: {  	v3 =	vperm.xlane v3, v2;
	v4 =	vadd.s32 v1, v30;
	_ =	sdelay $0x1  }
0x102: {  	s0 =	sld [smem:$0x7BD];
	v3 =	vadd.s32 v1, v3;
	_ =	sdelay $0x1  }
0x103: {  	s16 =	sld [smem:$0x7BE]  }
0x104: {  	[tilespmem:s0], [sflag:$0x2] =	stream.indirect_vreg.gather [hbm4b:s7+s2], $0x80, v4, vm0, $0xb8;
	[tilespmem:$0x1B000] =	vst v63  }
0x105: {  	_ = 	snop  }
0x106: {  	[tilespmem:s16], [sflag:$0x2] =	stream.indirect_vreg.gather [hbm4b:s7+s2], $0x80, v3, vm0, $0xb8;
	[tilespmem:$0x1B000] =	vst v63  }
0x107: {  	v3 =	vld [tilespmem:$0x490];
	_ =	sdelay $0x4  }
0x108: {  	v31 =	vperm.xlane v3, v0;
	_ =	sdelay $0x1  }
0x109: {  	v3 =	vperm.xlane v3, v2;
	v4 =	vadd.s32 v1, v31;
	_ =	sdelay $0x1  }
0x10a: {  	s0 =	sld [smem:$0x7BF];
	v3 =	vadd.s32 v1, v3;
	_ =	sdelay $0x1  }
0x10b: {  	s16 =	sld [smem:$0x7C0]  }
0x10c: {  	[tilespmem:s0], [sflag:$0x2] =	stream.indirect_vreg.gather [hbm4b:s7+s2], $0x80, v4, vm0, $0xb8;
	[tilespmem:$0x1B000] =	vst v63  }
0x10d: {  	_ = 	snop  }
0x10e: {  	[tilespmem:s16], [sflag:$0x2] =	stream.indirect_vreg.gather [hbm4b:s7+s2], $0x80, v3, vm0, $0xb8;
	[tilespmem:$0x1B000] =	vst v63  }
0x10f: {  	v3 =	vld [tilespmem:$0x500];
	_ =	sdelay $0x4  }
0x110: {  	v32 =	vperm.xlane v3, v0;
	_ =	sdelay $0x1  }
0x111: {  	v3 =	vperm.xlane v3, v2;
	v4 =	vadd.s32 v1, v32;
	_ =	sdelay $0x1  }
0x112: {  	s0 =	sld [smem:$0x7C1];
	v3 =	vadd.s32 v1, v3;
	_ =	sdelay $0x1  }
0x113: {  	s16 =	sld [smem:$0x7C2]  }
0x114: {  	[tilespmem:s0], [sflag:$0x2] =	stream.indirect_vreg.gather [hbm4b:s8+s2], $0x80, v4, vm0, $0xb8;
	[tilespmem:$0x1B000] =	vst v63  }
0x115: {  	_ = 	snop  }
0x116: {  	[tilespmem:s16], [sflag:$0x2] =	stream.indirect_vreg.gather [hbm4b:s8+s2], $0x80, v3, vm0, $0xb8;
	[tilespmem:$0x1B000] =	vst v63  }
0x117: {  	v3 =	vld [tilespmem:$0x510];
	_ =	sdelay $0x4  }
0x118: {  	v33 =	vperm.xlane v3, v0;
	_ =	sdelay $0x1  }
0x119: {  	v3 =	vperm.xlane v3, v2;
	v4 =	vadd.s32 v1, v33;
	_ =	sdelay $0x1  }
0x11a: {  	s0 =	sld [smem:$0x7C3];
	v3 =	vadd.s32 v1, v3;
	_ =	sdelay $0x1  }
0x11b: {  	s16 =	sld [smem:$0x7C4]  }
0x11c: {  	[tilespmem:s0], [sflag:$0x2] =	stream.indirect_vreg.gather [hbm4b:s8+s2], $0x80, v4, vm0, $0xb8;
	[tilespmem:$0x1B000] =	vst v63  }
0x11d: {  	_ = 	snop  }
0x11e: {  	[tilespmem:s16], [sflag:$0x2] =	stream.indirect_vreg.gather [hbm4b:s8+s2], $0x80, v3, vm0, $0xb8;
	[tilespmem:$0x1B000] =	vst v63  }
0x11f: {  	v3 =	vld [tilespmem:$0x580];
	_ =	sdelay $0x4  }
0x120: {  	v34 =	vperm.xlane v3, v0;
	_ =	sdelay $0x1  }
0x121: {  	v3 =	vperm.xlane v3, v2;
	v4 =	vadd.s32 v1, v34;
	_ =	sdelay $0x1  }
0x122: {  	s0 =	sld [smem:$0x7C5];
	v3 =	vadd.s32 v1, v3;
	_ =	sdelay $0x1  }
0x123: {  	s16 =	sld [smem:$0x7C6]  }
0x124: {  	[tilespmem:s0], [sflag:$0x2] =	stream.indirect_vreg.gather [hbm4b:s8+s2], $0x80, v4, vm0, $0xb8;
	[tilespmem:$0x1B000] =	vst v63  }
0x125: {  	_ = 	snop  }
0x126: {  	[tilespmem:s16], [sflag:$0x2] =	stream.indirect_vreg.gather [hbm4b:s8+s2], $0x80, v3, vm0, $0xb8;
	[tilespmem:$0x1B000] =	vst v63  }
0x127: {  	v3 =	vld [tilespmem:$0x590];
	_ =	sdelay $0x4  }
0x128: {  	v35 =	vperm.xlane v3, v0;
	_ =	sdelay $0x1  }
0x129: {  	v3 =	vperm.xlane v3, v2;
	v4 =	vadd.s32 v1, v35;
	_ =	sdelay $0x1  }
0x12a: {  	s0 =	sld [smem:$0x7C7];
	v3 =	vadd.s32 v1, v3;
	_ =	sdelay $0x1  }
0x12b: {  	s16 =	sld [smem:$0x7C8]  }
0x12c: {  	[tilespmem:s0], [sflag:$0x2] =	stream.indirect_vreg.gather [hbm4b:s8+s2], $0x80, v4, vm0, $0xb8;
	[tilespmem:$0x1B000] =	vst v63  }
0x12d: {  	_ = 	snop  }
0x12e: {  	[tilespmem:s16], [sflag:$0x2] =	stream.indirect_vreg.gather [hbm4b:s8+s2], $0x80, v3, vm0, $0xb8;
	[tilespmem:$0x1B000] =	vst v63  }
0x12f: {  	v3 =	vld [tilespmem:$0x600];
	_ =	sdelay $0x4  }
0x130: {  	v36 =	vperm.xlane v3, v0;
	_ =	sdelay $0x1  }
0x131: {  	v3 =	vperm.xlane v3, v2;
	v4 =	vadd.s32 v1, v36;
	_ =	sdelay $0x1  }
0x132: {  	s0 =	sld [smem:$0x7C9];
	v3 =	vadd.s32 v1, v3;
	_ =	sdelay $0x1  }
0x133: {  	s16 =	sld [smem:$0x7CA]  }
0x134: {  	[tilespmem:s0], [sflag:$0x2] =	stream.indirect_vreg.gather [hbm4b:s9+s2], $0x80, v4, vm0, $0xb8;
	[tilespmem:$0x1B000] =	vst v63  }
0x135: {  	_ = 	snop  }
0x136: {  	[tilespmem:s16], [sflag:$0x2] =	stream.indirect_vreg.gather [hbm4b:s9+s2], $0x80, v3, vm0, $0xb8;
	[tilespmem:$0x1B000] =	vst v63  }
0x137: {  	v3 =	vld [tilespmem:$0x610];
	_ =	sdelay $0x4  }
0x138: {  	v37 =	vperm.xlane v3, v0;
	_ =	sdelay $0x1  }
0x139: {  	v3 =	vperm.xlane v3, v2;
	v4 =	vadd.s32 v1, v37;
	_ =	sdelay $0x1  }
0x13a: {  	s0 =	sld [smem:$0x7CB];
	v3 =	vadd.s32 v1, v3;
	_ =	sdelay $0x1  }
0x13b: {  	s16 =	sld [smem:$0x7CC]  }
0x13c: {  	[tilespmem:s0], [sflag:$0x2] =	stream.indirect_vreg.gather [hbm4b:s9+s2], $0x80, v4, vm0, $0xb8;
	[tilespmem:$0x1B000] =	vst v63  }
0x13d: {  	_ = 	snop  }
0x13e: {  	[tilespmem:s16], [sflag:$0x2] =	stream.indirect_vreg.gather [hbm4b:s9+s2], $0x80, v3, vm0, $0xb8;
	[tilespmem:$0x1B000] =	vst v63  }
0x13f: {  	_ =	swait.ge [sflag:s23], $0x1000  }
0x140: {  	[sflag:s23] =	ssyncset.done $0x0  }
0x141: {  	[sflag:s23] =	ssyncadd.s32 $0xFFFFF000  }
0x142: {  	_ =	swait.ge [sflag:s23], $0x1000  }
0x143: {  	[sflag:s23] =	ssyncset.done $0x0  }
0x144: {  	[sflag:s23] =	ssyncadd.s32 $0xFFFFF000  }
0x145: {  	_ =	swait.ge [sflag:s23], $0x1000  }
0x146: {  	[sflag:s23] =	ssyncset.done $0x0  }
0x147: {  	[sflag:s23] =	ssyncadd.s32 $0xFFFFF000  }
0x148: {  	_ =	swait.ge [sflag:s23], $0x1000  }
0x149: {  	[sflag:s23] =	ssyncset.done $0x0  }
0x14a: {  	[sflag:s23] =	ssyncadd.s32 $0xFFFFF000  }
0x14b: {  	_ =	swait.ge [sflag:s23], $0x1000  }
0x14c: {  	[sflag:s23] =	ssyncset.done $0x0  }
0x14d: {  	[sflag:s23] =	ssyncadd.s32 $0xFFFFF000  }
0x14e: {  	_ =	swait.ge [sflag:s23], $0x1000  }
0x14f: {  	[sflag:s23] =	ssyncset.done $0x0  }
0x150: {  	[sflag:s23] =	ssyncadd.s32 $0xFFFFF000  }
0x151: {  	_ =	swait.ge [sflag:s23], $0x1000  }
0x152: {  	[sflag:s23] =	ssyncset.done $0x0  }
0x153: {  	[sflag:s23] =	ssyncadd.s32 $0xFFFFF000  }
0x154: {  	_ =	swait.ge [sflag:s23], $0x1000  }
0x155: {  	[sflag:s23] =	ssyncset.done $0x0  }
0x156: {  	[sflag:s23] =	ssyncadd.s32 $0xFFFFF000  }
0x157: {  	_ =	swait.ge [sflag:s23], $0x1000  }
0x158: {  	[sflag:s23] =	ssyncset.done $0x0  }
0x159: {  	[sflag:s23] =	ssyncadd.s32 $0xFFFFF000  }
0x15a: {  	_ =	swait.ge [sflag:s23], $0x1000  }
0x15b: {  	[sflag:s23] =	ssyncset.done $0x0  }
0x15c: {  	[sflag:s23] =	ssyncadd.s32 $0xFFFFF000  }
0x15d: {  	_ =	swait.ge [sflag:s23], $0x1000  }
0x15e: {  	[sflag:s23] =	ssyncset.done $0x0  }
0x15f: {  	[sflag:s23] =	ssyncadd.s32 $0xFFFFF000  }
0x160: {  	_ =	swait.ge [sflag:s23], $0x1000  }
0x161: {  	[sflag:s23] =	ssyncset.done $0x0  }
0x162: {  	[sflag:s23] =	ssyncadd.s32 $0xFFFFF000  }
0x163: {  	_ =	swait.ge [sflag:s23], $0x1000  }
0x164: {  	s16 =	rddreg [dreg:$0x2];
	[sflag:s23] =	ssyncset.done $0x0  }
0x165: {  	[sflag:s23] =	ssyncadd.s32 $0xFFFFF000;
	s0 =	sadd.s32 s1, s16  }
0x166: {  	[hbm4b:s0+s2] =	stream.linear.scatter [tilespmem:s19], [sflag:$0x3], $0x3400, $0x38;
	[tilespmem:$0x1B000] =	vst v63  }
0x167: {  	s16 =	sadd.s32 $0xD00, s0  }
0x168: {  	[hbm4b:s16+s2] =	stream.linear.scatter [tilespmem:s20], [sflag:$0x3], $0x3400, $0x38;
	[tilespmem:$0x1B000] =	vst v63  }
0x169: {  	s16 =	sadd.s32 $0x1A00, s0  }
0x16a: {  	[hbm4b:s16+s2] =	stream.linear.scatter [tilespmem:s21], [sflag:$0x3], $0x3400, $0x38;
	[tilespmem:$0x1B000] =	vst v63  }
0x16b: {  	s0 =	sadd.s32 $0x2700, s0  }
0x16c: {  	[hbm4b:s0+s2] =	stream.linear.scatter [tilespmem:s22], [sflag:$0x3], $0x3400, $0x38;
	[tilespmem:$0x1B000] =	vst v63  }
0x16d: {  	v3 =	vld [tilespmem:$0x680];
	_ =	sdelay $0x4  }
0x16e: {  	v38 =	vperm.xlane v3, v0;
	_ =	sdelay $0x1  }
0x16f: {  	v3 =	vperm.xlane v3, v2;
	v4 =	vadd.s32 v1, v38;
	_ =	sdelay $0x1  }
0x170: {  	v3 =	vadd.s32 v1, v3;
	_ =	sdelay $0x2  }
0x171: {  	[tilespmem:s24], [sflag:$0x2] =	stream.indirect_vreg.gather [hbm4b:s9+s2], $0x80, v4, vm0, $0xb8;
	[tilespmem:$0x1B000] =	vst v63  }
0x172: {  	_ = 	snop  }
0x173: {  	[tilespmem:s25], [sflag:$0x2] =	stream.indirect_vreg.gather [hbm4b:s9+s2], $0x80, v3, vm0, $0xb8;
	[tilespmem:$0x1B000] =	vst v63  }
0x174: {  	v3 =	vld [tilespmem:$0x690];
	_ =	sdelay $0x4  }
0x175: {  	v39 =	vperm.xlane v3, v0;
	_ =	sdelay $0x1  }
0x176: {  	v3 =	vperm.xlane v3, v2;
	v4 =	vadd.s32 v1, v39;
	_ =	sdelay $0x1  }
0x177: {  	v3 =	vadd.s32 v1, v3;
	_ =	sdelay $0x2  }
0x178: {  	[tilespmem:s26], [sflag:$0x2] =	stream.indirect_vreg.gather [hbm4b:s9+s2], $0x80, v4, vm0, $0xb8;
	[tilespmem:$0x1B000] =	vst v63  }
0x179: {  	_ = 	snop  }
0x17a: {  	[tilespmem:s28], [sflag:$0x2] =	stream.indirect_vreg.gather [hbm4b:s9+s2], $0x80, v3, vm0, $0xb8;
	[tilespmem:$0x1B000] =	vst v63  }
0x17b: {  	v3 =	vld [tilespmem:$0x700];
	_ =	sdelay $0x4  }
0x17c: {  	v40 =	vperm.xlane v3, v0;
	_ =	sdelay $0x1  }
0x17d: {  	v3 =	vperm.xlane v3, v2;
	v4 =	vadd.s32 v1, v40;
	_ =	sdelay $0x1  }
0x17e: {  	s0 =	sld [smem:$0x7CD];
	v3 =	vadd.s32 v1, v3;
	_ =	sdelay $0x1  }
0x17f: {  	s16 =	sld [smem:$0x7CE]  }
0x180: {  	[tilespmem:s0], [sflag:$0x2] =	stream.indirect_vreg.gather [hbm4b:s10+s2], $0x80, v4, vm0, $0xb8;
	[tilespmem:$0x1B000] =	vst v63  }
0x181: {  	_ = 	snop  }
0x182: {  	[tilespmem:s16], [sflag:$0x2] =	stream.indirect_vreg.gather [hbm4b:s10+s2], $0x80, v3, vm0, $0xb8;
	[tilespmem:$0x1B000] =	vst v63  }
0x183: {  	v3 =	vld [tilespmem:$0x710];
	_ =	sdelay $0x4  }
0x184: {  	v41 =	vperm.xlane v3, v0;
	_ =	sdelay $0x1  }
0x185: {  	v3 =	vperm.xlane v3, v2;
	v4 =	vadd.s32 v1, v41;
	_ =	sdelay $0x1  }
0x186: {  	s0 =	sld [smem:$0x7CF];
	v3 =	vadd.s32 v1, v3;
	_ =	sdelay $0x1  }
0x187: {  	s16 =	sld [smem:$0x7D0]  }
0x188: {  	[tilespmem:s0], [sflag:$0x2] =	stream.indirect_vreg.gather [hbm4b:s10+s2], $0x80, v4, vm0, $0xb8;
	[tilespmem:$0x1B000] =	vst v63  }
0x189: {  	_ = 	snop  }
0x18a: {  	[tilespmem:s16], [sflag:$0x2] =	stream.indirect_vreg.gather [hbm4b:s10+s2], $0x80, v3, vm0, $0xb8;
	[tilespmem:$0x1B000] =	vst v63  }
0x18b: {  	v3 =	vld [tilespmem:$0x780];
	_ =	sdelay $0x4  }
0x18c: {  	v42 =	vperm.xlane v3, v0;
	_ =	sdelay $0x1  }
0x18d: {  	v3 =	vperm.xlane v3, v2;
	v4 =	vadd.s32 v1, v42;
	_ =	sdelay $0x1  }
0x18e: {  	s0 =	sld [smem:$0x7D1];
	v3 =	vadd.s32 v1, v3;
	_ =	sdelay $0x1  }
0x18f: {  	s16 =	sld [smem:$0x7D2]  }
0x190: {  	[tilespmem:s0], [sflag:$0x2] =	stream.indirect_vreg.gather [hbm4b:s10+s2], $0x80, v4, vm0, $0xb8;
	[tilespmem:$0x1B000] =	vst v63  }
0x191: {  	_ = 	snop  }
0x192: {  	[tilespmem:s16], [sflag:$0x2] =	stream.indirect_vreg.gather [hbm4b:s10+s2], $0x80, v3, vm0, $0xb8;
	[tilespmem:$0x1B000] =	vst v63  }
0x193: {  	v3 =	vld [tilespmem:$0x790];
	_ =	sdelay $0x4  }
0x194: {  	v43 =	vperm.xlane v3, v0;
	_ =	sdelay $0x1  }
0x195: {  	v3 =	vperm.xlane v3, v2;
	v4 =	vadd.s32 v1, v43;
	_ =	sdelay $0x1  }
0x196: {  	s0 =	sld [smem:$0x7D3];
	v3 =	vadd.s32 v1, v3;
	_ =	sdelay $0x1  }
0x197: {  	s16 =	sld [smem:$0x7D4]  }
0x198: {  	[tilespmem:s0], [sflag:$0x2] =	stream.indirect_vreg.gather [hbm4b:s10+s2], $0x80, v4, vm0, $0xb8;
	[tilespmem:$0x1B000] =	vst v63  }
0x199: {  	_ = 	snop  }
0x19a: {  	[tilespmem:s16], [sflag:$0x2] =	stream.indirect_vreg.gather [hbm4b:s10+s2], $0x80, v3, vm0, $0xb8;
	[tilespmem:$0x1B000] =	vst v63  }
0x19b: {  	v3 =	vld [tilespmem:$0x800];
	_ =	sdelay $0x4  }
0x19c: {  	v44 =	vperm.xlane v3, v0;
	_ =	sdelay $0x1  }
0x19d: {  	v3 =	vperm.xlane v3, v2;
	v4 =	vadd.s32 v1, v44;
	_ =	sdelay $0x1  }
0x19e: {  	s0 =	sld [smem:$0x7D5];
	v3 =	vadd.s32 v1, v3;
	_ =	sdelay $0x1  }
0x19f: {  	s16 =	sld [smem:$0x7D6]  }
0x1a0: {  	[tilespmem:s0], [sflag:$0x2] =	stream.indirect_vreg.gather [hbm4b:s11+s2], $0x80, v4, vm0, $0xb8;
	[tilespmem:$0x1B000] =	vst v63  }
0x1a1: {  	_ = 	snop  }
0x1a2: {  	[tilespmem:s16], [sflag:$0x2] =	stream.indirect_vreg.gather [hbm4b:s11+s2], $0x80, v3, vm0, $0xb8;
	[tilespmem:$0x1B000] =	vst v63  }
0x1a3: {  	v3 =	vld [tilespmem:$0x810];
	_ =	sdelay $0x4  }
0x1a4: {  	v45 =	vperm.xlane v3, v0;
	_ =	sdelay $0x1  }
0x1a5: {  	v3 =	vperm.xlane v3, v2;
	v4 =	vadd.s32 v1, v45;
	_ =	sdelay $0x1  }
0x1a6: {  	s0 =	sld [smem:$0x7D7];
	v3 =	vadd.s32 v1, v3;
	_ =	sdelay $0x1  }
0x1a7: {  	s16 =	sld [smem:$0x7D8]  }
0x1a8: {  	[tilespmem:s0], [sflag:$0x2] =	stream.indirect_vreg.gather [hbm4b:s11+s2], $0x80, v4, vm0, $0xb8;
	[tilespmem:$0x1B000] =	vst v63  }
0x1a9: {  	_ = 	snop  }
0x1aa: {  	[tilespmem:s16], [sflag:$0x2] =	stream.indirect_vreg.gather [hbm4b:s11+s2], $0x80, v3, vm0, $0xb8;
	[tilespmem:$0x1B000] =	vst v63  }
0x1ab: {  	v3 =	vld [tilespmem:$0x880];
	_ =	sdelay $0x4  }
0x1ac: {  	v46 =	vperm.xlane v3, v0;
	_ =	sdelay $0x1  }
0x1ad: {  	v3 =	vperm.xlane v3, v2;
	v4 =	vadd.s32 v1, v46;
	_ =	sdelay $0x1  }
0x1ae: {  	s0 =	sld [smem:$0x7D9];
	v3 =	vadd.s32 v1, v3;
	_ =	sdelay $0x1  }
0x1af: {  	s16 =	sld [smem:$0x7DA]  }
0x1b0: {  	[tilespmem:s0], [sflag:$0x2] =	stream.indirect_vreg.gather [hbm4b:s11+s2], $0x80, v4, vm0, $0xb8;
	[tilespmem:$0x1B000] =	vst v63  }
0x1b1: {  	_ = 	snop  }
0x1b2: {  	[tilespmem:s16], [sflag:$0x2] =	stream.indirect_vreg.gather [hbm4b:s11+s2], $0x80, v3, vm0, $0xb8;
	[tilespmem:$0x1B000] =	vst v63  }
0x1b3: {  	v3 =	vld [tilespmem:$0x890];
	_ =	sdelay $0x4  }
0x1b4: {  	v47 =	vperm.xlane v3, v0;
	_ =	sdelay $0x1  }
0x1b5: {  	v3 =	vperm.xlane v3, v2;
	v4 =	vadd.s32 v1, v47;
	_ =	sdelay $0x1  }
0x1b6: {  	s0 =	sld [smem:$0x7DB];
	v3 =	vadd.s32 v1, v3;
	_ =	sdelay $0x1  }
0x1b7: {  	s16 =	sld [smem:$0x7DC]  }
0x1b8: {  	[tilespmem:s0], [sflag:$0x2] =	stream.indirect_vreg.gather [hbm4b:s11+s2], $0x80, v4, vm0, $0xb8;
	[tilespmem:$0x1B000] =	vst v63  }
0x1b9: {  	_ = 	snop  }
0x1ba: {  	[tilespmem:s16], [sflag:$0x2] =	stream.indirect_vreg.gather [hbm4b:s11+s2], $0x80, v3, vm0, $0xb8;
	[tilespmem:$0x1B000] =	vst v63  }
0x1bb: {  	v3 =	vld [tilespmem:$0x900];
	_ =	sdelay $0x4  }
0x1bc: {  	v48 =	vperm.xlane v3, v0;
	_ =	sdelay $0x1  }
0x1bd: {  	v3 =	vperm.xlane v3, v2;
	v4 =	vadd.s32 v1, v48;
	_ =	sdelay $0x1  }
0x1be: {  	s0 =	sld [smem:$0x7DD];
	v3 =	vadd.s32 v1, v3;
	_ =	sdelay $0x1  }
0x1bf: {  	s16 =	sld [smem:$0x7DE]  }
0x1c0: {  	[tilespmem:s0], [sflag:$0x2] =	stream.indirect_vreg.gather [hbm4b:s12+s2], $0x80, v4, vm0, $0xb8;
	[tilespmem:$0x1B000] =	vst v63  }
0x1c1: {  	_ = 	snop  }
0x1c2: {  	[tilespmem:s16], [sflag:$0x2] =	stream.indirect_vreg.gather [hbm4b:s12+s2], $0x80, v3, vm0, $0xb8;
	[tilespmem:$0x1B000] =	vst v63  }
0x1c3: {  	v3 =	vld [tilespmem:$0x910];
	_ =	sdelay $0x4  }
0x1c4: {  	v49 =	vperm.xlane v3, v0;
	_ =	sdelay $0x1  }
0x1c5: {  	v3 =	vperm.xlane v3, v2;
	v4 =	vadd.s32 v1, v49;
	_ =	sdelay $0x1  }
0x1c6: {  	s0 =	sld [smem:$0x7DF];
	v3 =	vadd.s32 v1, v3;
	_ =	sdelay $0x1  }
0x1c7: {  	s16 =	sld [smem:$0x7E0]  }
0x1c8: {  	[tilespmem:s0], [sflag:$0x2] =	stream.indirect_vreg.gather [hbm4b:s12+s2], $0x80, v4, vm0, $0xb8;
	[tilespmem:$0x1B000] =	vst v63  }
0x1c9: {  	_ = 	snop  }
0x1ca: {  	[tilespmem:s16], [sflag:$0x2] =	stream.indirect_vreg.gather [hbm4b:s12+s2], $0x80, v3, vm0, $0xb8;
	[tilespmem:$0x1B000] =	vst v63  }
0x1cb: {  	v3 =	vld [tilespmem:$0x980];
	_ =	sdelay $0x4  }
0x1cc: {  	v50 =	vperm.xlane v3, v0;
	_ =	sdelay $0x1  }
0x1cd: {  	v3 =	vperm.xlane v3, v2;
	v4 =	vadd.s32 v1, v50;
	_ =	sdelay $0x1  }
0x1ce: {  	s0 =	sld [smem:$0x7E1];
	v3 =	vadd.s32 v1, v3;
	_ =	sdelay $0x1  }
0x1cf: {  	s16 =	sld [smem:$0x7E2]  }
0x1d0: {  	[tilespmem:s0], [sflag:$0x2] =	stream.indirect_vreg.gather [hbm4b:s12+s2], $0x80, v4, vm0, $0xb8;
	[tilespmem:$0x1B000] =	vst v63  }
0x1d1: {  	_ = 	snop  }
0x1d2: {  	[tilespmem:s16], [sflag:$0x2] =	stream.indirect_vreg.gather [hbm4b:s12+s2], $0x80, v3, vm0, $0xb8;
	[tilespmem:$0x1B000] =	vst v63  }
0x1d3: {  	v3 =	vld [tilespmem:$0x990];
	_ =	sdelay $0x4  }
0x1d4: {  	v51 =	vperm.xlane v3, v0;
	_ =	sdelay $0x1  }
0x1d5: {  	v3 =	vperm.xlane v3, v2;
	v4 =	vadd.s32 v1, v51;
	_ =	sdelay $0x1  }
0x1d6: {  	s0 =	sld [smem:$0x7E3];
	v3 =	vadd.s32 v1, v3;
	_ =	sdelay $0x1  }
0x1d7: {  	s16 =	sld [smem:$0x7E4]  }
0x1d8: {  	[tilespmem:s0], [sflag:$0x2] =	stream.indirect_vreg.gather [hbm4b:s12+s2], $0x80, v4, vm0, $0xb8;
	[tilespmem:$0x1B000] =	vst v63  }
0x1d9: {  	_ = 	snop  }
0x1da: {  	[tilespmem:s16], [sflag:$0x2] =	stream.indirect_vreg.gather [hbm4b:s12+s2], $0x80, v3, vm0, $0xb8;
	[tilespmem:$0x1B000] =	vst v63  }
0x1db: {  	v3 =	vld [tilespmem:$0xA00];
	_ =	sdelay $0x4  }
0x1dc: {  	v52 =	vperm.xlane v3, v0;
	_ =	sdelay $0x1  }
0x1dd: {  	v3 =	vperm.xlane v3, v2;
	v4 =	vadd.s32 v1, v52;
	_ =	sdelay $0x1  }
0x1de: {  	s0 =	sld [smem:$0x7E5];
	v3 =	vadd.s32 v1, v3;
	_ =	sdelay $0x1  }
0x1df: {  	s16 =	sld [smem:$0x7E6]  }
0x1e0: {  	[tilespmem:s0], [sflag:$0x2] =	stream.indirect_vreg.gather [hbm4b:s13+s2], $0x80, v4, vm0, $0xb8;
	[tilespmem:$0x1B000] =	vst v63  }
0x1e1: {  	_ = 	snop  }
0x1e2: {  	[tilespmem:s16], [sflag:$0x2] =	stream.indirect_vreg.gather [hbm4b:s13+s2], $0x80, v3, vm0, $0xb8;
	[tilespmem:$0x1B000] =	vst v63  }
0x1e3: {  	v3 =	vld [tilespmem:$0xA10];
	_ =	sdelay $0x4  }
0x1e4: {  	v53 =	vperm.xlane v3, v0;
	_ =	sdelay $0x1  }
0x1e5: {  	v3 =	vperm.xlane v3, v2;
	v4 =	vadd.s32 v1, v53;
	_ =	sdelay $0x1  }
0x1e6: {  	s0 =	sld [smem:$0x7E7];
	v3 =	vadd.s32 v1, v3;
	_ =	sdelay $0x1  }
0x1e7: {  	s16 =	sld [smem:$0x7E8]  }
0x1e8: {  	[tilespmem:s0], [sflag:$0x2] =	stream.indirect_vreg.gather [hbm4b:s13+s2], $0x80, v4, vm0, $0xb8;
	[tilespmem:$0x1B000] =	vst v63  }
0x1e9: {  	_ = 	snop  }
0x1ea: {  	[tilespmem:s16], [sflag:$0x2] =	stream.indirect_vreg.gather [hbm4b:s13+s2], $0x80, v3, vm0, $0xb8;
	[tilespmem:$0x1B000] =	vst v63  }
0x1eb: {  	v3 =	vld [tilespmem:$0xA80];
	_ =	sdelay $0x4  }
0x1ec: {  	v54 =	vperm.xlane v3, v0;
	_ =	sdelay $0x1  }
0x1ed: {  	v3 =	vperm.xlane v3, v2;
	v4 =	vadd.s32 v1, v54;
	_ =	sdelay $0x1  }
0x1ee: {  	s0 =	sld [smem:$0x7E9];
	v3 =	vadd.s32 v1, v3;
	_ =	sdelay $0x1  }
0x1ef: {  	s16 =	sld [smem:$0x7EA]  }
0x1f0: {  	[tilespmem:s0], [sflag:$0x2] =	stream.indirect_vreg.gather [hbm4b:s13+s2], $0x80, v4, vm0, $0xb8;
	[tilespmem:$0x1B000] =	vst v63  }
0x1f1: {  	_ = 	snop  }
0x1f2: {  	[tilespmem:s16], [sflag:$0x2] =	stream.indirect_vreg.gather [hbm4b:s13+s2], $0x80, v3, vm0, $0xb8;
	[tilespmem:$0x1B000] =	vst v63  }
0x1f3: {  	v3 =	vld [tilespmem:$0xA90];
	_ =	sdelay $0x4  }
0x1f4: {  	v55 =	vperm.xlane v3, v0;
	_ =	sdelay $0x1  }
0x1f5: {  	v3 =	vperm.xlane v3, v2;
	v4 =	vadd.s32 v1, v55;
	_ =	sdelay $0x1  }
0x1f6: {  	s0 =	sld [smem:$0x7EB];
	v3 =	vadd.s32 v1, v3;
	_ =	sdelay $0x1  }
0x1f7: {  	s16 =	sld [smem:$0x7EC]  }
0x1f8: {  	[tilespmem:s0], [sflag:$0x2] =	stream.indirect_vreg.gather [hbm4b:s13+s2], $0x80, v4, vm0, $0xb8;
	[tilespmem:$0x1B000] =	vst v63  }
0x1f9: {  	_ = 	snop  }
0x1fa: {  	[tilespmem:s16], [sflag:$0x2] =	stream.indirect_vreg.gather [hbm4b:s13+s2], $0x80, v3, vm0, $0xb8;
	[tilespmem:$0x1B000] =	vst v63  }
0x1fb: {  	v3 =	vld [tilespmem:$0xB00];
	_ =	sdelay $0x4  }
0x1fc: {  	v56 =	vperm.xlane v3, v0;
	_ =	sdelay $0x1  }
0x1fd: {  	v3 =	vperm.xlane v3, v2;
	v4 =	vadd.s32 v1, v56;
	_ =	sdelay $0x1  }
0x1fe: {  	s0 =	sld [smem:$0x7ED];
	v3 =	vadd.s32 v1, v3;
	_ =	sdelay $0x1  }
0x1ff: {  	s16 =	sld [smem:$0x7EE]  }
0x200: {  	[tilespmem:s0], [sflag:$0x2] =	stream.indirect_vreg.gather [hbm4b:s14+s2], $0x80, v4, vm0, $0xb8;
	[tilespmem:$0x1B000] =	vst v63  }
0x201: {  	_ = 	snop  }
0x202: {  	[tilespmem:s16], [sflag:$0x2] =	stream.indirect_vreg.gather [hbm4b:s14+s2], $0x80, v3, vm0, $0xb8;
	[tilespmem:$0x1B000] =	vst v63  }
0x203: {  	v3 =	vld [tilespmem:$0xB10];
	_ =	sdelay $0x4  }
0x204: {  	v57 =	vperm.xlane v3, v0;
	_ =	sdelay $0x1  }
0x205: {  	v3 =	vperm.xlane v3, v2;
	v4 =	vadd.s32 v1, v57;
	_ =	sdelay $0x1  }
0x206: {  	s0 =	sld [smem:$0x7EF];
	v3 =	vadd.s32 v1, v3;
	_ =	sdelay $0x1  }
0x207: {  	s16 =	sld [smem:$0x7F0]  }
0x208: {  	[tilespmem:s0], [sflag:$0x2] =	stream.indirect_vreg.gather [hbm4b:s14+s2], $0x80, v4, vm0, $0xb8;
	[tilespmem:$0x1B000] =	vst v63  }
0x209: {  	_ = 	snop  }
0x20a: {  	[tilespmem:s16], [sflag:$0x2] =	stream.indirect_vreg.gather [hbm4b:s14+s2], $0x80, v3, vm0, $0xb8;
	[tilespmem:$0x1B000] =	vst v63  }
0x20b: {  	v3 =	vld [tilespmem:$0xB80];
	_ =	sdelay $0x4  }
0x20c: {  	v58 =	vperm.xlane v3, v0;
	_ =	sdelay $0x1  }
0x20d: {  	v3 =	vperm.xlane v3, v2;
	v4 =	vadd.s32 v1, v58;
	_ =	sdelay $0x1  }
0x20e: {  	s0 =	sld [smem:$0x7F2];
	v3 =	vadd.s32 v1, v3;
	_ =	sdelay $0x1  }
0x20f: {  	s16 =	sld [smem:$0x7F3]  }
0x210: {  	[tilespmem:s0], [sflag:$0x2] =	stream.indirect_vreg.gather [hbm4b:s14+s2], $0x80, v4, vm0, $0xb8;
	[tilespmem:$0x1B000] =	vst v63  }
0x211: {  	_ = 	snop  }
0x212: {  	[tilespmem:s16], [sflag:$0x2] =	stream.indirect_vreg.gather [hbm4b:s14+s2], $0x80, v3, vm0, $0xb8;
	[tilespmem:$0x1B000] =	vst v63  }
0x213: {  	v3 =	vld [tilespmem:$0xB90];
	_ =	sdelay $0x4  }
0x214: {  	v59 =	vperm.xlane v3, v0;
	_ =	sdelay $0x1  }
0x215: {  	v3 =	vperm.xlane v3, v2;
	v4 =	vadd.s32 v1, v59;
	_ =	sdelay $0x1  }
0x216: {  	s0 =	sld [smem:$0x7F4];
	v3 =	vadd.s32 v1, v3;
	_ =	sdelay $0x1  }
0x217: {  	s16 =	sld [smem:$0x7F5]  }
0x218: {  	[tilespmem:s0], [sflag:$0x2] =	stream.indirect_vreg.gather [hbm4b:s14+s2], $0x80, v4, vm0, $0xb8;
	[tilespmem:$0x1B000] =	vst v63  }
0x219: {  	_ = 	snop  }
0x21a: {  	[tilespmem:s16], [sflag:$0x2] =	stream.indirect_vreg.gather [hbm4b:s14+s2], $0x80, v3, vm0, $0xb8;
	[tilespmem:$0x1B000] =	vst v63  }
0x21b: {  	v3 =	vld [tilespmem:$0xC00];
	_ =	sdelay $0x4  }
0x21c: {  	v60 =	vperm.xlane v3, v0;
	_ =	sdelay $0x1  }
0x21d: {  	v3 =	vperm.xlane v3, v2;
	v4 =	vadd.s32 v1, v60;
	_ =	sdelay $0x1  }
0x21e: {  	s0 =	sld [smem:$0x7F6];
	v3 =	vadd.s32 v1, v3;
	_ =	sdelay $0x1  }
0x21f: {  	s16 =	sld [smem:$0x7F7]  }
0x220: {  	[tilespmem:s0], [sflag:$0x2] =	stream.indirect_vreg.gather [hbm4b:s15+s2], $0x80, v4, vm0, $0xb8;
	[tilespmem:$0x1B000] =	vst v63  }
0x221: {  	_ = 	snop  }
0x222: {  	[tilespmem:s16], [sflag:$0x2] =	stream.indirect_vreg.gather [hbm4b:s15+s2], $0x80, v3, vm0, $0xb8;
	[tilespmem:$0x1B000] =	vst v63  }
0x223: {  	v3 =	vld [tilespmem:$0xC10];
	_ =	sdelay $0x4  }
0x224: {  	v61 =	vperm.xlane v3, v0;
	_ =	sdelay $0x1  }
0x225: {  	v3 =	vperm.xlane v3, v2;
	v4 =	vadd.s32 v1, v61;
	_ =	sdelay $0x1  }
0x226: {  	s0 =	sld [smem:$0x7F8];
	v3 =	vadd.s32 v1, v3;
	_ =	sdelay $0x1  }
0x227: {  	s16 =	sld [smem:$0x7F9]  }
0x228: {  	[tilespmem:s0], [sflag:$0x2] =	stream.indirect_vreg.gather [hbm4b:s15+s2], $0x80, v4, vm0, $0xb8;
	[tilespmem:$0x1B000] =	vst v63  }
0x229: {  	_ = 	snop  }
0x22a: {  	[tilespmem:s16], [sflag:$0x2] =	stream.indirect_vreg.gather [hbm4b:s15+s2], $0x80, v3, vm0, $0xb8;
	[tilespmem:$0x1B000] =	vst v63  }
0x22b: {  	v3 =	vld [tilespmem:$0xC80];
	_ =	sdelay $0x4  }
0x22c: {  	v62 =	vperm.xlane v3, v0;
	_ =	sdelay $0x1  }
0x22d: {  	v3 =	vperm.xlane v3, v2;
	v4 =	vadd.s32 v1, v62;
	_ =	sdelay $0x1  }
0x22e: {  	s0 =	sld [smem:$0x7FA];
	v3 =	vadd.s32 v1, v3;
	_ =	sdelay $0x1  }
0x22f: {  	s16 =	sld [smem:$0x7FB]  }
0x230: {  	[tilespmem:s0], [sflag:$0x2] =	stream.indirect_vreg.gather [hbm4b:s15+s2], $0x80, v4, vm0, $0xb8;
	[tilespmem:$0x1B000] =	vst v63  }
0x231: {  	_ = 	snop  }
0x232: {  	[tilespmem:s16], [sflag:$0x2] =	stream.indirect_vreg.gather [hbm4b:s15+s2], $0x80, v3, vm0, $0xb8;
	[tilespmem:$0x1B000] =	vst v63  }
0x233: {  	v3 =	vld [tilespmem:$0xC90];
	_ =	sdelay $0x4  }
0x234: {  	v63 =	vperm.xlane v3, v0;
	_ =	sdelay $0x1  }
0x235: {  	v3 =	vperm.xlane v3, v2;
	v4 =	vadd.s32 v1, v63;
	_ =	sdelay $0x1  }
0x236: {  	s0 =	sld [smem:$0x7FC];
	v3 =	vadd.s32 v1, v3;
	_ =	sdelay $0x1  }
0x237: {  	s16 =	sld [smem:$0x7FD]  }
0x238: {  	[tilespmem:s0], [sflag:$0x2] =	stream.indirect_vreg.gather [hbm4b:s15+s2], $0x80, v4, vm0, $0xb8;
	[tilespmem:$0x1B000] =	vst v63  }
0x239: {  	_ = 	snop  }
0x23a: {  	[tilespmem:s16], [sflag:$0x2] =	stream.indirect_vreg.gather [hbm4b:s15+s2], $0x80, v3, vm0, $0xb8;
	[tilespmem:$0x1B000] =	vst v63  }
0x23b: {  	_ =	swait.ge [sflag:s23], $0x1000  }
0x23c: {  	[sflag:s23] =	ssyncset.done $0x0  }
0x23d: {  	[sflag:s23] =	ssyncadd.s32 $0xFFFFF000  }
0x23e: {  	_ =	swait.ge [sflag:s23], $0x1000  }
0x23f: {  	[sflag:s23] =	ssyncset.done $0x0  }
0x240: {  	[sflag:s23] =	ssyncadd.s32 $0xFFFFF000  }
0x241: {  	_ =	swait.ge [sflag:s23], $0x1000  }
0x242: {  	[sflag:s23] =	ssyncset.done $0x0  }
0x243: {  	[sflag:s23] =	ssyncadd.s32 $0xFFFFF000  }
0x244: {  	_ =	swait.ge [sflag:s23], $0x1000  }
0x245: {  	[sflag:s23] =	ssyncset.done $0x0  }
0x246: {  	[sflag:s23] =	ssyncadd.s32 $0xFFFFF000  }
0x247: {  	_ =	swait.ge [sflag:s23], $0x1000  }
0x248: {  	[sflag:s23] =	ssyncset.done $0x0  }
0x249: {  	[sflag:s23] =	ssyncadd.s32 $0xFFFFF000  }
0x24a: {  	_ =	swait.ge [sflag:s23], $0x1000  }
0x24b: {  	[sflag:s23] =	ssyncset.done $0x0  }
0x24c: {  	[sflag:s23] =	ssyncadd.s32 $0xFFFFF000  }
0x24d: {  	_ =	swait.ge [sflag:s23], $0x1000  }
0x24e: {  	[sflag:s23] =	ssyncset.done $0x0  }
0x24f: {  	[sflag:s23] =	ssyncadd.s32 $0xFFFFF000  }
0x250: {  	_ =	swait.ge [sflag:s23], $0x1000  }
0x251: {  	[sflag:s23] =	ssyncset.done $0x0  }
0x252: {  	[sflag:s23] =	ssyncadd.s32 $0xFFFFF000  }
0x253: {  	_ =	swait.ge [sflag:s23], $0x1000  }
0x254: {  	[sflag:s23] =	ssyncset.done $0x0  }
0x255: {  	[sflag:s23] =	ssyncadd.s32 $0xFFFFF000  }
0x256: {  	_ =	swait.ge [sflag:s23], $0x1000  }
0x257: {  	[sflag:s23] =	ssyncset.done $0x0  }
0x258: {  	[sflag:s23] =	ssyncadd.s32 $0xFFFFF000  }
0x259: {  	_ =	swait.ge [sflag:s23], $0x1000  }
0x25a: {  	[sflag:s23] =	ssyncset.done $0x0  }
0x25b: {  	[sflag:s23] =	ssyncadd.s32 $0xFFFFF000  }
0x25c: {  	_ =	swait.ge [sflag:s23], $0x1000  }
0x25d: {  	[sflag:s23] =	ssyncset.done $0x0  }
0x25e: {  	[sflag:s23] =	ssyncadd.s32 $0xFFFFF000  }
0x25f: {  	_ =	swait.ge [sflag:s23], $0x1000  }
0x260: {  	s16 =	rddreg [dreg:$0x3];
	[sflag:s23] =	ssyncset.done $0x0  }
0x261: {  	[sflag:s23] =	ssyncadd.s32 $0xFFFFF000;
	s0 =	sadd.s32 s1, s16;
	s1 =	sadd.s32 $0x3400, s1  }
0x262: {  	[hbm4b:s0+s2] =	stream.linear.scatter [tilespmem:s24], [sflag:$0x3], $0x3400, $0x38;
	[tilespmem:$0x1B000] =	vst v63  }
0x263: {  	s16 =	sadd.s32 $0xD00, s0;
	p0 =	sne.s32 s1, $0x34000  }
0x264: {  	[hbm4b:s16+s2] =	stream.linear.scatter [tilespmem:s25], [sflag:$0x3], $0x3400, $0x38;
	[tilespmem:$0x1B000] =	vst v63  }
.Ltmp0:
0x265: {  	_ = 	snop;
	(pc) =	sbr.rel @p0 .LBB2_2-.Ltmp0, $4  }
0x266: {  	s16 =	sadd.s32 $0x1A00, s0  }
0x267: {  	[hbm4b:s16+s2] =	stream.linear.scatter [tilespmem:s26], [sflag:$0x3], $0x3400, $0x38;
	[tilespmem:$0x1B000] =	vst v63  }
0x268: {  	s31 =	sadd.s32 $0x200, s31;
	s0 =	sadd.s32 $0x2700, s0  }
0x269: {  	[hbm4b:s0+s2] =	stream.linear.scatter [tilespmem:s28], [sflag:$0x3], $0x3400, $0x38;
	[tilespmem:$0x1B000] =	vst v63  }
0x26a: {  	_ =	swait.ge [sflag:s29], $0xD000  }
0x26b: {  	[sflag:s29] =	ssyncset.done $0x0  }
0x26c: {  	[sflag:s29] =	ssyncadd.s32 $0xFFFF3000  }
0x26d: {  	_ =	swait.ge [sflag:s29], $0xD000  }
0x26e: {  	s0 =	sld [smem:$0x7F1];
	_ =	sdelay $0x1  }
0x26f: {  	s30 =	sadd.s32 $0x1, s30  }
0x270: {  	p0 =	sne.s32 s30, s0  }
.Ltmp1:
0x271: {  	_ = 	snop;
	(pc) =	sbr.rel @p0 .LBB2_1-.Ltmp1, $3  }
0x272: {  	_ =	sdelay $0x1  }
0x273: {  	[sflag:s29] =	ssyncset.done $0x0  }
0x274: {  	[sflag:s29] =	ssyncadd.s32 $0xFFFF3000  }
0x275: {  	_ =	sfence.sel $0x180000  }
0x276: {  	[bflag:$0x0] =	sbarrier.arrive $0xFFFF  }
0x277: {  	_ =	strace $0x90000047  }
0x278: {  	s0 =	stileid.u32;
	[bflag:$0x2] =	sbarrier.arrive $0xFFFF  }
0x279: {  	p0 =	sne.s32 s0, $0x0;
	s0 =	rddreg [dreg:$0x1]  }
0x27a: {  	s0 =	sadd.s32 @!p0 $0x100000, s0  }
0x27b: {  	[sflag:s0] =	ssyncadd.tile.s32 @!p0 $0x1;
	_ =	shalt  }
.Lfunc_end2:
_tile_overlayer_lowered:
.L_overlay_start_2:
0x27c: {  	(tag) =	ssettag $0x2  }
0x27d: {  	s0 =	rddreg [dreg:$0x0];
	s2 =	stileid.u32  }
0x27e: {  	s1 =	rddreg [dreg:$0x1];
	p0 =	sne.s32 s2, $0x0  }
0x27f: {  	s3 =	rddreg [dreg:$0x2];
	[bflag:$0x3] =	sbarrier.arrive $0xFFFF;
	s2 =	simm.s32 @!p0 $0x1C04  }
0x280: {  	[timem:s3], [sflag:s2] =	dma.local @!p0 [hbm:s0], s1  }
0x281: {  	s0 =	simm.s32 @!p0 $0x4  }
0x282: {  	_ =	swait.ge @!p0 [sflag:s0], s1  }
0x283: {  	s1 =	ssub.s32 @!p0 $0x0, s1;
	[sflag:s0] =	ssyncset.done @!p0 $0x0  }
0x284: {  	[sflag:s0] =	ssyncadd.s32 @!p0 s1  }
0x285: {  	[bflag:$0x3] =	sbarrier.arrive $0xFFFF  }
0x286: {  	_ =	shalt  }

</sc_bundles>
